<compile_context>
chip_gen: v7x
topology: tpu7x:2x2x1
jax: 0.10.2.dev20260603
libtpu: 0.0.44.dev20260713+nightly
codegen_flags: <defaults>
</compile_context>

<pallas_src>
import jax
import jax.numpy as jnp
from jax import lax
from jax.experimental import pallas as pl
from jax.experimental.pallas import tpu as pltpu
from jax.experimental.pallas import tpu_sc as plsc

S = 2048
D = 1024
NW = 32
RPW = S // NW
CRK = 16
NCH = RPW // CRK
L = 16


def _sc_body(bos_hbm, idx_hbm, embeds_hbm, speech_hbm, pos_hbm, out_hbm,
             buf0, buf1, buf2, tokbuf, ixbuf, row_s, row_p, row_i,
             rsem, wsem, gsem_t, gsem_i, gsem_s, gsem_p):
    cid = lax.axis_index("c")
    sid = lax.axis_index("s")
    wid = sid * 2 + cid
    r0 = wid * RPW
    bufs = (buf0, buf1, buf2)
    is_bos = sid == 0

    @pl.when(is_bos)
    def _bos_fetch():
        pltpu.async_copy(bos_hbm, tokbuf, gsem_t)
        pltpu.async_copy(idx_hbm, ixbuf, gsem_i)

    def rd(c, k, b):
        return pltpu.async_copy(
            embeds_hbm.at[b, pl.ds(r0 + c * CRK, CRK), :],
            bufs[k].at[b], rsem.at[k, b])

    def wr(c, k):
        w0 = pltpu.async_copy(
            bufs[k].at[0], out_hbm.at[pl.ds(r0 + c * CRK, CRK), 0, :],
            wsem.at[k, 0])
        w1 = pltpu.async_copy(
            bufs[k].at[1], out_hbm.at[pl.ds(r0 + c * CRK, CRK), 1, :],
            wsem.at[k, 1])
        return (w0, w1)

    reads = {}
    for c in (0, 1, 2):
        for b in (0, 1):
            reads[(c, b)] = rd(c, c, b)

    @pl.when(is_bos)
    def _bos_gather():
        pltpu.make_async_copy(bos_hbm, tokbuf, gsem_t).wait()
        pltpu.make_async_copy(idx_hbm, ixbuf, gsem_i).wait()
        pltpu.async_copy(speech_hbm.at[tokbuf], row_s, gsem_s)
        pltpu.async_copy(pos_hbm.at[ixbuf], row_p, gsem_p)

    writes = [None] * NCH
    for c in range(NCH):
        k = c % 3
        if c >= 3:
            writes[c - 3][0].wait()
            writes[c - 3][1].wait()
            for b in (0, 1):
                reads[(c, b)] = rd(c, k, b)
        reads[(c, 0)].wait()
        reads[(c, 1)].wait()
        writes[c] = wr(c, k)

    @pl.when(is_bos)
    def _bos_write():
        pltpu.make_async_copy(speech_hbm.at[tokbuf], row_s, gsem_s).wait()
        pltpu.make_async_copy(pos_hbm.at[ixbuf], row_p, gsem_p).wait()
        for i in range(D // L):
            sl = pl.ds(i * L, L)
            row_i[0, 0, sl] = row_s[0, sl] + row_p[0, sl]
        pltpu.sync_copy(
            row_i, out_hbm.at[pl.ds(S, 1), pl.ds(cid, 1), :])

    for c in range(NCH - 3, NCH):
        writes[c][0].wait()
        writes[c][1].wait()


def kernel(bos_token, embeds, idx, speech_emb, pos_emb):
    mesh = plsc.VectorSubcoreMesh(core_axis_name="c", subcore_axis_name="s")
    sc_call = pl.kernel(
        _sc_body,
        mesh=mesh,
        out_type=jax.ShapeDtypeStruct((S + 1, 2, D), jnp.float32),
        scratch_types=[
            pltpu.VMEM((2, CRK, D), jnp.float32),
            pltpu.VMEM((2, CRK, D), jnp.float32),
            pltpu.VMEM((2, CRK, D), jnp.float32),
            pltpu.VMEM((1,), jnp.int32),
            pltpu.VMEM((1,), jnp.int32),
            pltpu.VMEM((1, D), jnp.float32),
            pltpu.VMEM((1, D), jnp.float32),
            pltpu.VMEM((1, 1, D), jnp.float32),
            pltpu.SemaphoreType.DMA((3, 2)),
            pltpu.SemaphoreType.DMA((3, 2)),
            pltpu.SemaphoreType.DMA,
            pltpu.SemaphoreType.DMA,
            pltpu.SemaphoreType.DMA,
            pltpu.SemaphoreType.DMA,
        ],
    )
    out_t = sc_call(bos_token.reshape(1), idx, embeds, speech_emb, pos_emb)
    return jnp.transpose(out_t, (1, 0, 2))

# --- scband reference (transcript-rebuilt; emitter-appended) ---
"""Pipeline reference for scband-speech-encoder-16930761081114 (READ-ONLY COPY).

The authoritative reference and input builder live on the scoring server;
editing this copy changes nothing except your own understanding.
"""

import jax, jax.numpy as jnp
import numpy as np

SPEECH_VOCAB = 8194
D_MODEL = 1024
MAX_POS = 4096


def setup_inputs(seed: int = 0) -> dict:
    key = jax.random.key(seed)
    k1, k2, k3, k4, k5 = jax.random.split(key, 5)
    bos_token = jax.random.randint(k1, (1, 1), 0, SPEECH_VOCAB, dtype=jnp.int64 if jax.config.jax_enable_x64 else jnp.int32).astype(jnp.int32)
    embeds = jax.random.normal(k2, (2, 2048, D_MODEL), dtype=jnp.float32)
    idx = jax.random.randint(k3, (1,), 0, MAX_POS).astype(jnp.int32)
    speech_emb = jax.random.normal(k4, (SPEECH_VOCAB, D_MODEL), dtype=jnp.float32) * 0.02
    pos_emb = jax.random.normal(k5, (MAX_POS, D_MODEL), dtype=jnp.float32) * 0.02
    return {"bos_token": bos_token, "embeds": embeds, "idx": idx, "speech_emb": speech_emb, "pos_emb": pos_emb}


def reference(bos_token, embeds, idx, speech_emb, pos_emb):
    # bos_embed = self.speech_emb(bos_token)  -> gather
    bos_embed = jnp.take(speech_emb, bos_token, axis=0)  # [1, 1, d]
    # idx = torch.atleast_2d(idx); pos lookup
    idx2 = jnp.atleast_2d(idx)  # [1, 1]
    pos = jnp.take(pos_emb, idx2, axis=0)  # [1, 1, d]
    bos_embed = bos_embed + pos
    # duplicate along batch (CFG-style 2-way)
    bos_embed = jnp.concatenate([bos_embed, bos_embed], axis=0)  # [2, 1, d]
    inputs_embeds = jnp.concatenate([embeds, bos_embed], axis=1)  # [2, S+1, d]
    return inputs_embeds

if __name__ == "__main__":
    import jax
    _d = setup_inputs()
    print(jax.jit(kernel)(*tuple(_d.values())))

</pallas_src>

<mosaic_0001>
#map = affine_map<(d0, d1) -> (0)>
#map1 = affine_map<(d0, d1) -> (0, 0, 0)>
#map2 = affine_map<(d0, d1) -> (0, 0)>
module attributes {stable_mosaic.version = 14 : i64} {
  func.func @_sc_body(%arg0: i32, %arg1: i32, %arg2: memref<1xi32, #tpu.memory_space<hbm>>, %arg3: memref<1xi32, #tpu.memory_space<hbm>>, %arg4: memref<2x2048x1024xf32, #tpu.memory_space<hbm>>, %arg5: memref<8194x1024xf32, #tpu.memory_space<hbm>>, %arg6: memref<4096x1024xf32, #tpu.memory_space<hbm>>, %arg7: memref<2049x2x1024xf32, #tpu.memory_space<hbm>>, %arg8: memref<2x16x1024xf32, #tpu.memory_space<vmem>>, %arg9: memref<2x16x1024xf32, #tpu.memory_space<vmem>>, %arg10: memref<2x16x1024xf32, #tpu.memory_space<vmem>>, %arg11: memref<1xi32, #tpu.memory_space<vmem>>, %arg12: memref<1xi32, #tpu.memory_space<vmem>>, %arg13: memref<1x1024xf32, #tpu.memory_space<vmem>>, %arg14: memref<1x1024xf32, #tpu.memory_space<vmem>>, %arg15: memref<1x1x1024xf32, #tpu.memory_space<vmem>>, %arg16: memref<3x2x!tpu.dma_semaphore, #tpu.memory_space<semaphore_mem>>, %arg17: memref<3x2x!tpu.dma_semaphore, #tpu.memory_space<semaphore_mem>>, %arg18: memref<!tpu.dma_semaphore, #tpu.memory_space<semaphore_mem>>, %arg19: memref<!tpu.dma_semaphore, #tpu.memory_space<semaphore_mem>>, %arg20: memref<!tpu.dma_semaphore, #tpu.memory_space<semaphore_mem>>, %arg21: memref<!tpu.dma_semaphore, #tpu.memory_space<semaphore_mem>>) attributes {dimension_semantics = [#tpu.dimension_semantics<core_parallel>, #tpu.dimension_semantics<subcore_parallel>], iteration_bounds = array<i64: 2, 16>, scalar_prefetch = 0 : i64, scratch_operands = 14 : i64, tpu.core_type = #tpu.core_type<sc_vector_subcore>, window_params = [{transform_indices = #map}, {transform_indices = #map}, {transform_indices = #map1}, {transform_indices = #map2}, {transform_indices = #map2}, {transform_indices = #map1}]} {
    %mul3A = arith.constant 2 : i32
    %mul3A_0 = arith.muli %arg1, %mul3A : i32
    %add3A = arith.addi %mul3A_0, %arg0 : i32
    %mul3A_1 = arith.constant 64 : i32
    %mul3A_2 = arith.muli %add3A, %mul3A_1 : i32
    %eq3A = arith.constant 0 : i32
    %eq3A_3 = arith.cmpi eq, %arg1, %eq3A : i32
    %convert_element_type3A = arith.extui %eq3A_3 : i1 to i32
    %cond3A = arith.constant 0 : i32
    %cond3A_4 = arith.cmpi ne, %convert_element_type3A, %cond3A : i32
    scf.if %cond3A_4 {
      tpu.enqueue_dma source(%arg2 : memref<1xi32, #tpu.memory_space<hbm>>) target(%arg11 : memref<1xi32, #tpu.memory_space<vmem>>) target_semaphore(%arg18 : memref<!tpu.dma_semaphore, #tpu.memory_space<semaphore_mem>>)
      tpu.enqueue_dma source(%arg3 : memref<1xi32, #tpu.memory_space<hbm>>) target(%arg12 : memref<1xi32, #tpu.memory_space<vmem>>) target_semaphore(%arg19 : memref<!tpu.dma_semaphore, #tpu.memory_space<semaphore_mem>>)
    } else {
    }
    %add3A_5 = arith.constant 0 : i32
    %add3A_6 = arith.addi %mul3A_2, %add3A_5 : i32
    %dma_start3A = arith.constant 0 : i32
    %dma_start3A_7 = arith.constant 0 : i32
    %dma_start3A_8 = arith.constant 0 : i32
    %dma_start3A_9 = arith.constant 0 : i32
    %dma_start3A_10 = arith.constant 0 : i32
    %dma_start3A_11 = arith.constant 0 : i32
    %dma_start3A_12 = tpu.memref_slice %arg8[%dma_start3A_7, %dma_start3A_10, %dma_start3A_11] : memref<2x16x1024xf32, #tpu.memory_space<vmem>> -> memref<1x16x1024xf32, #tpu.memory_space<vmem>>
    %dma_start3A_13 = tpu.memref_squeeze %dma_start3A_12 : memref<1x16x1024xf32, #tpu.memory_space<vmem>> -> memref<16x1024xf32, #tpu.memory_space<vmem>>
    %dma_start3A_14 = arith.constant 0 : i32
    %dma_start3A_15 = tpu.memref_slice %arg4[%dma_start3A, %add3A_6, %dma_start3A_14] : memref<2x2048x1024xf32, #tpu.memory_space<hbm>> -> memref<1x16x1024xf32, #tpu.memory_space<hbm>>
    %dma_start3A_16 = tpu.memref_squeeze %dma_start3A_15 : memref<1x16x1024xf32, #tpu.memory_space<hbm>> -> memref<16x1024xf32, #tpu.memory_space<hbm>>
    %dma_start3A_17 = tpu.memref_slice %arg16[%dma_start3A_8, %dma_start3A_9] : memref<3x2x!tpu.dma_semaphore, #tpu.memory_space<semaphore_mem>> -> memref<1x1x!tpu.dma_semaphore, #tpu.memory_space<semaphore_mem>>
    %dma_start3A_18 = tpu.memref_squeeze %dma_start3A_17 : memref<1x1x!tpu.dma_semaphore, #tpu.memory_space<semaphore_mem>> -> memref<!tpu.dma_semaphore, #tpu.memory_space<semaphore_mem>>
    %dma_start3A_19 = arith.constant 0 : i32
    %dma_start3A_20 = arith.constant 0 : i32
    %dma_start3A_21 = tpu.memref_slice %arg8[%dma_start3A_7, %dma_start3A_19, %dma_start3A_20] : memref<2x16x1024xf32, #tpu.memory_space<vmem>> -> memref<1x16x1024xf32, #tpu.memory_space<vmem>>
    %dma_start3A_22 = tpu.memref_squeeze %dma_start3A_21 : memref<1x16x1024xf32, #tpu.memory_space<vmem>> -> memref<16x1024xf32, #tpu.memory_space<vmem>>
    %dma_start3A_23 = arith.constant 0 : i32
    %dma_start3A_24 = tpu.memref_slice %arg4[%dma_start3A, %add3A_6, %dma_start3A_23] : memref<2x2048x1024xf32, #tpu.memory_space<hbm>> -> memref<1x16x1024xf32, #tpu.memory_space<hbm>>
    %dma_start3A_25 = tpu.memref_squeeze %dma_start3A_24 : memref<1x16x1024xf32, #tpu.memory_space<hbm>> -> memref<16x1024xf32, #tpu.memory_space<hbm>>
    tpu.enqueue_dma source(%dma_start3A_25 : memref<16x1024xf32, #tpu.memory_space<hbm>>) target(%dma_start3A_22 : memref<16x1024xf32, #tpu.memory_space<vmem>>) target_semaphore(%dma_start3A_18 : memref<!tpu.dma_semaphore, #tpu.memory_space<semaphore_mem>>)
    %add3A_26 = arith.constant 0 : i32
    %add3A_27 = arith.addi %mul3A_2, %add3A_26 : i32
    %dma_start3A_28 = arith.constant 1 : i32
    %dma_start3A_29 = arith.constant 1 : i32
    %dma_start3A_30 = arith.constant 0 : i32
    %dma_start3A_31 = arith.constant 1 : i32
    %dma_start3A_32 = arith.constant 0 : i32
    %dma_start3A_33 = arith.constant 0 : i32
    %dma_start3A_34 = tpu.memref_slice %arg8[%dma_start3A_29, %dma_start3A_32, %dma_start3A_33] : memref<2x16x1024xf32, #tpu.memory_space<vmem>> -> memref<1x16x1024xf32, #tpu.memory_space<vmem>>
    %dma_start3A_35 = tpu.memref_squeeze %dma_start3A_34 : memref<1x16x1024xf32, #tpu.memory_space<vmem>> -> memref<16x1024xf32, #tpu.memory_space<vmem>>
    %dma_start3A_36 = arith.constant 0 : i32
    %dma_start3A_37 = tpu.memref_slice %arg4[%dma_start3A_28, %add3A_27, %dma_start3A_36] : memref<2x2048x1024xf32, #tpu.memory_space<hbm>> -> memref<1x16x1024xf32, #tpu.memory_space<hbm>>
    %dma_start3A_38 = tpu.memref_squeeze %dma_start3A_37 : memref<1x16x1024xf32, #tpu.memory_space<hbm>> -> memref<16x1024xf32, #tpu.memory_space<hbm>>
    %dma_start3A_39 = tpu.memref_slice %arg16[%dma_start3A_30, %dma_start3A_31] : memref<3x2x!tpu.dma_semaphore, #tpu.memory_space<semaphore_mem>> -> memref<1x1x!tpu.dma_semaphore, #tpu.memory_space<semaphore_mem>>
    %dma_start3A_40 = tpu.memref_squeeze %dma_start3A_39 : memref<1x1x!tpu.dma_semaphore, #tpu.memory_space<semaphore_mem>> -> memref<!tpu.dma_semaphore, #tpu.memory_space<semaphore_mem>>
    %dma_start3A_41 = arith.constant 0 : i32
    %dma_start3A_42 = arith.constant 0 : i32
    %dma_start3A_43 = tpu.memref_slice %arg8[%dma_start3A_29, %dma_start3A_41, %dma_start3A_42] : memref<2x16x1024xf32, #tpu.memory_space<vmem>> -> memref<1x16x1024xf32, #tpu.memory_space<vmem>>
    %dma_start3A_44 = tpu.memref_squeeze %dma_start3A_43 : memref<1x16x1024xf32, #tpu.memory_space<vmem>> -> memref<16x1024xf32, #tpu.memory_space<vmem>>
    %dma_start3A_45 = arith.constant 0 : i32
    %dma_start3A_46 = tpu.memref_slice %arg4[%dma_start3A_28, %add3A_27, %dma_start3A_45] : memref<2x2048x1024xf32, #tpu.memory_space<hbm>> -> memref<1x16x1024xf32, #tpu.memory_space<hbm>>
    %dma_start3A_47 = tpu.memref_squeeze %dma_start3A_46 : memref<1x16x1024xf32, #tpu.memory_space<hbm>> -> memref<16x1024xf32, #tpu.memory_space<hbm>>
    tpu.enqueue_dma source(%dma_start3A_47 : memref<16x1024xf32, #tpu.memory_space<hbm>>) target(%dma_start3A_44 : memref<16x1024xf32, #tpu.memory_space<vmem>>) target_semaphore(%dma_start3A_40 : memref<!tpu.dma_semaphore, #tpu.memory_space<semaphore_mem>>)
    %add3A_48 = arith.constant 16 : i32
    %add3A_49 = arith.addi %mul3A_2, %add3A_48 : i32
    %dma_start3A_50 = arith.constant 0 : i32
    %dma_start3A_51 = arith.constant 0 : i32
    %dma_start3A_52 = arith.constant 1 : i32
    %dma_start3A_53 = arith.constant 0 : i32
    %dma_start3A_54 = arith.constant 0 : i32
    %dma_start3A_55 = arith.constant 0 : i32
    %dma_start3A_56 = tpu.memref_slice %arg9[%dma_start3A_51, %dma_start3A_54, %dma_start3A_55] : memref<2x16x1024xf32, #tpu.memory_space<vmem>> -> memref<1x16x1024xf32, #tpu.memory_space<vmem>>
    %dma_start3A_57 = tpu.memref_squeeze %dma_start3A_56 : memref<1x16x1024xf32, #tpu.memory_space<vmem>> -> memref<16x1024xf32, #tpu.memory_space<vmem>>
    %dma_start3A_58 = arith.constant 0 : i32
    %dma_start3A_59 = tpu.memref_slice %arg4[%dma_start3A_50, %add3A_49, %dma_start3A_58] : memref<2x2048x1024xf32, #tpu.memory_space<hbm>> -> memref<1x16x1024xf32, #tpu.memory_space<hbm>>
    %dma_start3A_60 = tpu.memref_squeeze %dma_start3A_59 : memref<1x16x1024xf32, #tpu.memory_space<hbm>> -> memref<16x1024xf32, #tpu.memory_space<hbm>>
    %dma_start3A_61 = tpu.memref_slice %arg16[%dma_start3A_52, %dma_start3A_53] : memref<3x2x!tpu.dma_semaphore, #tpu.memory_space<semaphore_mem>> -> memref<1x1x!tpu.dma_semaphore, #tpu.memory_space<semaphore_mem>>
    %dma_start3A_62 = tpu.memref_squeeze %dma_start3A_61 : memref<1x1x!tpu.dma_semaphore, #tpu.memory_space<semaphore_mem>> -> memref<!tpu.dma_semaphore, #tpu.memory_space<semaphore_mem>>
    %dma_start3A_63 = arith.constant 0 : i32
    %dma_start3A_64 = arith.constant 0 : i32
    %dma_start3A_65 = tpu.memref_slice %arg9[%dma_start3A_51, %dma_start3A_63, %dma_start3A_64] : memref<2x16x1024xf32, #tpu.memory_space<vmem>> -> memref<1x16x1024xf32, #tpu.memory_space<vmem>>
    %dma_start3A_66 = tpu.memref_squeeze %dma_start3A_65 : memref<1x16x1024xf32, #tpu.memory_space<vmem>> -> memref<16x1024xf32, #tpu.memory_space<vmem>>
    %dma_start3A_67 = arith.constant 0 : i32
    %dma_start3A_68 = tpu.memref_slice %arg4[%dma_start3A_50, %add3A_49, %dma_start3A_67] : memref<2x2048x1024xf32, #tpu.memory_space<hbm>> -> memref<1x16x1024xf32, #tpu.memory_space<hbm>>
    %dma_start3A_69 = tpu.memref_squeeze %dma_start3A_68 : memref<1x16x1024xf32, #tpu.memory_space<hbm>> -> memref<16x1024xf32, #tpu.memory_space<hbm>>
    tpu.enqueue_dma source(%dma_start3A_69 : memref<16x1024xf32, #tpu.memory_space<hbm>>) target(%dma_start3A_66 : memref<16x1024xf32, #tpu.memory_space<vmem>>) target_semaphore(%dma_start3A_62 : memref<!tpu.dma_semaphore, #tpu.memory_space<semaphore_mem>>)
    %add3A_70 = arith.constant 16 : i32
    %add3A_71 = arith.addi %mul3A_2, %add3A_70 : i32
    %dma_start3A_72 = arith.constant 1 : i32
    %dma_start3A_73 = arith.constant 1 : i32
    %dma_start3A_74 = arith.constant 1 : i32
    %dma_start3A_75 = arith.constant 1 : i32
    %dma_start3A_76 = arith.constant 0 : i32
    %dma_start3A_77 = arith.constant 0 : i32
    %dma_start3A_78 = tpu.memref_slice %arg9[%dma_start3A_73, %dma_start3A_76, %dma_start3A_77] : memref<2x16x1024xf32, #tpu.memory_space<vmem>> -> memref<1x16x1024xf32, #tpu.memory_space<vmem>>
    %dma_start3A_79 = tpu.memref_squeeze %dma_start3A_78 : memref<1x16x1024xf32, #tpu.memory_space<vmem>> -> memref<16x1024xf32, #tpu.memory_space<vmem>>
    %dma_start3A_80 = arith.constant 0 : i32
    %dma_start3A_81 = tpu.memref_slice %arg4[%dma_start3A_72, %add3A_71, %dma_start3A_80] : memref<2x2048x1024xf32, #tpu.memory_space<hbm>> -> memref<1x16x1024xf32, #tpu.memory_space<hbm>>
    %dma_start3A_82 = tpu.memref_squeeze %dma_start3A_81 : memref<1x16x1024xf32, #tpu.memory_space<hbm>> -> memref<16x1024xf32, #tpu.memory_space<hbm>>
    %dma_start3A_83 = tpu.memref_slice %arg16[%dma_start3A_74, %dma_start3A_75] : memref<3x2x!tpu.dma_semaphore, #tpu.memory_space<semaphore_mem>> -> memref<1x1x!tpu.dma_semaphore, #tpu.memory_space<semaphore_mem>>
    %dma_start3A_84 = tpu.memref_squeeze %dma_start3A_83 : memref<1x1x!tpu.dma_semaphore, #tpu.memory_space<semaphore_mem>> -> memref<!tpu.dma_semaphore, #tpu.memory_space<semaphore_mem>>
    %dma_start3A_85 = arith.constant 0 : i32
    %dma_start3A_86 = arith.constant 0 : i32
    %dma_start3A_87 = tpu.memref_slice %arg9[%dma_start3A_73, %dma_start3A_85, %dma_start3A_86] : memref<2x16x1024xf32, #tpu.memory_space<vmem>> -> memref<1x16x1024xf32, #tpu.memory_space<vmem>>
    %dma_start3A_88 = tpu.memref_squeeze %dma_start3A_87 : memref<1x16x1024xf32, #tpu.memory_space<vmem>> -> memref<16x1024xf32, #tpu.memory_space<vmem>>
    %dma_start3A_89 = arith.constant 0 : i32
    %dma_start3A_90 = tpu.memref_slice %arg4[%dma_start3A_72, %add3A_71, %dma_start3A_89] : memref<2x2048x1024xf32, #tpu.memory_space<hbm>> -> memref<1x16x1024xf32, #tpu.memory_space<hbm>>
    %dma_start3A_91 = tpu.memref_squeeze %dma_start3A_90 : memref<1x16x1024xf32, #tpu.memory_space<hbm>> -> memref<16x1024xf32, #tpu.memory_space<hbm>>
    tpu.enqueue_dma source(%dma_start3A_91 : memref<16x1024xf32, #tpu.memory_space<hbm>>) target(%dma_start3A_88 : memref<16x1024xf32, #tpu.memory_space<vmem>>) target_semaphore(%dma_start3A_84 : memref<!tpu.dma_semaphore, #tpu.memory_space<semaphore_mem>>)
    %add3A_92 = arith.constant 32 : i32
    %add3A_93 = arith.addi %mul3A_2, %add3A_92 : i32
    %dma_start3A_94 = arith.constant 0 : i32
    %dma_start3A_95 = arith.constant 0 : i32
    %dma_start3A_96 = arith.constant 2 : i32
    %dma_start3A_97 = arith.constant 0 : i32
    %dma_start3A_98 = arith.constant 0 : i32
    %dma_start3A_99 = arith.constant 0 : i32
    %dma_start3A_100 = tpu.memref_slice %arg10[%dma_start3A_95, %dma_start3A_98, %dma_start3A_99] : memref<2x16x1024xf32, #tpu.memory_space<vmem>> -> memref<1x16x1024xf32, #tpu.memory_space<vmem>>
    %dma_start3A_101 = tpu.memref_squeeze %dma_start3A_100 : memref<1x16x1024xf32, #tpu.memory_space<vmem>> -> memref<16x1024xf32, #tpu.memory_space<vmem>>
    %dma_start3A_102 = arith.constant 0 : i32
    %dma_start3A_103 = tpu.memref_slice %arg4[%dma_start3A_94, %add3A_93, %dma_start3A_102] : memref<2x2048x1024xf32, #tpu.memory_space<hbm>> -> memref<1x16x1024xf32, #tpu.memory_space<hbm>>
    %dma_start3A_104 = tpu.memref_squeeze %dma_start3A_103 : memref<1x16x1024xf32, #tpu.memory_space<hbm>> -> memref<16x1024xf32, #tpu.memory_space<hbm>>
    %dma_start3A_105 = tpu.memref_slice %arg16[%dma_start3A_96, %dma_start3A_97] : memref<3x2x!tpu.dma_semaphore, #tpu.memory_space<semaphore_mem>> -> memref<1x1x!tpu.dma_semaphore, #tpu.memory_space<semaphore_mem>>
    %dma_start3A_106 = tpu.memref_squeeze %dma_start3A_105 : memref<1x1x!tpu.dma_semaphore, #tpu.memory_space<semaphore_mem>> -> memref<!tpu.dma_semaphore, #tpu.memory_space<semaphore_mem>>
    %dma_start3A_107 = arith.constant 0 : i32
    %dma_start3A_108 = arith.constant 0 : i32
    %dma_start3A_109 = tpu.memref_slice %arg10[%dma_start3A_95, %dma_start3A_107, %dma_start3A_108] : memref<2x16x1024xf32, #tpu.memory_space<vmem>> -> memref<1x16x1024xf32, #tpu.memory_space<vmem>>
    %dma_start3A_110 = tpu.memref_squeeze %dma_start3A_109 : memref<1x16x1024xf32, #tpu.memory_space<vmem>> -> memref<16x1024xf32, #tpu.memory_space<vmem>>
    %dma_start3A_111 = arith.constant 0 : i32
    %dma_start3A_112 = tpu.memref_slice %arg4[%dma_start3A_94, %add3A_93, %dma_start3A_111] : memref<2x2048x1024xf32, #tpu.memory_space<hbm>> -> memref<1x16x1024xf32, #tpu.memory_space<hbm>>
    %dma_start3A_113 = tpu.memref_squeeze %dma_start3A_112 : memref<1x16x1024xf32, #tpu.memory_space<hbm>> -> memref<16x1024xf32, #tpu.memory_space<hbm>>
    tpu.enqueue_dma source(%dma_start3A_113 : memref<16x1024xf32, #tpu.memory_space<hbm>>) target(%dma_start3A_110 : memref<16x1024xf32, #tpu.memory_space<vmem>>) target_semaphore(%dma_start3A_106 : memref<!tpu.dma_semaphore, #tpu.memory_space<semaphore_mem>>)
    %add3A_114 = arith.constant 32 : i32
    %add3A_115 = arith.addi %mul3A_2, %add3A_114 : i32
    %dma_start3A_116 = arith.constant 1 : i32
    %dma_start3A_117 = arith.constant 1 : i32
    %dma_start3A_118 = arith.constant 2 : i32
    %dma_start3A_119 = arith.constant 1 : i32
    %dma_start3A_120 = arith.constant 0 : i32
    %dma_start3A_121 = arith.constant 0 : i32
    %dma_start3A_122 = tpu.memref_slice %arg10[%dma_start3A_117, %dma_start3A_120, %dma_start3A_121] : memref<2x16x1024xf32, #tpu.memory_space<vmem>> -> memref<1x16x1024xf32, #tpu.memory_space<vmem>>
    %dma_start3A_123 = tpu.memref_squeeze %dma_start3A_122 : memref<1x16x1024xf32, #tpu.memory_space<vmem>> -> memref<16x1024xf32, #tpu.memory_space<vmem>>
    %dma_start3A_124 = arith.constant 0 : i32
    %dma_start3A_125 = tpu.memref_slice %arg4[%dma_start3A_116, %add3A_115, %dma_start3A_124] : memref<2x2048x1024xf32, #tpu.memory_space<hbm>> -> memref<1x16x1024xf32, #tpu.memory_space<hbm>>
    %dma_start3A_126 = tpu.memref_squeeze %dma_start3A_125 : memref<1x16x1024xf32, #tpu.memory_space<hbm>> -> memref<16x1024xf32, #tpu.memory_space<hbm>>
    %dma_start3A_127 = tpu.memref_slice %arg16[%dma_start3A_118, %dma_start3A_119] : memref<3x2x!tpu.dma_semaphore, #tpu.memory_space<semaphore_mem>> -> memref<1x1x!tpu.dma_semaphore, #tpu.memory_space<semaphore_mem>>
    %dma_start3A_128 = tpu.memref_squeeze %dma_start3A_127 : memref<1x1x!tpu.dma_semaphore, #tpu.memory_space<semaphore_mem>> -> memref<!tpu.dma_semaphore, #tpu.memory_space<semaphore_mem>>
    %dma_start3A_129 = arith.constant 0 : i32
    %dma_start3A_130 = arith.constant 0 : i32
    %dma_start3A_131 = tpu.memref_slice %arg10[%dma_start3A_117, %dma_start3A_129, %dma_start3A_130] : memref<2x16x1024xf32, #tpu.memory_space<vmem>> -> memref<1x16x1024xf32, #tpu.memory_space<vmem>>
    %dma_start3A_132 = tpu.memref_squeeze %dma_start3A_131 : memref<1x16x1024xf32, #tpu.memory_space<vmem>> -> memref<16x1024xf32, #tpu.memory_space<vmem>>
    %dma_start3A_133 = arith.constant 0 : i32
    %dma_start3A_134 = tpu.memref_slice %arg4[%dma_start3A_116, %add3A_115, %dma_start3A_133] : memref<2x2048x1024xf32, #tpu.memory_space<hbm>> -> memref<1x16x1024xf32, #tpu.memory_space<hbm>>
    %dma_start3A_135 = tpu.memref_squeeze %dma_start3A_134 : memref<1x16x1024xf32, #tpu.memory_space<hbm>> -> memref<16x1024xf32, #tpu.memory_space<hbm>>
    tpu.enqueue_dma source(%dma_start3A_135 : memref<16x1024xf32, #tpu.memory_space<hbm>>) target(%dma_start3A_132 : memref<16x1024xf32, #tpu.memory_space<vmem>>) target_semaphore(%dma_start3A_128 : memref<!tpu.dma_semaphore, #tpu.memory_space<semaphore_mem>>)
    %convert_element_type3A_136 = arith.extui %eq3A_3 : i1 to i32
    %cond3A_137 = arith.constant 0 : i32
    %cond3A_138 = arith.cmpi ne, %convert_element_type3A_136, %cond3A_137 : i32
    scf.if %cond3A_138 {
      tpu.wait_dma2 semaphore(%arg18 : memref<!tpu.dma_semaphore, #tpu.memory_space<semaphore_mem>>) src(%arg2 : memref<1xi32, #tpu.memory_space<hbm>>) dst(%arg11 : memref<1xi32, #tpu.memory_space<vmem>>)
      tpu.wait_dma2 semaphore(%arg19 : memref<!tpu.dma_semaphore, #tpu.memory_space<semaphore_mem>>) src(%arg3 : memref<1xi32, #tpu.memory_space<hbm>>) dst(%arg12 : memref<1xi32, #tpu.memory_space<vmem>>)
      %dma_start3A_681 = arith.constant 0 : i32
      %dma_start3A_682 = arith.constant 0 : i32
      %dma_start3A_683 = tpu.memref_slice %arg5[%dma_start3A_681, %dma_start3A_682] : memref<8194x1024xf32, #tpu.memory_space<hbm>> -> memref<8194x1024xf32, #tpu.memory_space<hbm>>
      tpu.enqueue_indirect_dma source(%dma_start3A_683 : memref<8194x1024xf32, #tpu.memory_space<hbm>>) target(%arg13 : memref<1x1024xf32, #tpu.memory_space<vmem>>) offsets(%arg11 : memref<1xi32, #tpu.memory_space<vmem>>) semaphore(%arg20 : memref<!tpu.dma_semaphore, #tpu.memory_space<semaphore_mem>>)
      %dma_start3A_684 = arith.constant 0 : i32
      %dma_start3A_685 = arith.constant 0 : i32
      %dma_start3A_686 = tpu.memref_slice %arg6[%dma_start3A_684, %dma_start3A_685] : memref<4096x1024xf32, #tpu.memory_space<hbm>> -> memref<4096x1024xf32, #tpu.memory_space<hbm>>
      tpu.enqueue_indirect_dma source(%dma_start3A_686 : memref<4096x1024xf32, #tpu.memory_space<hbm>>) target(%arg14 : memref<1x1024xf32, #tpu.memory_space<vmem>>) offsets(%arg12 : memref<1xi32, #tpu.memory_space<vmem>>) semaphore(%arg21 : memref<!tpu.dma_semaphore, #tpu.memory_space<semaphore_mem>>)
    } else {
    }
    %dma_wait3A = arith.constant 0 : i32
    %dma_wait3A_139 = arith.constant 0 : i32
    %dma_wait3A_140 = arith.constant 0 : i32
    %dma_wait3A_141 = arith.constant 0 : i32
    %dma_wait3A_142 = arith.constant 0 : i32
    %dma_wait3A_143 = arith.constant 0 : i32
    %dma_wait3A_144 = tpu.memref_slice %arg8[%dma_wait3A_139, %dma_wait3A_142, %dma_wait3A_143] : memref<2x16x1024xf32, #tpu.memory_space<vmem>> -> memref<1x16x1024xf32, #tpu.memory_space<vmem>>
    %dma_wait3A_145 = tpu.memref_squeeze %dma_wait3A_144 : memref<1x16x1024xf32, #tpu.memory_space<vmem>> -> memref<16x1024xf32, #tpu.memory_space<vmem>>
    %dma_wait3A_146 = arith.constant 0 : i32
    %dma_wait3A_147 = tpu.memref_slice %arg4[%dma_wait3A, %add3A_6, %dma_wait3A_146] : memref<2x2048x1024xf32, #tpu.memory_space<hbm>> -> memref<1x16x1024xf32, #tpu.memory_space<hbm>>
    %dma_wait3A_148 = tpu.memref_squeeze %dma_wait3A_147 : memref<1x16x1024xf32, #tpu.memory_space<hbm>> -> memref<16x1024xf32, #tpu.memory_space<hbm>>
    %dma_wait3A_149 = tpu.memref_slice %arg16[%dma_wait3A_140, %dma_wait3A_141] : memref<3x2x!tpu.dma_semaphore, #tpu.memory_space<semaphore_mem>> -> memref<1x1x!tpu.dma_semaphore, #tpu.memory_space<semaphore_mem>>
    %dma_wait3A_150 = tpu.memref_squeeze %dma_wait3A_149 : memref<1x1x!tpu.dma_semaphore, #tpu.memory_space<semaphore_mem>> -> memref<!tpu.dma_semaphore, #tpu.memory_space<semaphore_mem>>
    %dma_wait3A_151 = arith.constant 0 : i32
    %dma_wait3A_152 = arith.constant 0 : i32
    %dma_wait3A_153 = tpu.memref_slice %arg8[%dma_wait3A_139, %dma_wait3A_151, %dma_wait3A_152] : memref<2x16x1024xf32, #tpu.memory_space<vmem>> -> memref<1x16x1024xf32, #tpu.memory_space<vmem>>
    %dma_wait3A_154 = tpu.memref_squeeze %dma_wait3A_153 : memref<1x16x1024xf32, #tpu.memory_space<vmem>> -> memref<16x1024xf32, #tpu.memory_space<vmem>>
    %dma_wait3A_155 = arith.constant 0 : i32
    %dma_wait3A_156 = tpu.memref_slice %arg4[%dma_wait3A, %add3A_6, %dma_wait3A_155] : memref<2x2048x1024xf32, #tpu.memory_space<hbm>> -> memref<1x16x1024xf32, #tpu.memory_space<hbm>>
    %dma_wait3A_157 = tpu.memref_squeeze %dma_wait3A_156 : memref<1x16x1024xf32, #tpu.memory_space<hbm>> -> memref<16x1024xf32, #tpu.memory_space<hbm>>
    tpu.wait_dma2 semaphore(%dma_wait3A_150 : memref<!tpu.dma_semaphore, #tpu.memory_space<semaphore_mem>>) src(%dma_wait3A_157 : memref<16x1024xf32, #tpu.memory_space<hbm>>) dst(%dma_wait3A_154 : memref<16x1024xf32, #tpu.memory_space<vmem>>)
    %dma_wait3A_158 = arith.constant 1 : i32
    %dma_wait3A_159 = arith.constant 1 : i32
    %dma_wait3A_160 = arith.constant 0 : i32
    %dma_wait3A_161 = arith.constant 1 : i32
    %dma_wait3A_162 = arith.constant 0 : i32
    %dma_wait3A_163 = arith.constant 0 : i32
    %dma_wait3A_164 = tpu.memref_slice %arg8[%dma_wait3A_159, %dma_wait3A_162, %dma_wait3A_163] : memref<2x16x1024xf32, #tpu.memory_space<vmem>> -> memref<1x16x1024xf32, #tpu.memory_space<vmem>>
    %dma_wait3A_165 = tpu.memref_squeeze %dma_wait3A_164 : memref<1x16x1024xf32, #tpu.memory_space<vmem>> -> memref<16x1024xf32, #tpu.memory_space<vmem>>
    %dma_wait3A_166 = arith.constant 0 : i32
    %dma_wait3A_167 = tpu.memref_slice %arg4[%dma_wait3A_158, %add3A_27, %dma_wait3A_166] : memref<2x2048x1024xf32, #tpu.memory_space<hbm>> -> memref<1x16x1024xf32, #tpu.memory_space<hbm>>
    %dma_wait3A_168 = tpu.memref_squeeze %dma_wait3A_167 : memref<1x16x1024xf32, #tpu.memory_space<hbm>> -> memref<16x1024xf32, #tpu.memory_space<hbm>>
    %dma_wait3A_169 = tpu.memref_slice %arg16[%dma_wait3A_160, %dma_wait3A_161] : memref<3x2x!tpu.dma_semaphore, #tpu.memory_space<semaphore_mem>> -> memref<1x1x!tpu.dma_semaphore, #tpu.memory_space<semaphore_mem>>
    %dma_wait3A_170 = tpu.memref_squeeze %dma_wait3A_169 : memref<1x1x!tpu.dma_semaphore, #tpu.memory_space<semaphore_mem>> -> memref<!tpu.dma_semaphore, #tpu.memory_space<semaphore_mem>>
    %dma_wait3A_171 = arith.constant 0 : i32
    %dma_wait3A_172 = arith.constant 0 : i32
    %dma_wait3A_173 = tpu.memref_slice %arg8[%dma_wait3A_159, %dma_wait3A_171, %dma_wait3A_172] : memref<2x16x1024xf32, #tpu.memory_space<vmem>> -> memref<1x16x1024xf32, #tpu.memory_space<vmem>>
    %dma_wait3A_174 = tpu.memref_squeeze %dma_wait3A_173 : memref<1x16x1024xf32, #tpu.memory_space<vmem>> -> memref<16x1024xf32, #tpu.memory_space<vmem>>
    %dma_wait3A_175 = arith.constant 0 : i32
    %dma_wait3A_176 = tpu.memref_slice %arg4[%dma_wait3A_158, %add3A_27, %dma_wait3A_175] : memref<2x2048x1024xf32, #tpu.memory_space<hbm>> -> memref<1x16x1024xf32, #tpu.memory_space<hbm>>
    %dma_wait3A_177 = tpu.memref_squeeze %dma_wait3A_176 : memref<1x16x1024xf32, #tpu.memory_space<hbm>> -> memref<16x1024xf32, #tpu.memory_space<hbm>>
    tpu.wait_dma2 semaphore(%dma_wait3A_170 : memref<!tpu.dma_semaphore, #tpu.memory_space<semaphore_mem>>) src(%dma_wait3A_177 : memref<16x1024xf32, #tpu.memory_space<hbm>>) dst(%dma_wait3A_174 : memref<16x1024xf32, #tpu.memory_space<vmem>>)
    %add3A_178 = arith.constant 0 : i32
    %add3A_179 = arith.addi %mul3A_2, %add3A_178 : i32
    %dma_start3A_180 = arith.constant 0 : i32
    %dma_start3A_181 = arith.constant 0 : i32
    %dma_start3A_182 = arith.constant 0 : i32
    %dma_start3A_183 = arith.constant 0 : i32
    %dma_start3A_184 = arith.constant 0 : i32
    %dma_start3A_185 = arith.constant 0 : i32
    %dma_start3A_186 = tpu.memref_slice %arg8[%dma_start3A_180, %dma_start3A_184, %dma_start3A_185] : memref<2x16x1024xf32, #tpu.memory_space<vmem>> -> memref<1x16x1024xf32, #tpu.memory_space<vmem>>
    %dma_start3A_187 = tpu.memref_squeeze %dma_start3A_186 : memref<1x16x1024xf32, #tpu.memory_space<vmem>> -> memref<16x1024xf32, #tpu.memory_space<vmem>>
    %dma_start3A_188 = arith.constant 0 : i32
    %dma_start3A_189 = tpu.memref_slice %arg7[%add3A_179, %dma_start3A_181, %dma_start3A_188] : memref<2049x2x1024xf32, #tpu.memory_space<hbm>> -> memref<16x1x1024xf32, #tpu.memory_space<hbm>>
    %dma_start3A_190 = tpu.memref_squeeze %dma_start3A_189 : memref<16x1x1024xf32, #tpu.memory_space<hbm>> -> memref<16x1024xf32, #tpu.memory_space<hbm>>
    %dma_start3A_191 = tpu.memref_slice %arg17[%dma_start3A_182, %dma_start3A_183] : memref<3x2x!tpu.dma_semaphore, #tpu.memory_space<semaphore_mem>> -> memref<1x1x!tpu.dma_semaphore, #tpu.memory_space<semaphore_mem>>
    %dma_start3A_192 = tpu.memref_squeeze %dma_start3A_191 : memref<1x1x!tpu.dma_semaphore, #tpu.memory_space<semaphore_mem>> -> memref<!tpu.dma_semaphore, #tpu.memory_space<semaphore_mem>>
    %dma_start3A_193 = arith.constant 0 : i32
    %dma_start3A_194 = tpu.memref_slice %arg7[%add3A_179, %dma_start3A_181, %dma_start3A_193] : memref<2049x2x1024xf32, #tpu.memory_space<hbm>> -> memref<16x1x1024xf32, #tpu.memory_space<hbm>>
    %dma_start3A_195 = tpu.memref_squeeze %dma_start3A_194 : memref<16x1x1024xf32, #tpu.memory_space<hbm>> -> memref<16x1024xf32, #tpu.memory_space<hbm>>
    %dma_start3A_196 = arith.constant 0 : i32
    %dma_start3A_197 = arith.constant 0 : i32
    %dma_start3A_198 = tpu.memref_slice %arg8[%dma_start3A_180, %dma_start3A_196, %dma_start3A_197] : memref<2x16x1024xf32, #tpu.memory_space<vmem>> -> memref<1x16x1024xf32, #tpu.memory_space<vmem>>
    %dma_start3A_199 = tpu.memref_squeeze %dma_start3A_198 : memref<1x16x1024xf32, #tpu.memory_space<vmem>> -> memref<16x1024xf32, #tpu.memory_space<vmem>>
    tpu.enqueue_dma source(%dma_start3A_199 : memref<16x1024xf32, #tpu.memory_space<vmem>>) target(%dma_start3A_195 : memref<16x1024xf32, #tpu.memory_space<hbm>>) target_semaphore(%dma_start3A_192 : memref<!tpu.dma_semaphore, #tpu.memory_space<semaphore_mem>>)
    %add3A_200 = arith.constant 0 : i32
    %add3A_201 = arith.addi %mul3A_2, %add3A_200 : i32
    %dma_start3A_202 = arith.constant 1 : i32
    %dma_start3A_203 = arith.constant 1 : i32
    %dma_start3A_204 = arith.constant 0 : i32
    %dma_start3A_205 = arith.constant 1 : i32
    %dma_start3A_206 = arith.constant 0 : i32
    %dma_start3A_207 = arith.constant 0 : i32
    %dma_start3A_208 = tpu.memref_slice %arg8[%dma_start3A_202, %dma_start3A_206, %dma_start3A_207] : memref<2x16x1024xf32, #tpu.memory_space<vmem>> -> memref<1x16x1024xf32, #tpu.memory_space<vmem>>
    %dma_start3A_209 = tpu.memref_squeeze %dma_start3A_208 : memref<1x16x1024xf32, #tpu.memory_space<vmem>> -> memref<16x1024xf32, #tpu.memory_space<vmem>>
    %dma_start3A_210 = arith.constant 0 : i32
    %dma_start3A_211 = tpu.memref_slice %arg7[%add3A_201, %dma_start3A_203, %dma_start3A_210] : memref<2049x2x1024xf32, #tpu.memory_space<hbm>> -> memref<16x1x1024xf32, #tpu.memory_space<hbm>>
    %dma_start3A_212 = tpu.memref_squeeze %dma_start3A_211 : memref<16x1x1024xf32, #tpu.memory_space<hbm>> -> memref<16x1024xf32, #tpu.memory_space<hbm>>
    %dma_start3A_213 = tpu.memref_slice %arg17[%dma_start3A_204, %dma_start3A_205] : memref<3x2x!tpu.dma_semaphore, #tpu.memory_space<semaphore_mem>> -> memref<1x1x!tpu.dma_semaphore, #tpu.memory_space<semaphore_mem>>
    %dma_start3A_214 = tpu.memref_squeeze %dma_start3A_213 : memref<1x1x!tpu.dma_semaphore, #tpu.memory_space<semaphore_mem>> -> memref<!tpu.dma_semaphore, #tpu.memory_space<semaphore_mem>>
    %dma_start3A_215 = arith.constant 0 : i32
    %dma_start3A_216 = tpu.memref_slice %arg7[%add3A_201, %dma_start3A_203, %dma_start3A_215] : memref<2049x2x1024xf32, #tpu.memory_space<hbm>> -> memref<16x1x1024xf32, #tpu.memory_space<hbm>>
    %dma_start3A_217 = tpu.memref_squeeze %dma_start3A_216 : memref<16x1x1024xf32, #tpu.memory_space<hbm>> -> memref<16x1024xf32, #tpu.memory_space<hbm>>
    %dma_start3A_218 = arith.constant 0 : i32
    %dma_start3A_219 = arith.constant 0 : i32
    %dma_start3A_220 = tpu.memref_slice %arg8[%dma_start3A_202, %dma_start3A_218, %dma_start3A_219] : memref<2x16x1024xf32, #tpu.memory_space<vmem>> -> memref<1x16x1024xf32, #tpu.memory_space<vmem>>
    %dma_start3A_221 = tpu.memref_squeeze %dma_start3A_220 : memref<1x16x1024xf32, #tpu.memory_space<vmem>> -> memref<16x1024xf32, #tpu.memory_space<vmem>>
    tpu.enqueue_dma source(%dma_start3A_221 : memref<16x1024xf32, #tpu.memory_space<vmem>>) target(%dma_start3A_217 : memref<16x1024xf32, #tpu.memory_space<hbm>>) target_semaphore(%dma_start3A_214 : memref<!tpu.dma_semaphore, #tpu.memory_space<semaphore_mem>>)
    %dma_wait3A_222 = arith.constant 0 : i32
    %dma_wait3A_223 = arith.constant 0 : i32
    %dma_wait3A_224 = arith.constant 1 : i32
    %dma_wait3A_225 = arith.constant 0 : i32
    %dma_wait3A_226 = arith.constant 0 : i32
    %dma_wait3A_227 = arith.constant 0 : i32
    %dma_wait3A_228 = tpu.memref_slice %arg9[%dma_wait3A_223, %dma_wait3A_226, %dma_wait3A_227] : memref<2x16x1024xf32, #tpu.memory_space<vmem>> -> memref<1x16x1024xf32, #tpu.memory_space<vmem>>
    %dma_wait3A_229 = tpu.memref_squeeze %dma_wait3A_228 : memref<1x16x1024xf32, #tpu.memory_space<vmem>> -> memref<16x1024xf32, #tpu.memory_space<vmem>>
    %dma_wait3A_230 = arith.constant 0 : i32
    %dma_wait3A_231 = tpu.memref_slice %arg4[%dma_wait3A_222, %add3A_49, %dma_wait3A_230] : memref<2x2048x1024xf32, #tpu.memory_space<hbm>> -> memref<1x16x1024xf32, #tpu.memory_space<hbm>>
    %dma_wait3A_232 = tpu.memref_squeeze %dma_wait3A_231 : memref<1x16x1024xf32, #tpu.memory_space<hbm>> -> memref<16x1024xf32, #tpu.memory_space<hbm>>
    %dma_wait3A_233 = tpu.memref_slice %arg16[%dma_wait3A_224, %dma_wait3A_225] : memref<3x2x!tpu.dma_semaphore, #tpu.memory_space<semaphore_mem>> -> memref<1x1x!tpu.dma_semaphore, #tpu.memory_space<semaphore_mem>>
    %dma_wait3A_234 = tpu.memref_squeeze %dma_wait3A_233 : memref<1x1x!tpu.dma_semaphore, #tpu.memory_space<semaphore_mem>> -> memref<!tpu.dma_semaphore, #tpu.memory_space<semaphore_mem>>
    %dma_wait3A_235 = arith.constant 0 : i32
    %dma_wait3A_236 = arith.constant 0 : i32
    %dma_wait3A_237 = tpu.memref_slice %arg9[%dma_wait3A_223, %dma_wait3A_235, %dma_wait3A_236] : memref<2x16x1024xf32, #tpu.memory_space<vmem>> -> memref<1x16x1024xf32, #tpu.memory_space<vmem>>
    %dma_wait3A_238 = tpu.memref_squeeze %dma_wait3A_237 : memref<1x16x1024xf32, #tpu.memory_space<vmem>> -> memref<16x1024xf32, #tpu.memory_space<vmem>>
    %dma_wait3A_239 = arith.constant 0 : i32
    %dma_wait3A_240 = tpu.memref_slice %arg4[%dma_wait3A_222, %add3A_49, %dma_wait3A_239] : memref<2x2048x1024xf32, #tpu.memory_space<hbm>> -> memref<1x16x1024xf32, #tpu.memory_space<hbm>>
    %dma_wait3A_241 = tpu.memref_squeeze %dma_wait3A_240 : memref<1x16x1024xf32, #tpu.memory_space<hbm>> -> memref<16x1024xf32, #tpu.memory_space<hbm>>
    tpu.wait_dma2 semaphore(%dma_wait3A_234 : memref<!tpu.dma_semaphore, #tpu.memory_space<semaphore_mem>>) src(%dma_wait3A_241 : memref<16x1024xf32, #tpu.memory_space<hbm>>) dst(%dma_wait3A_238 : memref<16x1024xf32, #tpu.memory_space<vmem>>)
    %dma_wait3A_242 = arith.constant 1 : i32
    %dma_wait3A_243 = arith.constant 1 : i32
    %dma_wait3A_244 = arith.constant 1 : i32
    %dma_wait3A_245 = arith.constant 1 : i32
    %dma_wait3A_246 = arith.constant 0 : i32
    %dma_wait3A_247 = arith.constant 0 : i32
    %dma_wait3A_248 = tpu.memref_slice %arg9[%dma_wait3A_243, %dma_wait3A_246, %dma_wait3A_247] : memref<2x16x1024xf32, #tpu.memory_space<vmem>> -> memref<1x16x1024xf32, #tpu.memory_space<vmem>>
    %dma_wait3A_249 = tpu.memref_squeeze %dma_wait3A_248 : memref<1x16x1024xf32, #tpu.memory_space<vmem>> -> memref<16x1024xf32, #tpu.memory_space<vmem>>
    %dma_wait3A_250 = arith.constant 0 : i32
    %dma_wait3A_251 = tpu.memref_slice %arg4[%dma_wait3A_242, %add3A_71, %dma_wait3A_250] : memref<2x2048x1024xf32, #tpu.memory_space<hbm>> -> memref<1x16x1024xf32, #tpu.memory_space<hbm>>
    %dma_wait3A_252 = tpu.memref_squeeze %dma_wait3A_251 : memref<1x16x1024xf32, #tpu.memory_space<hbm>> -> memref<16x1024xf32, #tpu.memory_space<hbm>>
    %dma_wait3A_253 = tpu.memref_slice %arg16[%dma_wait3A_244, %dma_wait3A_245] : memref<3x2x!tpu.dma_semaphore, #tpu.memory_space<semaphore_mem>> -> memref<1x1x!tpu.dma_semaphore, #tpu.memory_space<semaphore_mem>>
    %dma_wait3A_254 = tpu.memref_squeeze %dma_wait3A_253 : memref<1x1x!tpu.dma_semaphore, #tpu.memory_space<semaphore_mem>> -> memref<!tpu.dma_semaphore, #tpu.memory_space<semaphore_mem>>
    %dma_wait3A_255 = arith.constant 0 : i32
    %dma_wait3A_256 = arith.constant 0 : i32
    %dma_wait3A_257 = tpu.memref_slice %arg9[%dma_wait3A_243, %dma_wait3A_255, %dma_wait3A_256] : memref<2x16x1024xf32, #tpu.memory_space<vmem>> -> memref<1x16x1024xf32, #tpu.memory_space<vmem>>
    %dma_wait3A_258 = tpu.memref_squeeze %dma_wait3A_257 : memref<1x16x1024xf32, #tpu.memory_space<vmem>> -> memref<16x1024xf32, #tpu.memory_space<vmem>>
    %dma_wait3A_259 = arith.constant 0 : i32
    %dma_wait3A_260 = tpu.memref_slice %arg4[%dma_wait3A_242, %add3A_71, %dma_wait3A_259] : memref<2x2048x1024xf32, #tpu.memory_space<hbm>> -> memref<1x16x1024xf32, #tpu.memory_space<hbm>>
    %dma_wait3A_261 = tpu.memref_squeeze %dma_wait3A_260 : memref<1x16x1024xf32, #tpu.memory_space<hbm>> -> memref<16x1024xf32, #tpu.memory_space<hbm>>
    tpu.wait_dma2 semaphore(%dma_wait3A_254 : memref<!tpu.dma_semaphore, #tpu.memory_space<semaphore_mem>>) src(%dma_wait3A_261 : memref<16x1024xf32, #tpu.memory_space<hbm>>) dst(%dma_wait3A_258 : memref<16x1024xf32, #tpu.memory_space<vmem>>)
    %add3A_262 = arith.constant 16 : i32
    %add3A_263 = arith.addi %mul3A_2, %add3A_262 : i32
    %dma_start3A_264 = arith.constant 0 : i32
    %dma_start3A_265 = arith.constant 0 : i32
    %dma_start3A_266 = arith.constant 1 : i32
    %dma_start3A_267 = arith.constant 0 : i32
    %dma_start3A_268 = arith.constant 0 : i32
    %dma_start3A_269 = arith.constant 0 : i32
    %dma_start3A_270 = tpu.memref_slice %arg9[%dma_start3A_264, %dma_start3A_268, %dma_start3A_269] : memref<2x16x1024xf32, #tpu.memory_space<vmem>> -> memref<1x16x1024xf32, #tpu.memory_space<vmem>>
    %dma_start3A_271 = tpu.memref_squeeze %dma_start3A_270 : memref<1x16x1024xf32, #tpu.memory_space<vmem>> -> memref<16x1024xf32, #tpu.memory_space<vmem>>
    %dma_start3A_272 = arith.constant 0 : i32
    %dma_start3A_273 = tpu.memref_slice %arg7[%add3A_263, %dma_start3A_265, %dma_start3A_272] : memref<2049x2x1024xf32, #tpu.memory_space<hbm>> -> memref<16x1x1024xf32, #tpu.memory_space<hbm>>
    %dma_start3A_274 = tpu.memref_squeeze %dma_start3A_273 : memref<16x1x1024xf32, #tpu.memory_space<hbm>> -> memref<16x1024xf32, #tpu.memory_space<hbm>>
    %dma_start3A_275 = tpu.memref_slice %arg17[%dma_start3A_266, %dma_start3A_267] : memref<3x2x!tpu.dma_semaphore, #tpu.memory_space<semaphore_mem>> -> memref<1x1x!tpu.dma_semaphore, #tpu.memory_space<semaphore_mem>>
    %dma_start3A_276 = tpu.memref_squeeze %dma_start3A_275 : memref<1x1x!tpu.dma_semaphore, #tpu.memory_space<semaphore_mem>> -> memref<!tpu.dma_semaphore, #tpu.memory_space<semaphore_mem>>
    %dma_start3A_277 = arith.constant 0 : i32
    %dma_start3A_278 = tpu.memref_slice %arg7[%add3A_263, %dma_start3A_265, %dma_start3A_277] : memref<2049x2x1024xf32, #tpu.memory_space<hbm>> -> memref<16x1x1024xf32, #tpu.memory_space<hbm>>
    %dma_start3A_279 = tpu.memref_squeeze %dma_start3A_278 : memref<16x1x1024xf32, #tpu.memory_space<hbm>> -> memref<16x1024xf32, #tpu.memory_space<hbm>>
    %dma_start3A_280 = arith.constant 0 : i32
    %dma_start3A_281 = arith.constant 0 : i32
    %dma_start3A_282 = tpu.memref_slice %arg9[%dma_start3A_264, %dma_start3A_280, %dma_start3A_281] : memref<2x16x1024xf32, #tpu.memory_space<vmem>> -> memref<1x16x1024xf32, #tpu.memory_space<vmem>>
    %dma_start3A_283 = tpu.memref_squeeze %dma_start3A_282 : memref<1x16x1024xf32, #tpu.memory_space<vmem>> -> memref<16x1024xf32, #tpu.memory_space<vmem>>
    tpu.enqueue_dma source(%dma_start3A_283 : memref<16x1024xf32, #tpu.memory_space<vmem>>) target(%dma_start3A_279 : memref<16x1024xf32, #tpu.memory_space<hbm>>) target_semaphore(%dma_start3A_276 : memref<!tpu.dma_semaphore, #tpu.memory_space<semaphore_mem>>)
    %add3A_284 = arith.constant 16 : i32
    %add3A_285 = arith.addi %mul3A_2, %add3A_284 : i32
    %dma_start3A_286 = arith.constant 1 : i32
    %dma_start3A_287 = arith.constant 1 : i32
    %dma_start3A_288 = arith.constant 1 : i32
    %dma_start3A_289 = arith.constant 1 : i32
    %dma_start3A_290 = arith.constant 0 : i32
    %dma_start3A_291 = arith.constant 0 : i32
    %dma_start3A_292 = tpu.memref_slice %arg9[%dma_start3A_286, %dma_start3A_290, %dma_start3A_291] : memref<2x16x1024xf32, #tpu.memory_space<vmem>> -> memref<1x16x1024xf32, #tpu.memory_space<vmem>>
    %dma_start3A_293 = tpu.memref_squeeze %dma_start3A_292 : memref<1x16x1024xf32, #tpu.memory_space<vmem>> -> memref<16x1024xf32, #tpu.memory_space<vmem>>
    %dma_start3A_294 = arith.constant 0 : i32
    %dma_start3A_295 = tpu.memref_slice %arg7[%add3A_285, %dma_start3A_287, %dma_start3A_294] : memref<2049x2x1024xf32, #tpu.memory_space<hbm>> -> memref<16x1x1024xf32, #tpu.memory_space<hbm>>
    %dma_start3A_296 = tpu.memref_squeeze %dma_start3A_295 : memref<16x1x1024xf32, #tpu.memory_space<hbm>> -> memref<16x1024xf32, #tpu.memory_space<hbm>>
    %dma_start3A_297 = tpu.memref_slice %arg17[%dma_start3A_288, %dma_start3A_289] : memref<3x2x!tpu.dma_semaphore, #tpu.memory_space<semaphore_mem>> -> memref<1x1x!tpu.dma_semaphore, #tpu.memory_space<semaphore_mem>>
    %dma_start3A_298 = tpu.memref_squeeze %dma_start3A_297 : memref<1x1x!tpu.dma_semaphore, #tpu.memory_space<semaphore_mem>> -> memref<!tpu.dma_semaphore, #tpu.memory_space<semaphore_mem>>
    %dma_start3A_299 = arith.constant 0 : i32
    %dma_start3A_300 = tpu.memref_slice %arg7[%add3A_285, %dma_start3A_287, %dma_start3A_299] : memref<2049x2x1024xf32, #tpu.memory_space<hbm>> -> memref<16x1x1024xf32, #tpu.memory_space<hbm>>
    %dma_start3A_301 = tpu.memref_squeeze %dma_start3A_300 : memref<16x1x1024xf32, #tpu.memory_space<hbm>> -> memref<16x1024xf32, #tpu.memory_space<hbm>>
    %dma_start3A_302 = arith.constant 0 : i32
    %dma_start3A_303 = arith.constant 0 : i32
    %dma_start3A_304 = tpu.memref_slice %arg9[%dma_start3A_286, %dma_start3A_302, %dma_start3A_303] : memref<2x16x1024xf32, #tpu.memory_space<vmem>> -> memref<1x16x1024xf32, #tpu.memory_space<vmem>>
    %dma_start3A_305 = tpu.memref_squeeze %dma_start3A_304 : memref<1x16x1024xf32, #tpu.memory_space<vmem>> -> memref<16x1024xf32, #tpu.memory_space<vmem>>
    tpu.enqueue_dma source(%dma_start3A_305 : memref<16x1024xf32, #tpu.memory_space<vmem>>) target(%dma_start3A_301 : memref<16x1024xf32, #tpu.memory_space<hbm>>) target_semaphore(%dma_start3A_298 : memref<!tpu.dma_semaphore, #tpu.memory_space<semaphore_mem>>)
    %dma_wait3A_306 = arith.constant 0 : i32
    %dma_wait3A_307 = arith.constant 0 : i32
    %dma_wait3A_308 = arith.constant 2 : i32
    %dma_wait3A_309 = arith.constant 0 : i32
    %dma_wait3A_310 = arith.constant 0 : i32
    %dma_wait3A_311 = arith.constant 0 : i32
    %dma_wait3A_312 = tpu.memref_slice %arg10[%dma_wait3A_307, %dma_wait3A_310, %dma_wait3A_311] : memref<2x16x1024xf32, #tpu.memory_space<vmem>> -> memref<1x16x1024xf32, #tpu.memory_space<vmem>>
    %dma_wait3A_313 = tpu.memref_squeeze %dma_wait3A_312 : memref<1x16x1024xf32, #tpu.memory_space<vmem>> -> memref<16x1024xf32, #tpu.memory_space<vmem>>
    %dma_wait3A_314 = arith.constant 0 : i32
    %dma_wait3A_315 = tpu.memref_slice %arg4[%dma_wait3A_306, %add3A_93, %dma_wait3A_314] : memref<2x2048x1024xf32, #tpu.memory_space<hbm>> -> memref<1x16x1024xf32, #tpu.memory_space<hbm>>
    %dma_wait3A_316 = tpu.memref_squeeze %dma_wait3A_315 : memref<1x16x1024xf32, #tpu.memory_space<hbm>> -> memref<16x1024xf32, #tpu.memory_space<hbm>>
    %dma_wait3A_317 = tpu.memref_slice %arg16[%dma_wait3A_308, %dma_wait3A_309] : memref<3x2x!tpu.dma_semaphore, #tpu.memory_space<semaphore_mem>> -> memref<1x1x!tpu.dma_semaphore, #tpu.memory_space<semaphore_mem>>
    %dma_wait3A_318 = tpu.memref_squeeze %dma_wait3A_317 : memref<1x1x!tpu.dma_semaphore, #tpu.memory_space<semaphore_mem>> -> memref<!tpu.dma_semaphore, #tpu.memory_space<semaphore_mem>>
    %dma_wait3A_319 = arith.constant 0 : i32
    %dma_wait3A_320 = arith.constant 0 : i32
    %dma_wait3A_321 = tpu.memref_slice %arg10[%dma_wait3A_307, %dma_wait3A_319, %dma_wait3A_320] : memref<2x16x1024xf32, #tpu.memory_space<vmem>> -> memref<1x16x1024xf32, #tpu.memory_space<vmem>>
    %dma_wait3A_322 = tpu.memref_squeeze %dma_wait3A_321 : memref<1x16x1024xf32, #tpu.memory_space<vmem>> -> memref<16x1024xf32, #tpu.memory_space<vmem>>
    %dma_wait3A_323 = arith.constant 0 : i32
    %dma_wait3A_324 = tpu.memref_slice %arg4[%dma_wait3A_306, %add3A_93, %dma_wait3A_323] : memref<2x2048x1024xf32, #tpu.memory_space<hbm>> -> memref<1x16x1024xf32, #tpu.memory_space<hbm>>
    %dma_wait3A_325 = tpu.memref_squeeze %dma_wait3A_324 : memref<1x16x1024xf32, #tpu.memory_space<hbm>> -> memref<16x1024xf32, #tpu.memory_space<hbm>>
    tpu.wait_dma2 semaphore(%dma_wait3A_318 : memref<!tpu.dma_semaphore, #tpu.memory_space<semaphore_mem>>) src(%dma_wait3A_325 : memref<16x1024xf32, #tpu.memory_space<hbm>>) dst(%dma_wait3A_322 : memref<16x1024xf32, #tpu.memory_space<vmem>>)
    %dma_wait3A_326 = arith.constant 1 : i32
    %dma_wait3A_327 = arith.constant 1 : i32
    %dma_wait3A_328 = arith.constant 2 : i32
    %dma_wait3A_329 = arith.constant 1 : i32
    %dma_wait3A_330 = arith.constant 0 : i32
    %dma_wait3A_331 = arith.constant 0 : i32
    %dma_wait3A_332 = tpu.memref_slice %arg10[%dma_wait3A_327, %dma_wait3A_330, %dma_wait3A_331] : memref<2x16x1024xf32, #tpu.memory_space<vmem>> -> memref<1x16x1024xf32, #tpu.memory_space<vmem>>
    %dma_wait3A_333 = tpu.memref_squeeze %dma_wait3A_332 : memref<1x16x1024xf32, #tpu.memory_space<vmem>> -> memref<16x1024xf32, #tpu.memory_space<vmem>>
    %dma_wait3A_334 = arith.constant 0 : i32
    %dma_wait3A_335 = tpu.memref_slice %arg4[%dma_wait3A_326, %add3A_115, %dma_wait3A_334] : memref<2x2048x1024xf32, #tpu.memory_space<hbm>> -> memref<1x16x1024xf32, #tpu.memory_space<hbm>>
    %dma_wait3A_336 = tpu.memref_squeeze %dma_wait3A_335 : memref<1x16x1024xf32, #tpu.memory_space<hbm>> -> memref<16x1024xf32, #tpu.memory_space<hbm>>
    %dma_wait3A_337 = tpu.memref_slice %arg16[%dma_wait3A_328, %dma_wait3A_329] : memref<3x2x!tpu.dma_semaphore, #tpu.memory_space<semaphore_mem>> -> memref<1x1x!tpu.dma_semaphore, #tpu.memory_space<semaphore_mem>>
    %dma_wait3A_338 = tpu.memref_squeeze %dma_wait3A_337 : memref<1x1x!tpu.dma_semaphore, #tpu.memory_space<semaphore_mem>> -> memref<!tpu.dma_semaphore, #tpu.memory_space<semaphore_mem>>
    %dma_wait3A_339 = arith.constant 0 : i32
    %dma_wait3A_340 = arith.constant 0 : i32
    %dma_wait3A_341 = tpu.memref_slice %arg10[%dma_wait3A_327, %dma_wait3A_339, %dma_wait3A_340] : memref<2x16x1024xf32, #tpu.memory_space<vmem>> -> memref<1x16x1024xf32, #tpu.memory_space<vmem>>
    %dma_wait3A_342 = tpu.memref_squeeze %dma_wait3A_341 : memref<1x16x1024xf32, #tpu.memory_space<vmem>> -> memref<16x1024xf32, #tpu.memory_space<vmem>>
    %dma_wait3A_343 = arith.constant 0 : i32
    %dma_wait3A_344 = tpu.memref_slice %arg4[%dma_wait3A_326, %add3A_115, %dma_wait3A_343] : memref<2x2048x1024xf32, #tpu.memory_space<hbm>> -> memref<1x16x1024xf32, #tpu.memory_space<hbm>>
    %dma_wait3A_345 = tpu.memref_squeeze %dma_wait3A_344 : memref<1x16x1024xf32, #tpu.memory_space<hbm>> -> memref<16x1024xf32, #tpu.memory_space<hbm>>
    tpu.wait_dma2 semaphore(%dma_wait3A_338 : memref<!tpu.dma_semaphore, #tpu.memory_space<semaphore_mem>>) src(%dma_wait3A_345 : memref<16x1024xf32, #tpu.memory_space<hbm>>) dst(%dma_wait3A_342 : memref<16x1024xf32, #tpu.memory_space<vmem>>)
    %add3A_346 = arith.constant 32 : i32
    %add3A_347 = arith.addi %mul3A_2, %add3A_346 : i32
    %dma_start3A_348 = arith.constant 0 : i32
    %dma_start3A_349 = arith.constant 0 : i32
    %dma_start3A_350 = arith.constant 2 : i32
    %dma_start3A_351 = arith.constant 0 : i32
    %dma_start3A_352 = arith.constant 0 : i32
    %dma_start3A_353 = arith.constant 0 : i32
    %dma_start3A_354 = tpu.memref_slice %arg10[%dma_start3A_348, %dma_start3A_352, %dma_start3A_353] : memref<2x16x1024xf32, #tpu.memory_space<vmem>> -> memref<1x16x1024xf32, #tpu.memory_space<vmem>>
    %dma_start3A_355 = tpu.memref_squeeze %dma_start3A_354 : memref<1x16x1024xf32, #tpu.memory_space<vmem>> -> memref<16x1024xf32, #tpu.memory_space<vmem>>
    %dma_start3A_356 = arith.constant 0 : i32
    %dma_start3A_357 = tpu.memref_slice %arg7[%add3A_347, %dma_start3A_349, %dma_start3A_356] : memref<2049x2x1024xf32, #tpu.memory_space<hbm>> -> memref<16x1x1024xf32, #tpu.memory_space<hbm>>
    %dma_start3A_358 = tpu.memref_squeeze %dma_start3A_357 : memref<16x1x1024xf32, #tpu.memory_space<hbm>> -> memref<16x1024xf32, #tpu.memory_space<hbm>>
    %dma_start3A_359 = tpu.memref_slice %arg17[%dma_start3A_350, %dma_start3A_351] : memref<3x2x!tpu.dma_semaphore, #tpu.memory_space<semaphore_mem>> -> memref<1x1x!tpu.dma_semaphore, #tpu.memory_space<semaphore_mem>>
    %dma_start3A_360 = tpu.memref_squeeze %dma_start3A_359 : memref<1x1x!tpu.dma_semaphore, #tpu.memory_space<semaphore_mem>> -> memref<!tpu.dma_semaphore, #tpu.memory_space<semaphore_mem>>
    %dma_start3A_361 = arith.constant 0 : i32
    %dma_start3A_362 = tpu.memref_slice %arg7[%add3A_347, %dma_start3A_349, %dma_start3A_361] : memref<2049x2x1024xf32, #tpu.memory_space<hbm>> -> memref<16x1x1024xf32, #tpu.memory_space<hbm>>
    %dma_start3A_363 = tpu.memref_squeeze %dma_start3A_362 : memref<16x1x1024xf32, #tpu.memory_space<hbm>> -> memref<16x1024xf32, #tpu.memory_space<hbm>>
    %dma_start3A_364 = arith.constant 0 : i32
    %dma_start3A_365 = arith.constant 0 : i32
    %dma_start3A_366 = tpu.memref_slice %arg10[%dma_start3A_348, %dma_start3A_364, %dma_start3A_365] : memref<2x16x1024xf32, #tpu.memory_space<vmem>> -> memref<1x16x1024xf32, #tpu.memory_space<vmem>>
    %dma_start3A_367 = tpu.memref_squeeze %dma_start3A_366 : memref<1x16x1024xf32, #tpu.memory_space<vmem>> -> memref<16x1024xf32, #tpu.memory_space<vmem>>
    tpu.enqueue_dma source(%dma_start3A_367 : memref<16x1024xf32, #tpu.memory_space<vmem>>) target(%dma_start3A_363 : memref<16x1024xf32, #tpu.memory_space<hbm>>) target_semaphore(%dma_start3A_360 : memref<!tpu.dma_semaphore, #tpu.memory_space<semaphore_mem>>)
    %add3A_368 = arith.constant 32 : i32
    %add3A_369 = arith.addi %mul3A_2, %add3A_368 : i32
    %dma_start3A_370 = arith.constant 1 : i32
    %dma_start3A_371 = arith.constant 1 : i32
    %dma_start3A_372 = arith.constant 2 : i32
    %dma_start3A_373 = arith.constant 1 : i32
    %dma_start3A_374 = arith.constant 0 : i32
    %dma_start3A_375 = arith.constant 0 : i32
    %dma_start3A_376 = tpu.memref_slice %arg10[%dma_start3A_370, %dma_start3A_374, %dma_start3A_375] : memref<2x16x1024xf32, #tpu.memory_space<vmem>> -> memref<1x16x1024xf32, #tpu.memory_space<vmem>>
    %dma_start3A_377 = tpu.memref_squeeze %dma_start3A_376 : memref<1x16x1024xf32, #tpu.memory_space<vmem>> -> memref<16x1024xf32, #tpu.memory_space<vmem>>
    %dma_start3A_378 = arith.constant 0 : i32
    %dma_start3A_379 = tpu.memref_slice %arg7[%add3A_369, %dma_start3A_371, %dma_start3A_378] : memref<2049x2x1024xf32, #tpu.memory_space<hbm>> -> memref<16x1x1024xf32, #tpu.memory_space<hbm>>
    %dma_start3A_380 = tpu.memref_squeeze %dma_start3A_379 : memref<16x1x1024xf32, #tpu.memory_space<hbm>> -> memref<16x1024xf32, #tpu.memory_space<hbm>>
    %dma_start3A_381 = tpu.memref_slice %arg17[%dma_start3A_372, %dma_start3A_373] : memref<3x2x!tpu.dma_semaphore, #tpu.memory_space<semaphore_mem>> -> memref<1x1x!tpu.dma_semaphore, #tpu.memory_space<semaphore_mem>>
    %dma_start3A_382 = tpu.memref_squeeze %dma_start3A_381 : memref<1x1x!tpu.dma_semaphore, #tpu.memory_space<semaphore_mem>> -> memref<!tpu.dma_semaphore, #tpu.memory_space<semaphore_mem>>
    %dma_start3A_383 = arith.constant 0 : i32
    %dma_start3A_384 = tpu.memref_slice %arg7[%add3A_369, %dma_start3A_371, %dma_start3A_383] : memref<2049x2x1024xf32, #tpu.memory_space<hbm>> -> memref<16x1x1024xf32, #tpu.memory_space<hbm>>
    %dma_start3A_385 = tpu.memref_squeeze %dma_start3A_384 : memref<16x1x1024xf32, #tpu.memory_space<hbm>> -> memref<16x1024xf32, #tpu.memory_space<hbm>>
    %dma_start3A_386 = arith.constant 0 : i32
    %dma_start3A_387 = arith.constant 0 : i32
    %dma_start3A_388 = tpu.memref_slice %arg10[%dma_start3A_370, %dma_start3A_386, %dma_start3A_387] : memref<2x16x1024xf32, #tpu.memory_space<vmem>> -> memref<1x16x1024xf32, #tpu.memory_space<vmem>>
    %dma_start3A_389 = tpu.memref_squeeze %dma_start3A_388 : memref<1x16x1024xf32, #tpu.memory_space<vmem>> -> memref<16x1024xf32, #tpu.memory_space<vmem>>
    tpu.enqueue_dma source(%dma_start3A_389 : memref<16x1024xf32, #tpu.memory_space<vmem>>) target(%dma_start3A_385 : memref<16x1024xf32, #tpu.memory_space<hbm>>) target_semaphore(%dma_start3A_382 : memref<!tpu.dma_semaphore, #tpu.memory_space<semaphore_mem>>)
    %dma_wait3A_390 = arith.constant 0 : i32
    %dma_wait3A_391 = arith.constant 0 : i32
    %dma_wait3A_392 = arith.constant 0 : i32
    %dma_wait3A_393 = arith.constant 0 : i32
    %dma_wait3A_394 = arith.constant 0 : i32
    %dma_wait3A_395 = arith.constant 0 : i32
    %dma_wait3A_396 = tpu.memref_slice %arg8[%dma_wait3A_390, %dma_wait3A_394, %dma_wait3A_395] : memref<2x16x1024xf32, #tpu.memory_space<vmem>> -> memref<1x16x1024xf32, #tpu.memory_space<vmem>>
    %dma_wait3A_397 = tpu.memref_squeeze %dma_wait3A_396 : memref<1x16x1024xf32, #tpu.memory_space<vmem>> -> memref<16x1024xf32, #tpu.memory_space<vmem>>
    %dma_wait3A_398 = arith.constant 0 : i32
    %dma_wait3A_399 = tpu.memref_slice %arg7[%add3A_179, %dma_wait3A_391, %dma_wait3A_398] : memref<2049x2x1024xf32, #tpu.memory_space<hbm>> -> memref<16x1x1024xf32, #tpu.memory_space<hbm>>
    %dma_wait3A_400 = tpu.memref_squeeze %dma_wait3A_399 : memref<16x1x1024xf32, #tpu.memory_space<hbm>> -> memref<16x1024xf32, #tpu.memory_space<hbm>>
    %dma_wait3A_401 = tpu.memref_slice %arg17[%dma_wait3A_392, %dma_wait3A_393] : memref<3x2x!tpu.dma_semaphore, #tpu.memory_space<semaphore_mem>> -> memref<1x1x!tpu.dma_semaphore, #tpu.memory_space<semaphore_mem>>
    %dma_wait3A_402 = tpu.memref_squeeze %dma_wait3A_401 : memref<1x1x!tpu.dma_semaphore, #tpu.memory_space<semaphore_mem>> -> memref<!tpu.dma_semaphore, #tpu.memory_space<semaphore_mem>>
    %dma_wait3A_403 = arith.constant 0 : i32
    %dma_wait3A_404 = tpu.memref_slice %arg7[%add3A_179, %dma_wait3A_391, %dma_wait3A_403] : memref<2049x2x1024xf32, #tpu.memory_space<hbm>> -> memref<16x1x1024xf32, #tpu.memory_space<hbm>>
    %dma_wait3A_405 = tpu.memref_squeeze %dma_wait3A_404 : memref<16x1x1024xf32, #tpu.memory_space<hbm>> -> memref<16x1024xf32, #tpu.memory_space<hbm>>
    %dma_wait3A_406 = arith.constant 0 : i32
    %dma_wait3A_407 = arith.constant 0 : i32
    %dma_wait3A_408 = tpu.memref_slice %arg8[%dma_wait3A_390, %dma_wait3A_406, %dma_wait3A_407] : memref<2x16x1024xf32, #tpu.memory_space<vmem>> -> memref<1x16x1024xf32, #tpu.memory_space<vmem>>
    %dma_wait3A_409 = tpu.memref_squeeze %dma_wait3A_408 : memref<1x16x1024xf32, #tpu.memory_space<vmem>> -> memref<16x1024xf32, #tpu.memory_space<vmem>>
    tpu.wait_dma2 semaphore(%dma_wait3A_402 : memref<!tpu.dma_semaphore, #tpu.memory_space<semaphore_mem>>) src(%dma_wait3A_409 : memref<16x1024xf32, #tpu.memory_space<vmem>>) dst(%dma_wait3A_405 : memref<16x1024xf32, #tpu.memory_space<hbm>>)
    %dma_wait3A_410 = arith.constant 1 : i32
    %dma_wait3A_411 = arith.constant 1 : i32
    %dma_wait3A_412 = arith.constant 0 : i32
    %dma_wait3A_413 = arith.constant 1 : i32
    %dma_wait3A_414 = arith.constant 0 : i32
    %dma_wait3A_415 = arith.constant 0 : i32
    %dma_wait3A_416 = tpu.memref_slice %arg8[%dma_wait3A_410, %dma_wait3A_414, %dma_wait3A_415] : memref<2x16x1024xf32, #tpu.memory_space<vmem>> -> memref<1x16x1024xf32, #tpu.memory_space<vmem>>
    %dma_wait3A_417 = tpu.memref_squeeze %dma_wait3A_416 : memref<1x16x1024xf32, #tpu.memory_space<vmem>> -> memref<16x1024xf32, #tpu.memory_space<vmem>>
    %dma_wait3A_418 = arith.constant 0 : i32
    %dma_wait3A_419 = tpu.memref_slice %arg7[%add3A_201, %dma_wait3A_411, %dma_wait3A_418] : memref<2049x2x1024xf32, #tpu.memory_space<hbm>> -> memref<16x1x1024xf32, #tpu.memory_space<hbm>>
    %dma_wait3A_420 = tpu.memref_squeeze %dma_wait3A_419 : memref<16x1x1024xf32, #tpu.memory_space<hbm>> -> memref<16x1024xf32, #tpu.memory_space<hbm>>
    %dma_wait3A_421 = tpu.memref_slice %arg17[%dma_wait3A_412, %dma_wait3A_413] : memref<3x2x!tpu.dma_semaphore, #tpu.memory_space<semaphore_mem>> -> memref<1x1x!tpu.dma_semaphore, #tpu.memory_space<semaphore_mem>>
    %dma_wait3A_422 = tpu.memref_squeeze %dma_wait3A_421 : memref<1x1x!tpu.dma_semaphore, #tpu.memory_space<semaphore_mem>> -> memref<!tpu.dma_semaphore, #tpu.memory_space<semaphore_mem>>
    %dma_wait3A_423 = arith.constant 0 : i32
    %dma_wait3A_424 = tpu.memref_slice %arg7[%add3A_201, %dma_wait3A_411, %dma_wait3A_423] : memref<2049x2x1024xf32, #tpu.memory_space<hbm>> -> memref<16x1x1024xf32, #tpu.memory_space<hbm>>
    %dma_wait3A_425 = tpu.memref_squeeze %dma_wait3A_424 : memref<16x1x1024xf32, #tpu.memory_space<hbm>> -> memref<16x1024xf32, #tpu.memory_space<hbm>>
    %dma_wait3A_426 = arith.constant 0 : i32
    %dma_wait3A_427 = arith.constant 0 : i32
    %dma_wait3A_428 = tpu.memref_slice %arg8[%dma_wait3A_410, %dma_wait3A_426, %dma_wait3A_427] : memref<2x16x1024xf32, #tpu.memory_space<vmem>> -> memref<1x16x1024xf32, #tpu.memory_space<vmem>>
    %dma_wait3A_429 = tpu.memref_squeeze %dma_wait3A_428 : memref<1x16x1024xf32, #tpu.memory_space<vmem>> -> memref<16x1024xf32, #tpu.memory_space<vmem>>
    tpu.wait_dma2 semaphore(%dma_wait3A_422 : memref<!tpu.dma_semaphore, #tpu.memory_space<semaphore_mem>>) src(%dma_wait3A_429 : memref<16x1024xf32, #tpu.memory_space<vmem>>) dst(%dma_wait3A_425 : memref<16x1024xf32, #tpu.memory_space<hbm>>)
    %add3A_430 = arith.constant 48 : i32
    %add3A_431 = arith.addi %mul3A_2, %add3A_430 : i32
    %dma_start3A_432 = arith.constant 0 : i32
    %dma_start3A_433 = arith.constant 0 : i32
    %dma_start3A_434 = arith.constant 0 : i32
    %dma_start3A_435 = arith.constant 0 : i32
    %dma_start3A_436 = arith.constant 0 : i32
    %dma_start3A_437 = arith.constant 0 : i32
    %dma_start3A_438 = tpu.memref_slice %arg8[%dma_start3A_433, %dma_start3A_436, %dma_start3A_437] : memref<2x16x1024xf32, #tpu.memory_space<vmem>> -> memref<1x16x1024xf32, #tpu.memory_space<vmem>>
    %dma_start3A_439 = tpu.memref_squeeze %dma_start3A_438 : memref<1x16x1024xf32, #tpu.memory_space<vmem>> -> memref<16x1024xf32, #tpu.memory_space<vmem>>
    %dma_start3A_440 = arith.constant 0 : i32
    %dma_start3A_441 = tpu.memref_slice %arg4[%dma_start3A_432, %add3A_431, %dma_start3A_440] : memref<2x2048x1024xf32, #tpu.memory_space<hbm>> -> memref<1x16x1024xf32, #tpu.memory_space<hbm>>
    %dma_start3A_442 = tpu.memref_squeeze %dma_start3A_441 : memref<1x16x1024xf32, #tpu.memory_space<hbm>> -> memref<16x1024xf32, #tpu.memory_space<hbm>>
    %dma_start3A_443 = tpu.memref_slice %arg16[%dma_start3A_434, %dma_start3A_435] : memref<3x2x!tpu.dma_semaphore, #tpu.memory_space<semaphore_mem>> -> memref<1x1x!tpu.dma_semaphore, #tpu.memory_space<semaphore_mem>>
    %dma_start3A_444 = tpu.memref_squeeze %dma_start3A_443 : memref<1x1x!tpu.dma_semaphore, #tpu.memory_space<semaphore_mem>> -> memref<!tpu.dma_semaphore, #tpu.memory_space<semaphore_mem>>
    %dma_start3A_445 = arith.constant 0 : i32
    %dma_start3A_446 = arith.constant 0 : i32
    %dma_start3A_447 = tpu.memref_slice %arg8[%dma_start3A_433, %dma_start3A_445, %dma_start3A_446] : memref<2x16x1024xf32, #tpu.memory_space<vmem>> -> memref<1x16x1024xf32, #tpu.memory_space<vmem>>
    %dma_start3A_448 = tpu.memref_squeeze %dma_start3A_447 : memref<1x16x1024xf32, #tpu.memory_space<vmem>> -> memref<16x1024xf32, #tpu.memory_space<vmem>>
    %dma_start3A_449 = arith.constant 0 : i32
    %dma_start3A_450 = tpu.memref_slice %arg4[%dma_start3A_432, %add3A_431, %dma_start3A_449] : memref<2x2048x1024xf32, #tpu.memory_space<hbm>> -> memref<1x16x1024xf32, #tpu.memory_space<hbm>>
    %dma_start3A_451 = tpu.memref_squeeze %dma_start3A_450 : memref<1x16x1024xf32, #tpu.memory_space<hbm>> -> memref<16x1024xf32, #tpu.memory_space<hbm>>
    tpu.enqueue_dma source(%dma_start3A_451 : memref<16x1024xf32, #tpu.memory_space<hbm>>) target(%dma_start3A_448 : memref<16x1024xf32, #tpu.memory_space<vmem>>) target_semaphore(%dma_start3A_444 : memref<!tpu.dma_semaphore, #tpu.memory_space<semaphore_mem>>)
    %add3A_452 = arith.constant 48 : i32
    %add3A_453 = arith.addi %mul3A_2, %add3A_452 : i32
    %dma_start3A_454 = arith.constant 1 : i32
    %dma_start3A_455 = arith.constant 1 : i32
    %dma_start3A_456 = arith.constant 0 : i32
    %dma_start3A_457 = arith.constant 1 : i32
    %dma_start3A_458 = arith.constant 0 : i32
    %dma_start3A_459 = arith.constant 0 : i32
    %dma_start3A_460 = tpu.memref_slice %arg8[%dma_start3A_455, %dma_start3A_458, %dma_start3A_459] : memref<2x16x1024xf32, #tpu.memory_space<vmem>> -> memref<1x16x1024xf32, #tpu.memory_space<vmem>>
    %dma_start3A_461 = tpu.memref_squeeze %dma_start3A_460 : memref<1x16x1024xf32, #tpu.memory_space<vmem>> -> memref<16x1024xf32, #tpu.memory_space<vmem>>
    %dma_start3A_462 = arith.constant 0 : i32
    %dma_start3A_463 = tpu.memref_slice %arg4[%dma_start3A_454, %add3A_453, %dma_start3A_462] : memref<2x2048x1024xf32, #tpu.memory_space<hbm>> -> memref<1x16x1024xf32, #tpu.memory_space<hbm>>
    %dma_start3A_464 = tpu.memref_squeeze %dma_start3A_463 : memref<1x16x1024xf32, #tpu.memory_space<hbm>> -> memref<16x1024xf32, #tpu.memory_space<hbm>>
    %dma_start3A_465 = tpu.memref_slice %arg16[%dma_start3A_456, %dma_start3A_457] : memref<3x2x!tpu.dma_semaphore, #tpu.memory_space<semaphore_mem>> -> memref<1x1x!tpu.dma_semaphore, #tpu.memory_space<semaphore_mem>>
    %dma_start3A_466 = tpu.memref_squeeze %dma_start3A_465 : memref<1x1x!tpu.dma_semaphore, #tpu.memory_space<semaphore_mem>> -> memref<!tpu.dma_semaphore, #tpu.memory_space<semaphore_mem>>
    %dma_start3A_467 = arith.constant 0 : i32
    %dma_start3A_468 = arith.constant 0 : i32
    %dma_start3A_469 = tpu.memref_slice %arg8[%dma_start3A_455, %dma_start3A_467, %dma_start3A_468] : memref<2x16x1024xf32, #tpu.memory_space<vmem>> -> memref<1x16x1024xf32, #tpu.memory_space<vmem>>
    %dma_start3A_470 = tpu.memref_squeeze %dma_start3A_469 : memref<1x16x1024xf32, #tpu.memory_space<vmem>> -> memref<16x1024xf32, #tpu.memory_space<vmem>>
    %dma_start3A_471 = arith.constant 0 : i32
    %dma_start3A_472 = tpu.memref_slice %arg4[%dma_start3A_454, %add3A_453, %dma_start3A_471] : memref<2x2048x1024xf32, #tpu.memory_space<hbm>> -> memref<1x16x1024xf32, #tpu.memory_space<hbm>>
    %dma_start3A_473 = tpu.memref_squeeze %dma_start3A_472 : memref<1x16x1024xf32, #tpu.memory_space<hbm>> -> memref<16x1024xf32, #tpu.memory_space<hbm>>
    tpu.enqueue_dma source(%dma_start3A_473 : memref<16x1024xf32, #tpu.memory_space<hbm>>) target(%dma_start3A_470 : memref<16x1024xf32, #tpu.memory_space<vmem>>) target_semaphore(%dma_start3A_466 : memref<!tpu.dma_semaphore, #tpu.memory_space<semaphore_mem>>)
    %dma_wait3A_474 = arith.constant 0 : i32
    %dma_wait3A_475 = arith.constant 0 : i32
    %dma_wait3A_476 = arith.constant 0 : i32
    %dma_wait3A_477 = arith.constant 0 : i32
    %dma_wait3A_478 = arith.constant 0 : i32
    %dma_wait3A_479 = arith.constant 0 : i32
    %dma_wait3A_480 = tpu.memref_slice %arg8[%dma_wait3A_475, %dma_wait3A_478, %dma_wait3A_479] : memref<2x16x1024xf32, #tpu.memory_space<vmem>> -> memref<1x16x1024xf32, #tpu.memory_space<vmem>>
    %dma_wait3A_481 = tpu.memref_squeeze %dma_wait3A_480 : memref<1x16x1024xf32, #tpu.memory_space<vmem>> -> memref<16x1024xf32, #tpu.memory_space<vmem>>
    %dma_wait3A_482 = arith.constant 0 : i32
    %dma_wait3A_483 = tpu.memref_slice %arg4[%dma_wait3A_474, %add3A_431, %dma_wait3A_482] : memref<2x2048x1024xf32, #tpu.memory_space<hbm>> -> memref<1x16x1024xf32, #tpu.memory_space<hbm>>
    %dma_wait3A_484 = tpu.memref_squeeze %dma_wait3A_483 : memref<1x16x1024xf32, #tpu.memory_space<hbm>> -> memref<16x1024xf32, #tpu.memory_space<hbm>>
    %dma_wait3A_485 = tpu.memref_slice %arg16[%dma_wait3A_476, %dma_wait3A_477] : memref<3x2x!tpu.dma_semaphore, #tpu.memory_space<semaphore_mem>> -> memref<1x1x!tpu.dma_semaphore, #tpu.memory_space<semaphore_mem>>
    %dma_wait3A_486 = tpu.memref_squeeze %dma_wait3A_485 : memref<1x1x!tpu.dma_semaphore, #tpu.memory_space<semaphore_mem>> -> memref<!tpu.dma_semaphore, #tpu.memory_space<semaphore_mem>>
    %dma_wait3A_487 = arith.constant 0 : i32
    %dma_wait3A_488 = arith.constant 0 : i32
    %dma_wait3A_489 = tpu.memref_slice %arg8[%dma_wait3A_475, %dma_wait3A_487, %dma_wait3A_488] : memref<2x16x1024xf32, #tpu.memory_space<vmem>> -> memref<1x16x1024xf32, #tpu.memory_space<vmem>>
    %dma_wait3A_490 = tpu.memref_squeeze %dma_wait3A_489 : memref<1x16x1024xf32, #tpu.memory_space<vmem>> -> memref<16x1024xf32, #tpu.memory_space<vmem>>
    %dma_wait3A_491 = arith.constant 0 : i32
    %dma_wait3A_492 = tpu.memref_slice %arg4[%dma_wait3A_474, %add3A_431, %dma_wait3A_491] : memref<2x2048x1024xf32, #tpu.memory_space<hbm>> -> memref<1x16x1024xf32, #tpu.memory_space<hbm>>
    %dma_wait3A_493 = tpu.memref_squeeze %dma_wait3A_492 : memref<1x16x1024xf32, #tpu.memory_space<hbm>> -> memref<16x1024xf32, #tpu.memory_space<hbm>>
    tpu.wait_dma2 semaphore(%dma_wait3A_486 : memref<!tpu.dma_semaphore, #tpu.memory_space<semaphore_mem>>) src(%dma_wait3A_493 : memref<16x1024xf32, #tpu.memory_space<hbm>>) dst(%dma_wait3A_490 : memref<16x1024xf32, #tpu.memory_space<vmem>>)
    %dma_wait3A_494 = arith.constant 1 : i32
    %dma_wait3A_495 = arith.constant 1 : i32
    %dma_wait3A_496 = arith.constant 0 : i32
    %dma_wait3A_497 = arith.constant 1 : i32
    %dma_wait3A_498 = arith.constant 0 : i32
    %dma_wait3A_499 = arith.constant 0 : i32
    %dma_wait3A_500 = tpu.memref_slice %arg8[%dma_wait3A_495, %dma_wait3A_498, %dma_wait3A_499] : memref<2x16x1024xf32, #tpu.memory_space<vmem>> -> memref<1x16x1024xf32, #tpu.memory_space<vmem>>
    %dma_wait3A_501 = tpu.memref_squeeze %dma_wait3A_500 : memref<1x16x1024xf32, #tpu.memory_space<vmem>> -> memref<16x1024xf32, #tpu.memory_space<vmem>>
    %dma_wait3A_502 = arith.constant 0 : i32
    %dma_wait3A_503 = tpu.memref_slice %arg4[%dma_wait3A_494, %add3A_453, %dma_wait3A_502] : memref<2x2048x1024xf32, #tpu.memory_space<hbm>> -> memref<1x16x1024xf32, #tpu.memory_space<hbm>>
    %dma_wait3A_504 = tpu.memref_squeeze %dma_wait3A_503 : memref<1x16x1024xf32, #tpu.memory_space<hbm>> -> memref<16x1024xf32, #tpu.memory_space<hbm>>
    %dma_wait3A_505 = tpu.memref_slice %arg16[%dma_wait3A_496, %dma_wait3A_497] : memref<3x2x!tpu.dma_semaphore, #tpu.memory_space<semaphore_mem>> -> memref<1x1x!tpu.dma_semaphore, #tpu.memory_space<semaphore_mem>>
    %dma_wait3A_506 = tpu.memref_squeeze %dma_wait3A_505 : memref<1x1x!tpu.dma_semaphore, #tpu.memory_space<semaphore_mem>> -> memref<!tpu.dma_semaphore, #tpu.memory_space<semaphore_mem>>
    %dma_wait3A_507 = arith.constant 0 : i32
    %dma_wait3A_508 = arith.constant 0 : i32
    %dma_wait3A_509 = tpu.memref_slice %arg8[%dma_wait3A_495, %dma_wait3A_507, %dma_wait3A_508] : memref<2x16x1024xf32, #tpu.memory_space<vmem>> -> memref<1x16x1024xf32, #tpu.memory_space<vmem>>
    %dma_wait3A_510 = tpu.memref_squeeze %dma_wait3A_509 : memref<1x16x1024xf32, #tpu.memory_space<vmem>> -> memref<16x1024xf32, #tpu.memory_space<vmem>>
    %dma_wait3A_511 = arith.constant 0 : i32
    %dma_wait3A_512 = tpu.memref_slice %arg4[%dma_wait3A_494, %add3A_453, %dma_wait3A_511] : memref<2x2048x1024xf32, #tpu.memory_space<hbm>> -> memref<1x16x1024xf32, #tpu.memory_space<hbm>>
    %dma_wait3A_513 = tpu.memref_squeeze %dma_wait3A_512 : memref<1x16x1024xf32, #tpu.memory_space<hbm>> -> memref<16x1024xf32, #tpu.memory_space<hbm>>
    tpu.wait_dma2 semaphore(%dma_wait3A_506 : memref<!tpu.dma_semaphore, #tpu.memory_space<semaphore_mem>>) src(%dma_wait3A_513 : memref<16x1024xf32, #tpu.memory_space<hbm>>) dst(%dma_wait3A_510 : memref<16x1024xf32, #tpu.memory_space<vmem>>)
    %add3A_514 = arith.constant 48 : i32
    %add3A_515 = arith.addi %mul3A_2, %add3A_514 : i32
    %dma_start3A_516 = arith.constant 0 : i32
    %dma_start3A_517 = arith.constant 0 : i32
    %dma_start3A_518 = arith.constant 0 : i32
    %dma_start3A_519 = arith.constant 0 : i32
    %dma_start3A_520 = arith.constant 0 : i32
    %dma_start3A_521 = arith.constant 0 : i32
    %dma_start3A_522 = tpu.memref_slice %arg8[%dma_start3A_516, %dma_start3A_520, %dma_start3A_521] : memref<2x16x1024xf32, #tpu.memory_space<vmem>> -> memref<1x16x1024xf32, #tpu.memory_space<vmem>>
    %dma_start3A_523 = tpu.memref_squeeze %dma_start3A_522 : memref<1x16x1024xf32, #tpu.memory_space<vmem>> -> memref<16x1024xf32, #tpu.memory_space<vmem>>
    %dma_start3A_524 = arith.constant 0 : i32
    %dma_start3A_525 = tpu.memref_slice %arg7[%add3A_515, %dma_start3A_517, %dma_start3A_524] : memref<2049x2x1024xf32, #tpu.memory_space<hbm>> -> memref<16x1x1024xf32, #tpu.memory_space<hbm>>
    %dma_start3A_526 = tpu.memref_squeeze %dma_start3A_525 : memref<16x1x1024xf32, #tpu.memory_space<hbm>> -> memref<16x1024xf32, #tpu.memory_space<hbm>>
    %dma_start3A_527 = tpu.memref_slice %arg17[%dma_start3A_518, %dma_start3A_519] : memref<3x2x!tpu.dma_semaphore, #tpu.memory_space<semaphore_mem>> -> memref<1x1x!tpu.dma_semaphore, #tpu.memory_space<semaphore_mem>>
    %dma_start3A_528 = tpu.memref_squeeze %dma_start3A_527 : memref<1x1x!tpu.dma_semaphore, #tpu.memory_space<semaphore_mem>> -> memref<!tpu.dma_semaphore, #tpu.memory_space<semaphore_mem>>
    %dma_start3A_529 = arith.constant 0 : i32
    %dma_start3A_530 = tpu.memref_slice %arg7[%add3A_515, %dma_start3A_517, %dma_start3A_529] : memref<2049x2x1024xf32, #tpu.memory_space<hbm>> -> memref<16x1x1024xf32, #tpu.memory_space<hbm>>
    %dma_start3A_531 = tpu.memref_squeeze %dma_start3A_530 : memref<16x1x1024xf32, #tpu.memory_space<hbm>> -> memref<16x1024xf32, #tpu.memory_space<hbm>>
    %dma_start3A_532 = arith.constant 0 : i32
    %dma_start3A_533 = arith.constant 0 : i32
    %dma_start3A_534 = tpu.memref_slice %arg8[%dma_start3A_516, %dma_start3A_532, %dma_start3A_533] : memref<2x16x1024xf32, #tpu.memory_space<vmem>> -> memref<1x16x1024xf32, #tpu.memory_space<vmem>>
    %dma_start3A_535 = tpu.memref_squeeze %dma_start3A_534 : memref<1x16x1024xf32, #tpu.memory_space<vmem>> -> memref<16x1024xf32, #tpu.memory_space<vmem>>
    tpu.enqueue_dma source(%dma_start3A_535 : memref<16x1024xf32, #tpu.memory_space<vmem>>) target(%dma_start3A_531 : memref<16x1024xf32, #tpu.memory_space<hbm>>) target_semaphore(%dma_start3A_528 : memref<!tpu.dma_semaphore, #tpu.memory_space<semaphore_mem>>)
    %add3A_536 = arith.constant 48 : i32
    %add3A_537 = arith.addi %mul3A_2, %add3A_536 : i32
    %dma_start3A_538 = arith.constant 1 : i32
    %dma_start3A_539 = arith.constant 1 : i32
    %dma_start3A_540 = arith.constant 0 : i32
    %dma_start3A_541 = arith.constant 1 : i32
    %dma_start3A_542 = arith.constant 0 : i32
    %dma_start3A_543 = arith.constant 0 : i32
    %dma_start3A_544 = tpu.memref_slice %arg8[%dma_start3A_538, %dma_start3A_542, %dma_start3A_543] : memref<2x16x1024xf32, #tpu.memory_space<vmem>> -> memref<1x16x1024xf32, #tpu.memory_space<vmem>>
    %dma_start3A_545 = tpu.memref_squeeze %dma_start3A_544 : memref<1x16x1024xf32, #tpu.memory_space<vmem>> -> memref<16x1024xf32, #tpu.memory_space<vmem>>
    %dma_start3A_546 = arith.constant 0 : i32
    %dma_start3A_547 = tpu.memref_slice %arg7[%add3A_537, %dma_start3A_539, %dma_start3A_546] : memref<2049x2x1024xf32, #tpu.memory_space<hbm>> -> memref<16x1x1024xf32, #tpu.memory_space<hbm>>
    %dma_start3A_548 = tpu.memref_squeeze %dma_start3A_547 : memref<16x1x1024xf32, #tpu.memory_space<hbm>> -> memref<16x1024xf32, #tpu.memory_space<hbm>>
    %dma_start3A_549 = tpu.memref_slice %arg17[%dma_start3A_540, %dma_start3A_541] : memref<3x2x!tpu.dma_semaphore, #tpu.memory_space<semaphore_mem>> -> memref<1x1x!tpu.dma_semaphore, #tpu.memory_space<semaphore_mem>>
    %dma_start3A_550 = tpu.memref_squeeze %dma_start3A_549 : memref<1x1x!tpu.dma_semaphore, #tpu.memory_space<semaphore_mem>> -> memref<!tpu.dma_semaphore, #tpu.memory_space<semaphore_mem>>
    %dma_start3A_551 = arith.constant 0 : i32
    %dma_start3A_552 = tpu.memref_slice %arg7[%add3A_537, %dma_start3A_539, %dma_start3A_551] : memref<2049x2x1024xf32, #tpu.memory_space<hbm>> -> memref<16x1x1024xf32, #tpu.memory_space<hbm>>
    %dma_start3A_553 = tpu.memref_squeeze %dma_start3A_552 : memref<16x1x1024xf32, #tpu.memory_space<hbm>> -> memref<16x1024xf32, #tpu.memory_space<hbm>>
    %dma_start3A_554 = arith.constant 0 : i32
    %dma_start3A_555 = arith.constant 0 : i32
    %dma_start3A_556 = tpu.memref_slice %arg8[%dma_start3A_538, %dma_start3A_554, %dma_start3A_555] : memref<2x16x1024xf32, #tpu.memory_space<vmem>> -> memref<1x16x1024xf32, #tpu.memory_space<vmem>>
    %dma_start3A_557 = tpu.memref_squeeze %dma_start3A_556 : memref<1x16x1024xf32, #tpu.memory_space<vmem>> -> memref<16x1024xf32, #tpu.memory_space<vmem>>
    tpu.enqueue_dma source(%dma_start3A_557 : memref<16x1024xf32, #tpu.memory_space<vmem>>) target(%dma_start3A_553 : memref<16x1024xf32, #tpu.memory_space<hbm>>) target_semaphore(%dma_start3A_550 : memref<!tpu.dma_semaphore, #tpu.memory_space<semaphore_mem>>)
    %convert_element_type3A_558 = arith.extui %eq3A_3 : i1 to i32
    %cond3A_559 = arith.constant 0 : i32
    %cond3A_560 = arith.cmpi ne, %convert_element_type3A_558, %cond3A_559 : i32
    scf.if %cond3A_560 {
      %dma_wait3A_681 = arith.constant 0 : i32
      %dma_wait3A_682 = arith.constant 0 : i32
      %dma_wait3A_683 = tpu.memref_slice %arg5[%dma_wait3A_681, %dma_wait3A_682] : memref<8194x1024xf32, #tpu.memory_space<hbm>> -> memref<8194x1024xf32, #tpu.memory_space<hbm>>
      tpu.wait_indirect_dma semaphore(%arg20 : memref<!tpu.dma_semaphore, #tpu.memory_space<semaphore_mem>>) src(%dma_wait3A_683 : memref<8194x1024xf32, #tpu.memory_space<hbm>>) dst(%arg13 : memref<1x1024xf32, #tpu.memory_space<vmem>>)
      %dma_wait3A_684 = arith.constant 0 : i32
      %dma_wait3A_685 = arith.constant 0 : i32
      %dma_wait3A_686 = tpu.memref_slice %arg6[%dma_wait3A_684, %dma_wait3A_685] : memref<4096x1024xf32, #tpu.memory_space<hbm>> -> memref<4096x1024xf32, #tpu.memory_space<hbm>>
      tpu.wait_indirect_dma semaphore(%arg21 : memref<!tpu.dma_semaphore, #tpu.memory_space<semaphore_mem>>) src(%dma_wait3A_686 : memref<4096x1024xf32, #tpu.memory_space<hbm>>) dst(%arg14 : memref<1x1024xf32, #tpu.memory_space<vmem>>)
      %get3A = arith.constant 0 : i32
      %get3A_687 = arith.index_cast %get3A : i32 to index
      %get3A_688 = arith.constant 0 : index
      %get3A_689 = tpu.vector_load %arg13[%get3A_687, %get3A_688] {strides = array<i32>} : memref<1x1024xf32, #tpu.memory_space<vmem>>, vector<1x16xf32>,
      %get3A_690 = vector.shape_cast %get3A_689 : vector<1x16xf32> to vector<16xf32>
      %get3A_691 = arith.constant 0 : i32
      %get3A_692 = arith.index_cast %get3A_691 : i32 to index
      %get3A_693 = arith.constant 0 : index
      %get3A_694 = tpu.vector_load %arg14[%get3A_692, %get3A_693] {strides = array<i32>} : memref<1x1024xf32, #tpu.memory_space<vmem>>, vector<1x16xf32>,
      %get3A_695 = vector.shape_cast %get3A_694 : vector<1x16xf32> to vector<16xf32>
      %add3A_696 = arith.addf %get3A_690, %get3A_695 : vector<16xf32>
      %swap3A = arith.constant 0 : i32
      %swap3A_697 = arith.constant 0 : i32
      %swap3A_698 = arith.index_cast %swap3A : i32 to index
      %swap3A_699 = arith.index_cast %swap3A_697 : i32 to index
      %swap3A_700 = arith.constant 0 : index
      %swap3A_701 = tpu.vector_load %arg15[%swap3A_698, %swap3A_699, %swap3A_700] {strides = array<i32>} : memref<1x1x1024xf32, #tpu.memory_space<vmem>>, vector<1x1x16xf32>,
      %swap3A_702 = vector.shape_cast %swap3A_701 : vector<1x1x16xf32> to vector<16xf32>
      %swap3A_703 = vector.shape_cast %add3A_696 : vector<16xf32> to vector<1x1x16xf32>
      tpu.vector_store %arg15[%swap3A_698, %swap3A_699, %swap3A_700], %swap3A_703 {strides = array<i32>} : memref<1x1x1024xf32, #tpu.memory_space<vmem>>, vector<1x1x16xf32>,
      %get3A_704 = arith.constant 0 : i32
      %get3A_705 = arith.index_cast %get3A_704 : i32 to index
      %get3A_706 = arith.constant 16 : index
      %get3A_707 = tpu.vector_load %arg13[%get3A_705, %get3A_706] {strides = array<i32>} : memref<1x1024xf32, #tpu.memory_space<vmem>>, vector<1x16xf32>,
      %get3A_708 = vector.shape_cast %get3A_707 : vector<1x16xf32> to vector<16xf32>
      %get3A_709 = arith.constant 0 : i32
      %get3A_710 = arith.index_cast %get3A_709 : i32 to index
      %get3A_711 = arith.constant 16 : index
      %get3A_712 = tpu.vector_load %arg14[%get3A_710, %get3A_711] {strides = array<i32>} : memref<1x1024xf32, #tpu.memory_space<vmem>>, vector<1x16xf32>,
      %get3A_713 = vector.shape_cast %get3A_712 : vector<1x16xf32> to vector<16xf32>
      %add3A_714 = arith.addf %get3A_708, %get3A_713 : vector<16xf32>
      %swap3A_715 = arith.constant 0 : i32
      %swap3A_716 = arith.constant 0 : i32
      %swap3A_717 = arith.index_cast %swap3A_715 : i32 to index
      %swap3A_718 = arith.index_cast %swap3A_716 : i32 to index
      %swap3A_719 = arith.constant 16 : index
      %swap3A_720 = tpu.vector_load %arg15[%swap3A_717, %swap3A_718, %swap3A_719] {strides = array<i32>} : memref<1x1x1024xf32, #tpu.memory_space<vmem>>, vector<1x1x16xf32>,
      %swap3A_721 = vector.shape_cast %swap3A_720 : vector<1x1x16xf32> to vector<16xf32>
      %swap3A_722 = vector.shape_cast %add3A_714 : vector<16xf32> to vector<1x1x16xf32>
      tpu.vector_store %arg15[%swap3A_717, %swap3A_718, %swap3A_719], %swap3A_722 {strides = array<i32>} : memref<1x1x1024xf32, #tpu.memory_space<vmem>>, vector<1x1x16xf32>,
      %get3A_723 = arith.constant 0 : i32
      %get3A_724 = arith.index_cast %get3A_723 : i32 to index
      %get3A_725 = arith.constant 32 : index
      %get3A_726 = tpu.vector_load %arg13[%get3A_724, %get3A_725] {strides = array<i32>} : memref<1x1024xf32, #tpu.memory_space<vmem>>, vector<1x16xf32>,
      %get3A_727 = vector.shape_cast %get3A_726 : vector<1x16xf32> to vector<16xf32>
      %get3A_728 = arith.constant 0 : i32
      %get3A_729 = arith.index_cast %get3A_728 : i32 to index
      %get3A_730 = arith.constant 32 : index
      %get3A_731 = tpu.vector_load %arg14[%get3A_729, %get3A_730] {strides = array<i32>} : memref<1x1024xf32, #tpu.memory_space<vmem>>, vector<1x16xf32>,
      %get3A_732 = vector.shape_cast %get3A_731 : vector<1x16xf32> to vector<16xf32>
      %add3A_733 = arith.addf %get3A_727, %get3A_732 : vector<16xf32>
      %swap3A_734 = arith.constant 0 : i32
      %swap3A_735 = arith.constant 0 : i32
      %swap3A_736 = arith.index_cast %swap3A_734 : i32 to index
      %swap3A_737 = arith.index_cast %swap3A_735 : i32 to index
      %swap3A_738 = arith.constant 32 : index
      %swap3A_739 = tpu.vector_load %arg15[%swap3A_736, %swap3A_737, %swap3A_738] {strides = array<i32>} : memref<1x1x1024xf32, #tpu.memory_space<vmem>>, vector<1x1x16xf32>,
      %swap3A_740 = vector.shape_cast %swap3A_739 : vector<1x1x16xf32> to vector<16xf32>
      %swap3A_741 = vector.shape_cast %add3A_733 : vector<16xf32> to vector<1x1x16xf32>
      tpu.vector_store %arg15[%swap3A_736, %swap3A_737, %swap3A_738], %swap3A_741 {strides = array<i32>} : memref<1x1x1024xf32, #tpu.memory_space<vmem>>, vector<1x1x16xf32>,
      %get3A_742 = arith.constant 0 : i32
      %get3A_743 = arith.index_cast %get3A_742 : i32 to index
      %get3A_744 = arith.constant 48 : index
      %get3A_745 = tpu.vector_load %arg13[%get3A_743, %get3A_744] {strides = array<i32>} : memref<1x1024xf32, #tpu.memory_space<vmem>>, vector<1x16xf32>,
      %get3A_746 = vector.shape_cast %get3A_745 : vector<1x16xf32> to vector<16xf32>
      %get3A_747 = arith.constant 0 : i32
      %get3A_748 = arith.index_cast %get3A_747 : i32 to index
      %get3A_749 = arith.constant 48 : index
      %get3A_750 = tpu.vector_load %arg14[%get3A_748, %get3A_749] {strides = array<i32>} : memref<1x1024xf32, #tpu.memory_space<vmem>>, vector<1x16xf32>,
      %get3A_751 = vector.shape_cast %get3A_750 : vector<1x16xf32> to vector<16xf32>
      %add3A_752 = arith.addf %get3A_746, %get3A_751 : vector<16xf32>
      %swap3A_753 = arith.constant 0 : i32
      %swap3A_754 = arith.constant 0 : i32
      %swap3A_755 = arith.index_cast %swap3A_753 : i32 to index
      %swap3A_756 = arith.index_cast %swap3A_754 : i32 to index
      %swap3A_757 = arith.constant 48 : index
      %swap3A_758 = tpu.vector_load %arg15[%swap3A_755, %swap3A_756, %swap3A_757] {strides = array<i32>} : memref<1x1x1024xf32, #tpu.memory_space<vmem>>, vector<1x1x16xf32>,
      %swap3A_759 = vector.shape_cast %swap3A_758 : vector<1x1x16xf32> to vector<16xf32>
      %swap3A_760 = vector.shape_cast %add3A_752 : vector<16xf32> to vector<1x1x16xf32>
      tpu.vector_store %arg15[%swap3A_755, %swap3A_756, %swap3A_757], %swap3A_760 {strides = array<i32>} : memref<1x1x1024xf32, #tpu.memory_space<vmem>>, vector<1x1x16xf32>,
      %get3A_761 = arith.constant 0 : i32
      %get3A_762 = arith.index_cast %get3A_761 : i32 to index
      %get3A_763 = arith.constant 64 : index
      %get3A_764 = tpu.vector_load %arg13[%get3A_762, %get3A_763] {strides = array<i32>} : memref<1x1024xf32, #tpu.memory_space<vmem>>, vector<1x16xf32>,
      %get3A_765 = vector.shape_cast %get3A_764 : vector<1x16xf32> to vector<16xf32>
      %get3A_766 = arith.constant 0 : i32
      %get3A_767 = arith.index_cast %get3A_766 : i32 to index
      %get3A_768 = arith.constant 64 : index
      %get3A_769 = tpu.vector_load %arg14[%get3A_767, %get3A_768] {strides = array<i32>} : memref<1x1024xf32, #tpu.memory_space<vmem>>, vector<1x16xf32>,
      %get3A_770 = vector.shape_cast %get3A_769 : vector<1x16xf32> to vector<16xf32>
      %add3A_771 = arith.addf %get3A_765, %get3A_770 : vector<16xf32>
      %swap3A_772 = arith.constant 0 : i32
      %swap3A_773 = arith.constant 0 : i32
      %swap3A_774 = arith.index_cast %swap3A_772 : i32 to index
      %swap3A_775 = arith.index_cast %swap3A_773 : i32 to index
      %swap3A_776 = arith.constant 64 : index
      %swap3A_777 = tpu.vector_load %arg15[%swap3A_774, %swap3A_775, %swap3A_776] {strides = array<i32>} : memref<1x1x1024xf32, #tpu.memory_space<vmem>>, vector<1x1x16xf32>,
      %swap3A_778 = vector.shape_cast %swap3A_777 : vector<1x1x16xf32> to vector<16xf32>
      %swap3A_779 = vector.shape_cast %add3A_771 : vector<16xf32> to vector<1x1x16xf32>
      tpu.vector_store %arg15[%swap3A_774, %swap3A_775, %swap3A_776], %swap3A_779 {strides = array<i32>} : memref<1x1x1024xf32, #tpu.memory_space<vmem>>, vector<1x1x16xf32>,
      %get3A_780 = arith.constant 0 : i32
      %get3A_781 = arith.index_cast %get3A_780 : i32 to index
      %get3A_782 = arith.constant 80 : index
      %get3A_783 = tpu.vector_load %arg13[%get3A_781, %get3A_782] {strides = array<i32>} : memref<1x1024xf32, #tpu.memory_space<vmem>>, vector<1x16xf32>,
      %get3A_784 = vector.shape_cast %get3A_783 : vector<1x16xf32> to vector<16xf32>
      %get3A_785 = arith.constant 0 : i32
      %get3A_786 = arith.index_cast %get3A_785 : i32 to index
      %get3A_787 = arith.constant 80 : index
      %get3A_788 = tpu.vector_load %arg14[%get3A_786, %get3A_787] {strides = array<i32>} : memref<1x1024xf32, #tpu.memory_space<vmem>>, vector<1x16xf32>,
      %get3A_789 = vector.shape_cast %get3A_788 : vector<1x16xf32> to vector<16xf32>
      %add3A_790 = arith.addf %get3A_784, %get3A_789 : vector<16xf32>
      %swap3A_791 = arith.constant 0 : i32
      %swap3A_792 = arith.constant 0 : i32
      %swap3A_793 = arith.index_cast %swap3A_791 : i32 to index
      %swap3A_794 = arith.index_cast %swap3A_792 : i32 to index
      %swap3A_795 = arith.constant 80 : index
      %swap3A_796 = tpu.vector_load %arg15[%swap3A_793, %swap3A_794, %swap3A_795] {strides = array<i32>} : memref<1x1x1024xf32, #tpu.memory_space<vmem>>, vector<1x1x16xf32>,
      %swap3A_797 = vector.shape_cast %swap3A_796 : vector<1x1x16xf32> to vector<16xf32>
      %swap3A_798 = vector.shape_cast %add3A_790 : vector<16xf32> to vector<1x1x16xf32>
      tpu.vector_store %arg15[%swap3A_793, %swap3A_794, %swap3A_795], %swap3A_798 {strides = array<i32>} : memref<1x1x1024xf32, #tpu.memory_space<vmem>>, vector<1x1x16xf32>,
      %get3A_799 = arith.constant 0 : i32
      %get3A_800 = arith.index_cast %get3A_799 : i32 to index
      %get3A_801 = arith.constant 96 : index
      %get3A_802 = tpu.vector_load %arg13[%get3A_800, %get3A_801] {strides = array<i32>} : memref<1x1024xf32, #tpu.memory_space<vmem>>, vector<1x16xf32>,
      %get3A_803 = vector.shape_cast %get3A_802 : vector<1x16xf32> to vector<16xf32>
      %get3A_804 = arith.constant 0 : i32
      %get3A_805 = arith.index_cast %get3A_804 : i32 to index
      %get3A_806 = arith.constant 96 : index
      %get3A_807 = tpu.vector_load %arg14[%get3A_805, %get3A_806] {strides = array<i32>} : memref<1x1024xf32, #tpu.memory_space<vmem>>, vector<1x16xf32>,
      %get3A_808 = vector.shape_cast %get3A_807 : vector<1x16xf32> to vector<16xf32>
      %add3A_809 = arith.addf %get3A_803, %get3A_808 : vector<16xf32>
      %swap3A_810 = arith.constant 0 : i32
      %swap3A_811 = arith.constant 0 : i32
      %swap3A_812 = arith.index_cast %swap3A_810 : i32 to index
      %swap3A_813 = arith.index_cast %swap3A_811 : i32 to index
      %swap3A_814 = arith.constant 96 : index
      %swap3A_815 = tpu.vector_load %arg15[%swap3A_812, %swap3A_813, %swap3A_814] {strides = array<i32>} : memref<1x1x1024xf32, #tpu.memory_space<vmem>>, vector<1x1x16xf32>,
      %swap3A_816 = vector.shape_cast %swap3A_815 : vector<1x1x16xf32> to vector<16xf32>
      %swap3A_817 = vector.shape_cast %add3A_809 : vector<16xf32> to vector<1x1x16xf32>
      tpu.vector_store %arg15[%swap3A_812, %swap3A_813, %swap3A_814], %swap3A_817 {strides = array<i32>} : memref<1x1x1024xf32, #tpu.memory_space<vmem>>, vector<1x1x16xf32>,
      %get3A_818 = arith.constant 0 : i32
      %get3A_819 = arith.index_cast %get3A_818 : i32 to index
      %get3A_820 = arith.constant 112 : index
      %get3A_821 = tpu.vector_load %arg13[%get3A_819, %get3A_820] {strides = array<i32>} : memref<1x1024xf32, #tpu.memory_space<vmem>>, vector<1x16xf32>,
      %get3A_822 = vector.shape_cast %get3A_821 : vector<1x16xf32> to vector<16xf32>
      %get3A_823 = arith.constant 0 : i32
      %get3A_824 = arith.index_cast %get3A_823 : i32 to index
      %get3A_825 = arith.constant 112 : index
      %get3A_826 = tpu.vector_load %arg14[%get3A_824, %get3A_825] {strides = array<i32>} : memref<1x1024xf32, #tpu.memory_space<vmem>>, vector<1x16xf32>,
      %get3A_827 = vector.shape_cast %get3A_826 : vector<1x16xf32> to vector<16xf32>
      %add3A_828 = arith.addf %get3A_822, %get3A_827 : vector<16xf32>
      %swap3A_829 = arith.constant 0 : i32
      %swap3A_830 = arith.constant 0 : i32
      %swap3A_831 = arith.index_cast %swap3A_829 : i32 to index
      %swap3A_832 = arith.index_cast %swap3A_830 : i32 to index
      %swap3A_833 = arith.constant 112 : index
      %swap3A_834 = tpu.vector_load %arg15[%swap3A_831, %swap3A_832, %swap3A_833] {strides = array<i32>} : memref<1x1x1024xf32, #tpu.memory_space<vmem>>, vector<1x1x16xf32>,
      %swap3A_835 = vector.shape_cast %swap3A_834 : vector<1x1x16xf32> to vector<16xf32>
      %swap3A_836 = vector.shape_cast %add3A_828 : vector<16xf32> to vector<1x1x16xf32>
      tpu.vector_store %arg15[%swap3A_831, %swap3A_832, %swap3A_833], %swap3A_836 {strides = array<i32>} : memref<1x1x1024xf32, #tpu.memory_space<vmem>>, vector<1x1x16xf32>,
      %get3A_837 = arith.constant 0 : i32
      %get3A_838 = arith.index_cast %get3A_837 : i32 to index
      %get3A_839 = arith.constant 128 : index
      %get3A_840 = tpu.vector_load %arg13[%get3A_838, %get3A_839] {strides = array<i32>} : memref<1x1024xf32, #tpu.memory_space<vmem>>, vector<1x16xf32>,
      %get3A_841 = vector.shape_cast %get3A_840 : vector<1x16xf32> to vector<16xf32>
      %get3A_842 = arith.constant 0 : i32
      %get3A_843 = arith.index_cast %get3A_842 : i32 to index
      %get3A_844 = arith.constant 128 : index
      %get3A_845 = tpu.vector_load %arg14[%get3A_843, %get3A_844] {strides = array<i32>} : memref<1x1024xf32, #tpu.memory_space<vmem>>, vector<1x16xf32>,
      %get3A_846 = vector.shape_cast %get3A_845 : vector<1x16xf32> to vector<16xf32>
      %add3A_847 = arith.addf %get3A_841, %get3A_846 : vector<16xf32>
      %swap3A_848 = arith.constant 0 : i32
      %swap3A_849 = arith.constant 0 : i32
      %swap3A_850 = arith.index_cast %swap3A_848 : i32 to index
      %swap3A_851 = arith.index_cast %swap3A_849 : i32 to index
      %swap3A_852 = arith.constant 128 : index
      %swap3A_853 = tpu.vector_load %arg15[%swap3A_850, %swap3A_851, %swap3A_852] {strides = array<i32>} : memref<1x1x1024xf32, #tpu.memory_space<vmem>>, vector<1x1x16xf32>,
      %swap3A_854 = vector.shape_cast %swap3A_853 : vector<1x1x16xf32> to vector<16xf32>
      %swap3A_855 = vector.shape_cast %add3A_847 : vector<16xf32> to vector<1x1x16xf32>
      tpu.vector_store %arg15[%swap3A_850, %swap3A_851, %swap3A_852], %swap3A_855 {strides = array<i32>} : memref<1x1x1024xf32, #tpu.memory_space<vmem>>, vector<1x1x16xf32>,
      %get3A_856 = arith.constant 0 : i32
      %get3A_857 = arith.index_cast %get3A_856 : i32 to index
      %get3A_858 = arith.constant 144 : index
      %get3A_859 = tpu.vector_load %arg13[%get3A_857, %get3A_858] {strides = array<i32>} : memref<1x1024xf32, #tpu.memory_space<vmem>>, vector<1x16xf32>,
      %get3A_860 = vector.shape_cast %get3A_859 : vector<1x16xf32> to vector<16xf32>
      %get3A_861 = arith.constant 0 : i32
      %get3A_862 = arith.index_cast %get3A_861 : i32 to index
      %get3A_863 = arith.constant 144 : index
      %get3A_864 = tpu.vector_load %arg14[%get3A_862, %get3A_863] {strides = array<i32>} : memref<1x1024xf32, #tpu.memory_space<vmem>>, vector<1x16xf32>,
      %get3A_865 = vector.shape_cast %get3A_864 : vector<1x16xf32> to vector<16xf32>
      %add3A_866 = arith.addf %get3A_860, %get3A_865 : vector<16xf32>
      %swap3A_867 = arith.constant 0 : i32
      %swap3A_868 = arith.constant 0 : i32
      %swap3A_869 = arith.index_cast %swap3A_867 : i32 to index
      %swap3A_870 = arith.index_cast %swap3A_868 : i32 to index
      %swap3A_871 = arith.constant 144 : index
      %swap3A_872 = tpu.vector_load %arg15[%swap3A_869, %swap3A_870, %swap3A_871] {strides = array<i32>} : memref<1x1x1024xf32, #tpu.memory_space<vmem>>, vector<1x1x16xf32>,
      %swap3A_873 = vector.shape_cast %swap3A_872 : vector<1x1x16xf32> to vector<16xf32>
      %swap3A_874 = vector.shape_cast %add3A_866 : vector<16xf32> to vector<1x1x16xf32>
      tpu.vector_store %arg15[%swap3A_869, %swap3A_870, %swap3A_871], %swap3A_874 {strides = array<i32>} : memref<1x1x1024xf32, #tpu.memory_space<vmem>>, vector<1x1x16xf32>,
      %get3A_875 = arith.constant 0 : i32
      %get3A_876 = arith.index_cast %get3A_875 : i32 to index
      %get3A_877 = arith.constant 160 : index
      %get3A_878 = tpu.vector_load %arg13[%get3A_876, %get3A_877] {strides = array<i32>} : memref<1x1024xf32, #tpu.memory_space<vmem>>, vector<1x16xf32>,
      %get3A_879 = vector.shape_cast %get3A_878 : vector<1x16xf32> to vector<16xf32>
      %get3A_880 = arith.constant 0 : i32
      %get3A_881 = arith.index_cast %get3A_880 : i32 to index
      %get3A_882 = arith.constant 160 : index
      %get3A_883 = tpu.vector_load %arg14[%get3A_881, %get3A_882] {strides = array<i32>} : memref<1x1024xf32, #tpu.memory_space<vmem>>, vector<1x16xf32>,
      %get3A_884 = vector.shape_cast %get3A_883 : vector<1x16xf32> to vector<16xf32>
      %add3A_885 = arith.addf %get3A_879, %get3A_884 : vector<16xf32>
      %swap3A_886 = arith.constant 0 : i32
      %swap3A_887 = arith.constant 0 : i32
      %swap3A_888 = arith.index_cast %swap3A_886 : i32 to index
      %swap3A_889 = arith.index_cast %swap3A_887 : i32 to index
      %swap3A_890 = arith.constant 160 : index
      %swap3A_891 = tpu.vector_load %arg15[%swap3A_888, %swap3A_889, %swap3A_890] {strides = array<i32>} : memref<1x1x1024xf32, #tpu.memory_space<vmem>>, vector<1x1x16xf32>,
      %swap3A_892 = vector.shape_cast %swap3A_891 : vector<1x1x16xf32> to vector<16xf32>
      %swap3A_893 = vector.shape_cast %add3A_885 : vector<16xf32> to vector<1x1x16xf32>
      tpu.vector_store %arg15[%swap3A_888, %swap3A_889, %swap3A_890], %swap3A_893 {strides = array<i32>} : memref<1x1x1024xf32, #tpu.memory_space<vmem>>, vector<1x1x16xf32>,
      %get3A_894 = arith.constant 0 : i32
      %get3A_895 = arith.index_cast %get3A_894 : i32 to index
      %get3A_896 = arith.constant 176 : index
      %get3A_897 = tpu.vector_load %arg13[%get3A_895, %get3A_896] {strides = array<i32>} : memref<1x1024xf32, #tpu.memory_space<vmem>>, vector<1x16xf32>,
      %get3A_898 = vector.shape_cast %get3A_897 : vector<1x16xf32> to vector<16xf32>
      %get3A_899 = arith.constant 0 : i32
      %get3A_900 = arith.index_cast %get3A_899 : i32 to index
      %get3A_901 = arith.constant 176 : index
      %get3A_902 = tpu.vector_load %arg14[%get3A_900, %get3A_901] {strides = array<i32>} : memref<1x1024xf32, #tpu.memory_space<vmem>>, vector<1x16xf32>,
      %get3A_903 = vector.shape_cast %get3A_902 : vector<1x16xf32> to vector<16xf32>
      %add3A_904 = arith.addf %get3A_898, %get3A_903 : vector<16xf32>
      %swap3A_905 = arith.constant 0 : i32
      %swap3A_906 = arith.constant 0 : i32
      %swap3A_907 = arith.index_cast %swap3A_905 : i32 to index
      %swap3A_908 = arith.index_cast %swap3A_906 : i32 to index
      %swap3A_909 = arith.constant 176 : index
      %swap3A_910 = tpu.vector_load %arg15[%swap3A_907, %swap3A_908, %swap3A_909] {strides = array<i32>} : memref<1x1x1024xf32, #tpu.memory_space<vmem>>, vector<1x1x16xf32>,
      %swap3A_911 = vector.shape_cast %swap3A_910 : vector<1x1x16xf32> to vector<16xf32>
      %swap3A_912 = vector.shape_cast %add3A_904 : vector<16xf32> to vector<1x1x16xf32>
      tpu.vector_store %arg15[%swap3A_907, %swap3A_908, %swap3A_909], %swap3A_912 {strides = array<i32>} : memref<1x1x1024xf32, #tpu.memory_space<vmem>>, vector<1x1x16xf32>,
      %get3A_913 = arith.constant 0 : i32
      %get3A_914 = arith.index_cast %get3A_913 : i32 to index
      %get3A_915 = arith.constant 192 : index
      %get3A_916 = tpu.vector_load %arg13[%get3A_914, %get3A_915] {strides = array<i32>} : memref<1x1024xf32, #tpu.memory_space<vmem>>, vector<1x16xf32>,
      %get3A_917 = vector.shape_cast %get3A_916 : vector<1x16xf32> to vector<16xf32>
      %get3A_918 = arith.constant 0 : i32
      %get3A_919 = arith.index_cast %get3A_918 : i32 to index
      %get3A_920 = arith.constant 192 : index
      %get3A_921 = tpu.vector_load %arg14[%get3A_919, %get3A_920] {strides = array<i32>} : memref<1x1024xf32, #tpu.memory_space<vmem>>, vector<1x16xf32>,
      %get3A_922 = vector.shape_cast %get3A_921 : vector<1x16xf32> to vector<16xf32>
      %add3A_923 = arith.addf %get3A_917, %get3A_922 : vector<16xf32>
      %swap3A_924 = arith.constant 0 : i32
      %swap3A_925 = arith.constant 0 : i32
      %swap3A_926 = arith.index_cast %swap3A_924 : i32 to index
      %swap3A_927 = arith.index_cast %swap3A_925 : i32 to index
      %swap3A_928 = arith.constant 192 : index
      %swap3A_929 = tpu.vector_load %arg15[%swap3A_926, %swap3A_927, %swap3A_928] {strides = array<i32>} : memref<1x1x1024xf32, #tpu.memory_space<vmem>>, vector<1x1x16xf32>,
      %swap3A_930 = vector.shape_cast %swap3A_929 : vector<1x1x16xf32> to vector<16xf32>
      %swap3A_931 = vector.shape_cast %add3A_923 : vector<16xf32> to vector<1x1x16xf32>
      tpu.vector_store %arg15[%swap3A_926, %swap3A_927, %swap3A_928], %swap3A_931 {strides = array<i32>} : memref<1x1x1024xf32, #tpu.memory_space<vmem>>, vector<1x1x16xf32>,
      %get3A_932 = arith.constant 0 : i32
      %get3A_933 = arith.index_cast %get3A_932 : i32 to index
      %get3A_934 = arith.constant 208 : index
      %get3A_935 = tpu.vector_load %arg13[%get3A_933, %get3A_934] {strides = array<i32>} : memref<1x1024xf32, #tpu.memory_space<vmem>>, vector<1x16xf32>,
      %get3A_936 = vector.shape_cast %get3A_935 : vector<1x16xf32> to vector<16xf32>
      %get3A_937 = arith.constant 0 : i32
      %get3A_938 = arith.index_cast %get3A_937 : i32 to index
      %get3A_939 = arith.constant 208 : index
      %get3A_940 = tpu.vector_load %arg14[%get3A_938, %get3A_939] {strides = array<i32>} : memref<1x1024xf32, #tpu.memory_space<vmem>>, vector<1x16xf32>,
      %get3A_941 = vector.shape_cast %get3A_940 : vector<1x16xf32> to vector<16xf32>
      %add3A_942 = arith.addf %get3A_936, %get3A_941 : vector<16xf32>
      %swap3A_943 = arith.constant 0 : i32
      %swap3A_944 = arith.constant 0 : i32
      %swap3A_945 = arith.index_cast %swap3A_943 : i32 to index
      %swap3A_946 = arith.index_cast %swap3A_944 : i32 to index
      %swap3A_947 = arith.constant 208 : index
      %swap3A_948 = tpu.vector_load %arg15[%swap3A_945, %swap3A_946, %swap3A_947] {strides = array<i32>} : memref<1x1x1024xf32, #tpu.memory_space<vmem>>, vector<1x1x16xf32>,
      %swap3A_949 = vector.shape_cast %swap3A_948 : vector<1x1x16xf32> to vector<16xf32>
      %swap3A_950 = vector.shape_cast %add3A_942 : vector<16xf32> to vector<1x1x16xf32>
      tpu.vector_store %arg15[%swap3A_945, %swap3A_946, %swap3A_947], %swap3A_950 {strides = array<i32>} : memref<1x1x1024xf32, #tpu.memory_space<vmem>>, vector<1x1x16xf32>,
      %get3A_951 = arith.constant 0 : i32
      %get3A_952 = arith.index_cast %get3A_951 : i32 to index
      %get3A_953 = arith.constant 224 : index
      %get3A_954 = tpu.vector_load %arg13[%get3A_952, %get3A_953] {strides = array<i32>} : memref<1x1024xf32, #tpu.memory_space<vmem>>, vector<1x16xf32>,
      %get3A_955 = vector.shape_cast %get3A_954 : vector<1x16xf32> to vector<16xf32>
      %get3A_956 = arith.constant 0 : i32
      %get3A_957 = arith.index_cast %get3A_956 : i32 to index
      %get3A_958 = arith.constant 224 : index
      %get3A_959 = tpu.vector_load %arg14[%get3A_957, %get3A_958] {strides = array<i32>} : memref<1x1024xf32, #tpu.memory_space<vmem>>, vector<1x16xf32>,
      %get3A_960 = vector.shape_cast %get3A_959 : vector<1x16xf32> to vector<16xf32>
      %add3A_961 = arith.addf %get3A_955, %get3A_960 : vector<16xf32>
      %swap3A_962 = arith.constant 0 : i32
      %swap3A_963 = arith.constant 0 : i32
      %swap3A_964 = arith.index_cast %swap3A_962 : i32 to index
      %swap3A_965 = arith.index_cast %swap3A_963 : i32 to index
      %swap3A_966 = arith.constant 224 : index
      %swap3A_967 = tpu.vector_load %arg15[%swap3A_964, %swap3A_965, %swap3A_966] {strides = array<i32>} : memref<1x1x1024xf32, #tpu.memory_space<vmem>>, vector<1x1x16xf32>,
      %swap3A_968 = vector.shape_cast %swap3A_967 : vector<1x1x16xf32> to vector<16xf32>
      %swap3A_969 = vector.shape_cast %add3A_961 : vector<16xf32> to vector<1x1x16xf32>
      tpu.vector_store %arg15[%swap3A_964, %swap3A_965, %swap3A_966], %swap3A_969 {strides = array<i32>} : memref<1x1x1024xf32, #tpu.memory_space<vmem>>, vector<1x1x16xf32>,
      %get3A_970 = arith.constant 0 : i32
      %get3A_971 = arith.index_cast %get3A_970 : i32 to index
      %get3A_972 = arith.constant 240 : index
      %get3A_973 = tpu.vector_load %arg13[%get3A_971, %get3A_972] {strides = array<i32>} : memref<1x1024xf32, #tpu.memory_space<vmem>>, vector<1x16xf32>,
      %get3A_974 = vector.shape_cast %get3A_973 : vector<1x16xf32> to vector<16xf32>
      %get3A_975 = arith.constant 0 : i32
      %get3A_976 = arith.index_cast %get3A_975 : i32 to index
      %get3A_977 = arith.constant 240 : index
      %get3A_978 = tpu.vector_load %arg14[%get3A_976, %get3A_977] {strides = array<i32>} : memref<1x1024xf32, #tpu.memory_space<vmem>>, vector<1x16xf32>,
      %get3A_979 = vector.shape_cast %get3A_978 : vector<1x16xf32> to vector<16xf32>
      %add3A_980 = arith.addf %get3A_974, %get3A_979 : vector<16xf32>
      %swap3A_981 = arith.constant 0 : i32
      %swap3A_982 = arith.constant 0 : i32
      %swap3A_983 = arith.index_cast %swap3A_981 : i32 to index
      %swap3A_984 = arith.index_cast %swap3A_982 : i32 to index
      %swap3A_985 = arith.constant 240 : index
      %swap3A_986 = tpu.vector_load %arg15[%swap3A_983, %swap3A_984, %swap3A_985] {strides = array<i32>} : memref<1x1x1024xf32, #tpu.memory_space<vmem>>, vector<1x1x16xf32>,
      %swap3A_987 = vector.shape_cast %swap3A_986 : vector<1x1x16xf32> to vector<16xf32>
      %swap3A_988 = vector.shape_cast %add3A_980 : vector<16xf32> to vector<1x1x16xf32>
      tpu.vector_store %arg15[%swap3A_983, %swap3A_984, %swap3A_985], %swap3A_988 {strides = array<i32>} : memref<1x1x1024xf32, #tpu.memory_space<vmem>>, vector<1x1x16xf32>,
      %get3A_989 = arith.constant 0 : i32
      %get3A_990 = arith.index_cast %get3A_989 : i32 to index
      %get3A_991 = arith.constant 256 : index
      %get3A_992 = tpu.vector_load %arg13[%get3A_990, %get3A_991] {strides = array<i32>} : memref<1x1024xf32, #tpu.memory_space<vmem>>, vector<1x16xf32>,
      %get3A_993 = vector.shape_cast %get3A_992 : vector<1x16xf32> to vector<16xf32>
      %get3A_994 = arith.constant 0 : i32
      %get3A_995 = arith.index_cast %get3A_994 : i32 to index
      %get3A_996 = arith.constant 256 : index
      %get3A_997 = tpu.vector_load %arg14[%get3A_995, %get3A_996] {strides = array<i32>} : memref<1x1024xf32, #tpu.memory_space<vmem>>, vector<1x16xf32>,
      %get3A_998 = vector.shape_cast %get3A_997 : vector<1x16xf32> to vector<16xf32>
      %add3A_999 = arith.addf %get3A_993, %get3A_998 : vector<16xf32>
      %swap3A_1000 = arith.constant 0 : i32
      %swap3A_1001 = arith.constant 0 : i32
      %swap3A_1002 = arith.index_cast %swap3A_1000 : i32 to index
      %swap3A_1003 = arith.index_cast %swap3A_1001 : i32 to index
      %swap3A_1004 = arith.constant 256 : index
      %swap3A_1005 = tpu.vector_load %arg15[%swap3A_1002, %swap3A_1003, %swap3A_1004] {strides = array<i32>} : memref<1x1x1024xf32, #tpu.memory_space<vmem>>, vector<1x1x16xf32>,
      %swap3A_1006 = vector.shape_cast %swap3A_1005 : vector<1x1x16xf32> to vector<16xf32>
      %swap3A_1007 = vector.shape_cast %add3A_999 : vector<16xf32> to vector<1x1x16xf32>
      tpu.vector_store %arg15[%swap3A_1002, %swap3A_1003, %swap3A_1004], %swap3A_1007 {strides = array<i32>} : memref<1x1x1024xf32, #tpu.memory_space<vmem>>, vector<1x1x16xf32>,
      %get3A_1008 = arith.constant 0 : i32
      %get3A_1009 = arith.index_cast %get3A_1008 : i32 to index
      %get3A_1010 = arith.constant 272 : index
      %get3A_1011 = tpu.vector_load %arg13[%get3A_1009, %get3A_1010] {strides = array<i32>} : memref<1x1024xf32, #tpu.memory_space<vmem>>, vector<1x16xf32>,
      %get3A_1012 = vector.shape_cast %get3A_1011 : vector<1x16xf32> to vector<16xf32>
      %get3A_1013 = arith.constant 0 : i32
      %get3A_1014 = arith.index_cast %get3A_1013 : i32 to index
      %get3A_1015 = arith.constant 272 : index
      %get3A_1016 = tpu.vector_load %arg14[%get3A_1014, %get3A_1015] {strides = array<i32>} : memref<1x1024xf32, #tpu.memory_space<vmem>>, vector<1x16xf32>,
      %get3A_1017 = vector.shape_cast %get3A_1016 : vector<1x16xf32> to vector<16xf32>
      %add3A_1018 = arith.addf %get3A_1012, %get3A_1017 : vector<16xf32>
      %swap3A_1019 = arith.constant 0 : i32
      %swap3A_1020 = arith.constant 0 : i32
      %swap3A_1021 = arith.index_cast %swap3A_1019 : i32 to index
      %swap3A_1022 = arith.index_cast %swap3A_1020 : i32 to index
      %swap3A_1023 = arith.constant 272 : index
      %swap3A_1024 = tpu.vector_load %arg15[%swap3A_1021, %swap3A_1022, %swap3A_1023] {strides = array<i32>} : memref<1x1x1024xf32, #tpu.memory_space<vmem>>, vector<1x1x16xf32>,
      %swap3A_1025 = vector.shape_cast %swap3A_1024 : vector<1x1x16xf32> to vector<16xf32>
      %swap3A_1026 = vector.shape_cast %add3A_1018 : vector<16xf32> to vector<1x1x16xf32>
      tpu.vector_store %arg15[%swap3A_1021, %swap3A_1022, %swap3A_1023], %swap3A_1026 {strides = array<i32>} : memref<1x1x1024xf32, #tpu.memory_space<vmem>>, vector<1x1x16xf32>,
      %get3A_1027 = arith.constant 0 : i32
      %get3A_1028 = arith.index_cast %get3A_1027 : i32 to index
      %get3A_1029 = arith.constant 288 : index
      %get3A_1030 = tpu.vector_load %arg13[%get3A_1028, %get3A_1029] {strides = array<i32>} : memref<1x1024xf32, #tpu.memory_space<vmem>>, vector<1x16xf32>,
      %get3A_1031 = vector.shape_cast %get3A_1030 : vector<1x16xf32> to vector<16xf32>
      %get3A_1032 = arith.constant 0 : i32
      %get3A_1033 = arith.index_cast %get3A_1032 : i32 to index
      %get3A_1034 = arith.constant 288 : index
      %get3A_1035 = tpu.vector_load %arg14[%get3A_1033, %get3A_1034] {strides = array<i32>} : memref<1x1024xf32, #tpu.memory_space<vmem>>, vector<1x16xf32>,
      %get3A_1036 = vector.shape_cast %get3A_1035 : vector<1x16xf32> to vector<16xf32>
      %add3A_1037 = arith.addf %get3A_1031, %get3A_1036 : vector<16xf32>
      %swap3A_1038 = arith.constant 0 : i32
      %swap3A_1039 = arith.constant 0 : i32
      %swap3A_1040 = arith.index_cast %swap3A_1038 : i32 to index
      %swap3A_1041 = arith.index_cast %swap3A_1039 : i32 to index
      %swap3A_1042 = arith.constant 288 : index
      %swap3A_1043 = tpu.vector_load %arg15[%swap3A_1040, %swap3A_1041, %swap3A_1042] {strides = array<i32>} : memref<1x1x1024xf32, #tpu.memory_space<vmem>>, vector<1x1x16xf32>,
      %swap3A_1044 = vector.shape_cast %swap3A_1043 : vector<1x1x16xf32> to vector<16xf32>
      %swap3A_1045 = vector.shape_cast %add3A_1037 : vector<16xf32> to vector<1x1x16xf32>
      tpu.vector_store %arg15[%swap3A_1040, %swap3A_1041, %swap3A_1042], %swap3A_1045 {strides = array<i32>} : memref<1x1x1024xf32, #tpu.memory_space<vmem>>, vector<1x1x16xf32>,
      %get3A_1046 = arith.constant 0 : i32
      %get3A_1047 = arith.index_cast %get3A_1046 : i32 to index
      %get3A_1048 = arith.constant 304 : index
      %get3A_1049 = tpu.vector_load %arg13[%get3A_1047, %get3A_1048] {strides = array<i32>} : memref<1x1024xf32, #tpu.memory_space<vmem>>, vector<1x16xf32>,
      %get3A_1050 = vector.shape_cast %get3A_1049 : vector<1x16xf32> to vector<16xf32>
      %get3A_1051 = arith.constant 0 : i32
      %get3A_1052 = arith.index_cast %get3A_1051 : i32 to index
      %get3A_1053 = arith.constant 304 : index
      %get3A_1054 = tpu.vector_load %arg14[%get3A_1052, %get3A_1053] {strides = array<i32>} : memref<1x1024xf32, #tpu.memory_space<vmem>>, vector<1x16xf32>,
      %get3A_1055 = vector.shape_cast %get3A_1054 : vector<1x16xf32> to vector<16xf32>
      %add3A_1056 = arith.addf %get3A_1050, %get3A_1055 : vector<16xf32>
      %swap3A_1057 = arith.constant 0 : i32
      %swap3A_1058 = arith.constant 0 : i32
      %swap3A_1059 = arith.index_cast %swap3A_1057 : i32 to index
      %swap3A_1060 = arith.index_cast %swap3A_1058 : i32 to index
      %swap3A_1061 = arith.constant 304 : index
      %swap3A_1062 = tpu.vector_load %arg15[%swap3A_1059, %swap3A_1060, %swap3A_1061] {strides = array<i32>} : memref<1x1x1024xf32, #tpu.memory_space<vmem>>, vector<1x1x16xf32>,
      %swap3A_1063 = vector.shape_cast %swap3A_1062 : vector<1x1x16xf32> to vector<16xf32>
      %swap3A_1064 = vector.shape_cast %add3A_1056 : vector<16xf32> to vector<1x1x16xf32>
      tpu.vector_store %arg15[%swap3A_1059, %swap3A_1060, %swap3A_1061], %swap3A_1064 {strides = array<i32>} : memref<1x1x1024xf32, #tpu.memory_space<vmem>>, vector<1x1x16xf32>,
      %get3A_1065 = arith.constant 0 : i32
      %get3A_1066 = arith.index_cast %get3A_1065 : i32 to index
      %get3A_1067 = arith.constant 320 : index
      %get3A_1068 = tpu.vector_load %arg13[%get3A_1066, %get3A_1067] {strides = array<i32>} : memref<1x1024xf32, #tpu.memory_space<vmem>>, vector<1x16xf32>,
      %get3A_1069 = vector.shape_cast %get3A_1068 : vector<1x16xf32> to vector<16xf32>
      %get3A_1070 = arith.constant 0 : i32
      %get3A_1071 = arith.index_cast %get3A_1070 : i32 to index
      %get3A_1072 = arith.constant 320 : index
      %get3A_1073 = tpu.vector_load %arg14[%get3A_1071, %get3A_1072] {strides = array<i32>} : memref<1x1024xf32, #tpu.memory_space<vmem>>, vector<1x16xf32>,
      %get3A_1074 = vector.shape_cast %get3A_1073 : vector<1x16xf32> to vector<16xf32>
      %add3A_1075 = arith.addf %get3A_1069, %get3A_1074 : vector<16xf32>
      %swap3A_1076 = arith.constant 0 : i32
      %swap3A_1077 = arith.constant 0 : i32
      %swap3A_1078 = arith.index_cast %swap3A_1076 : i32 to index
      %swap3A_1079 = arith.index_cast %swap3A_1077 : i32 to index
      %swap3A_1080 = arith.constant 320 : index
      %swap3A_1081 = tpu.vector_load %arg15[%swap3A_1078, %swap3A_1079, %swap3A_1080] {strides = array<i32>} : memref<1x1x1024xf32, #tpu.memory_space<vmem>>, vector<1x1x16xf32>,
      %swap3A_1082 = vector.shape_cast %swap3A_1081 : vector<1x1x16xf32> to vector<16xf32>
      %swap3A_1083 = vector.shape_cast %add3A_1075 : vector<16xf32> to vector<1x1x16xf32>
      tpu.vector_store %arg15[%swap3A_1078, %swap3A_1079, %swap3A_1080], %swap3A_1083 {strides = array<i32>} : memref<1x1x1024xf32, #tpu.memory_space<vmem>>, vector<1x1x16xf32>,
      %get3A_1084 = arith.constant 0 : i32
      %get3A_1085 = arith.index_cast %get3A_1084 : i32 to index
      %get3A_1086 = arith.constant 336 : index
      %get3A_1087 = tpu.vector_load %arg13[%get3A_1085, %get3A_1086] {strides = array<i32>} : memref<1x1024xf32, #tpu.memory_space<vmem>>, vector<1x16xf32>,
      %get3A_1088 = vector.shape_cast %get3A_1087 : vector<1x16xf32> to vector<16xf32>
      %get3A_1089 = arith.constant 0 : i32
      %get3A_1090 = arith.index_cast %get3A_1089 : i32 to index
      %get3A_1091 = arith.constant 336 : index
      %get3A_1092 = tpu.vector_load %arg14[%get3A_1090, %get3A_1091] {strides = array<i32>} : memref<1x1024xf32, #tpu.memory_space<vmem>>, vector<1x16xf32>,
      %get3A_1093 = vector.shape_cast %get3A_1092 : vector<1x16xf32> to vector<16xf32>
      %add3A_1094 = arith.addf %get3A_1088, %get3A_1093 : vector<16xf32>
      %swap3A_1095 = arith.constant 0 : i32
      %swap3A_1096 = arith.constant 0 : i32
      %swap3A_1097 = arith.index_cast %swap3A_1095 : i32 to index
      %swap3A_1098 = arith.index_cast %swap3A_1096 : i32 to index
      %swap3A_1099 = arith.constant 336 : index
      %swap3A_1100 = tpu.vector_load %arg15[%swap3A_1097, %swap3A_1098, %swap3A_1099] {strides = array<i32>} : memref<1x1x1024xf32, #tpu.memory_space<vmem>>, vector<1x1x16xf32>,
      %swap3A_1101 = vector.shape_cast %swap3A_1100 : vector<1x1x16xf32> to vector<16xf32>
      %swap3A_1102 = vector.shape_cast %add3A_1094 : vector<16xf32> to vector<1x1x16xf32>
      tpu.vector_store %arg15[%swap3A_1097, %swap3A_1098, %swap3A_1099], %swap3A_1102 {strides = array<i32>} : memref<1x1x1024xf32, #tpu.memory_space<vmem>>, vector<1x1x16xf32>,
      %get3A_1103 = arith.constant 0 : i32
      %get3A_1104 = arith.index_cast %get3A_1103 : i32 to index
      %get3A_1105 = arith.constant 352 : index
      %get3A_1106 = tpu.vector_load %arg13[%get3A_1104, %get3A_1105] {strides = array<i32>} : memref<1x1024xf32, #tpu.memory_space<vmem>>, vector<1x16xf32>,
      %get3A_1107 = vector.shape_cast %get3A_1106 : vector<1x16xf32> to vector<16xf32>
      %get3A_1108 = arith.constant 0 : i32
      %get3A_1109 = arith.index_cast %get3A_1108 : i32 to index
      %get3A_1110 = arith.constant 352 : index
      %get3A_1111 = tpu.vector_load %arg14[%get3A_1109, %get3A_1110] {strides = array<i32>} : memref<1x1024xf32, #tpu.memory_space<vmem>>, vector<1x16xf32>,
      %get3A_1112 = vector.shape_cast %get3A_1111 : vector<1x16xf32> to vector<16xf32>
      %add3A_1113 = arith.addf %get3A_1107, %get3A_1112 : vector<16xf32>
      %swap3A_1114 = arith.constant 0 : i32
      %swap3A_1115 = arith.constant 0 : i32
      %swap3A_1116 = arith.index_cast %swap3A_1114 : i32 to index
      %swap3A_1117 = arith.index_cast %swap3A_1115 : i32 to index
      %swap3A_1118 = arith.constant 352 : index
      %swap3A_1119 = tpu.vector_load %arg15[%swap3A_1116, %swap3A_1117, %swap3A_1118] {strides = array<i32>} : memref<1x1x1024xf32, #tpu.memory_space<vmem>>, vector<1x1x16xf32>,
      %swap3A_1120 = vector.shape_cast %swap3A_1119 : vector<1x1x16xf32> to vector<16xf32>
      %swap3A_1121 = vector.shape_cast %add3A_1113 : vector<16xf32> to vector<1x1x16xf32>
      tpu.vector_store %arg15[%swap3A_1116, %swap3A_1117, %swap3A_1118], %swap3A_1121 {strides = array<i32>} : memref<1x1x1024xf32, #tpu.memory_space<vmem>>, vector<1x1x16xf32>,
      %get3A_1122 = arith.constant 0 : i32
      %get3A_1123 = arith.index_cast %get3A_1122 : i32 to index
      %get3A_1124 = arith.constant 368 : index
      %get3A_1125 = tpu.vector_load %arg13[%get3A_1123, %get3A_1124] {strides = array<i32>} : memref<1x1024xf32, #tpu.memory_space<vmem>>, vector<1x16xf32>,
      %get3A_1126 = vector.shape_cast %get3A_1125 : vector<1x16xf32> to vector<16xf32>
      %get3A_1127 = arith.constant 0 : i32
      %get3A_1128 = arith.index_cast %get3A_1127 : i32 to index
      %get3A_1129 = arith.constant 368 : index
      %get3A_1130 = tpu.vector_load %arg14[%get3A_1128, %get3A_1129] {strides = array<i32>} : memref<1x1024xf32, #tpu.memory_space<vmem>>, vector<1x16xf32>,
      %get3A_1131 = vector.shape_cast %get3A_1130 : vector<1x16xf32> to vector<16xf32>
      %add3A_1132 = arith.addf %get3A_1126, %get3A_1131 : vector<16xf32>
      %swap3A_1133 = arith.constant 0 : i32
      %swap3A_1134 = arith.constant 0 : i32
      %swap3A_1135 = arith.index_cast %swap3A_1133 : i32 to index
      %swap3A_1136 = arith.index_cast %swap3A_1134 : i32 to index
      %swap3A_1137 = arith.constant 368 : index
      %swap3A_1138 = tpu.vector_load %arg15[%swap3A_1135, %swap3A_1136, %swap3A_1137] {strides = array<i32>} : memref<1x1x1024xf32, #tpu.memory_space<vmem>>, vector<1x1x16xf32>,
      %swap3A_1139 = vector.shape_cast %swap3A_1138 : vector<1x1x16xf32> to vector<16xf32>
      %swap3A_1140 = vector.shape_cast %add3A_1132 : vector<16xf32> to vector<1x1x16xf32>
      tpu.vector_store %arg15[%swap3A_1135, %swap3A_1136, %swap3A_1137], %swap3A_1140 {strides = array<i32>} : memref<1x1x1024xf32, #tpu.memory_space<vmem>>, vector<1x1x16xf32>,
      %get3A_1141 = arith.constant 0 : i32
      %get3A_1142 = arith.index_cast %get3A_1141 : i32 to index
      %get3A_1143 = arith.constant 384 : index
      %get3A_1144 = tpu.vector_load %arg13[%get3A_1142, %get3A_1143] {strides = array<i32>} : memref<1x1024xf32, #tpu.memory_space<vmem>>, vector<1x16xf32>,
      %get3A_1145 = vector.shape_cast %get3A_1144 : vector<1x16xf32> to vector<16xf32>
      %get3A_1146 = arith.constant 0 : i32
      %get3A_1147 = arith.index_cast %get3A_1146 : i32 to index
      %get3A_1148 = arith.constant 384 : index
      %get3A_1149 = tpu.vector_load %arg14[%get3A_1147, %get3A_1148] {strides = array<i32>} : memref<1x1024xf32, #tpu.memory_space<vmem>>, vector<1x16xf32>,
      %get3A_1150 = vector.shape_cast %get3A_1149 : vector<1x16xf32> to vector<16xf32>
      %add3A_1151 = arith.addf %get3A_1145, %get3A_1150 : vector<16xf32>
      %swap3A_1152 = arith.constant 0 : i32
      %swap3A_1153 = arith.constant 0 : i32
      %swap3A_1154 = arith.index_cast %swap3A_1152 : i32 to index
      %swap3A_1155 = arith.index_cast %swap3A_1153 : i32 to index
      %swap3A_1156 = arith.constant 384 : index
      %swap3A_1157 = tpu.vector_load %arg15[%swap3A_1154, %swap3A_1155, %swap3A_1156] {strides = array<i32>} : memref<1x1x1024xf32, #tpu.memory_space<vmem>>, vector<1x1x16xf32>,
      %swap3A_1158 = vector.shape_cast %swap3A_1157 : vector<1x1x16xf32> to vector<16xf32>
      %swap3A_1159 = vector.shape_cast %add3A_1151 : vector<16xf32> to vector<1x1x16xf32>
      tpu.vector_store %arg15[%swap3A_1154, %swap3A_1155, %swap3A_1156], %swap3A_1159 {strides = array<i32>} : memref<1x1x1024xf32, #tpu.memory_space<vmem>>, vector<1x1x16xf32>,
      %get3A_1160 = arith.constant 0 : i32
      %get3A_1161 = arith.index_cast %get3A_1160 : i32 to index
      %get3A_1162 = arith.constant 400 : index
      %get3A_1163 = tpu.vector_load %arg13[%get3A_1161, %get3A_1162] {strides = array<i32>} : memref<1x1024xf32, #tpu.memory_space<vmem>>, vector<1x16xf32>,
      %get3A_1164 = vector.shape_cast %get3A_1163 : vector<1x16xf32> to vector<16xf32>
      %get3A_1165 = arith.constant 0 : i32
      %get3A_1166 = arith.index_cast %get3A_1165 : i32 to index
      %get3A_1167 = arith.constant 400 : index
      %get3A_1168 = tpu.vector_load %arg14[%get3A_1166, %get3A_1167] {strides = array<i32>} : memref<1x1024xf32, #tpu.memory_space<vmem>>, vector<1x16xf32>,
      %get3A_1169 = vector.shape_cast %get3A_1168 : vector<1x16xf32> to vector<16xf32>
      %add3A_1170 = arith.addf %get3A_1164, %get3A_1169 : vector<16xf32>
      %swap3A_1171 = arith.constant 0 : i32
      %swap3A_1172 = arith.constant 0 : i32
      %swap3A_1173 = arith.index_cast %swap3A_1171 : i32 to index
      %swap3A_1174 = arith.index_cast %swap3A_1172 : i32 to index
      %swap3A_1175 = arith.constant 400 : index
      %swap3A_1176 = tpu.vector_load %arg15[%swap3A_1173, %swap3A_1174, %swap3A_1175] {strides = array<i32>} : memref<1x1x1024xf32, #tpu.memory_space<vmem>>, vector<1x1x16xf32>,
      %swap3A_1177 = vector.shape_cast %swap3A_1176 : vector<1x1x16xf32> to vector<16xf32>
      %swap3A_1178 = vector.shape_cast %add3A_1170 : vector<16xf32> to vector<1x1x16xf32>
      tpu.vector_store %arg15[%swap3A_1173, %swap3A_1174, %swap3A_1175], %swap3A_1178 {strides = array<i32>} : memref<1x1x1024xf32, #tpu.memory_space<vmem>>, vector<1x1x16xf32>,
      %get3A_1179 = arith.constant 0 : i32
      %get3A_1180 = arith.index_cast %get3A_1179 : i32 to index
      %get3A_1181 = arith.constant 416 : index
      %get3A_1182 = tpu.vector_load %arg13[%get3A_1180, %get3A_1181] {strides = array<i32>} : memref<1x1024xf32, #tpu.memory_space<vmem>>, vector<1x16xf32>,
      %get3A_1183 = vector.shape_cast %get3A_1182 : vector<1x16xf32> to vector<16xf32>
      %get3A_1184 = arith.constant 0 : i32
      %get3A_1185 = arith.index_cast %get3A_1184 : i32 to index
      %get3A_1186 = arith.constant 416 : index
      %get3A_1187 = tpu.vector_load %arg14[%get3A_1185, %get3A_1186] {strides = array<i32>} : memref<1x1024xf32, #tpu.memory_space<vmem>>, vector<1x16xf32>,
      %get3A_1188 = vector.shape_cast %get3A_1187 : vector<1x16xf32> to vector<16xf32>
      %add3A_1189 = arith.addf %get3A_1183, %get3A_1188 : vector<16xf32>
      %swap3A_1190 = arith.constant 0 : i32
      %swap3A_1191 = arith.constant 0 : i32
      %swap3A_1192 = arith.index_cast %swap3A_1190 : i32 to index
      %swap3A_1193 = arith.index_cast %swap3A_1191 : i32 to index
      %swap3A_1194 = arith.constant 416 : index
      %swap3A_1195 = tpu.vector_load %arg15[%swap3A_1192, %swap3A_1193, %swap3A_1194] {strides = array<i32>} : memref<1x1x1024xf32, #tpu.memory_space<vmem>>, vector<1x1x16xf32>,
      %swap3A_1196 = vector.shape_cast %swap3A_1195 : vector<1x1x16xf32> to vector<16xf32>
      %swap3A_1197 = vector.shape_cast %add3A_1189 : vector<16xf32> to vector<1x1x16xf32>
      tpu.vector_store %arg15[%swap3A_1192, %swap3A_1193, %swap3A_1194], %swap3A_1197 {strides = array<i32>} : memref<1x1x1024xf32, #tpu.memory_space<vmem>>, vector<1x1x16xf32>,
      %get3A_1198 = arith.constant 0 : i32
      %get3A_1199 = arith.index_cast %get3A_1198 : i32 to index
      %get3A_1200 = arith.constant 432 : index
      %get3A_1201 = tpu.vector_load %arg13[%get3A_1199, %get3A_1200] {strides = array<i32>} : memref<1x1024xf32, #tpu.memory_space<vmem>>, vector<1x16xf32>,
      %get3A_1202 = vector.shape_cast %get3A_1201 : vector<1x16xf32> to vector<16xf32>
      %get3A_1203 = arith.constant 0 : i32
      %get3A_1204 = arith.index_cast %get3A_1203 : i32 to index
      %get3A_1205 = arith.constant 432 : index
      %get3A_1206 = tpu.vector_load %arg14[%get3A_1204, %get3A_1205] {strides = array<i32>} : memref<1x1024xf32, #tpu.memory_space<vmem>>, vector<1x16xf32>,
      %get3A_1207 = vector.shape_cast %get3A_1206 : vector<1x16xf32> to vector<16xf32>
      %add3A_1208 = arith.addf %get3A_1202, %get3A_1207 : vector<16xf32>
      %swap3A_1209 = arith.constant 0 : i32
      %swap3A_1210 = arith.constant 0 : i32
      %swap3A_1211 = arith.index_cast %swap3A_1209 : i32 to index
      %swap3A_1212 = arith.index_cast %swap3A_1210 : i32 to index
      %swap3A_1213 = arith.constant 432 : index
      %swap3A_1214 = tpu.vector_load %arg15[%swap3A_1211, %swap3A_1212, %swap3A_1213] {strides = array<i32>} : memref<1x1x1024xf32, #tpu.memory_space<vmem>>, vector<1x1x16xf32>,
      %swap3A_1215 = vector.shape_cast %swap3A_1214 : vector<1x1x16xf32> to vector<16xf32>
      %swap3A_1216 = vector.shape_cast %add3A_1208 : vector<16xf32> to vector<1x1x16xf32>
      tpu.vector_store %arg15[%swap3A_1211, %swap3A_1212, %swap3A_1213], %swap3A_1216 {strides = array<i32>} : memref<1x1x1024xf32, #tpu.memory_space<vmem>>, vector<1x1x16xf32>,
      %get3A_1217 = arith.constant 0 : i32
      %get3A_1218 = arith.index_cast %get3A_1217 : i32 to index
      %get3A_1219 = arith.constant 448 : index
      %get3A_1220 = tpu.vector_load %arg13[%get3A_1218, %get3A_1219] {strides = array<i32>} : memref<1x1024xf32, #tpu.memory_space<vmem>>, vector<1x16xf32>,
      %get3A_1221 = vector.shape_cast %get3A_1220 : vector<1x16xf32> to vector<16xf32>
      %get3A_1222 = arith.constant 0 : i32
      %get3A_1223 = arith.index_cast %get3A_1222 : i32 to index
      %get3A_1224 = arith.constant 448 : index
      %get3A_1225 = tpu.vector_load %arg14[%get3A_1223, %get3A_1224] {strides = array<i32>} : memref<1x1024xf32, #tpu.memory_space<vmem>>, vector<1x16xf32>,
      %get3A_1226 = vector.shape_cast %get3A_1225 : vector<1x16xf32> to vector<16xf32>
      %add3A_1227 = arith.addf %get3A_1221, %get3A_1226 : vector<16xf32>
      %swap3A_1228 = arith.constant 0 : i32
      %swap3A_1229 = arith.constant 0 : i32
      %swap3A_1230 = arith.index_cast %swap3A_1228 : i32 to index
      %swap3A_1231 = arith.index_cast %swap3A_1229 : i32 to index
      %swap3A_1232 = arith.constant 448 : index
      %swap3A_1233 = tpu.vector_load %arg15[%swap3A_1230, %swap3A_1231, %swap3A_1232] {strides = array<i32>} : memref<1x1x1024xf32, #tpu.memory_space<vmem>>, vector<1x1x16xf32>,
      %swap3A_1234 = vector.shape_cast %swap3A_1233 : vector<1x1x16xf32> to vector<16xf32>
      %swap3A_1235 = vector.shape_cast %add3A_1227 : vector<16xf32> to vector<1x1x16xf32>
      tpu.vector_store %arg15[%swap3A_1230, %swap3A_1231, %swap3A_1232], %swap3A_1235 {strides = array<i32>} : memref<1x1x1024xf32, #tpu.memory_space<vmem>>, vector<1x1x16xf32>,
      %get3A_1236 = arith.constant 0 : i32
      %get3A_1237 = arith.index_cast %get3A_1236 : i32 to index
      %get3A_1238 = arith.constant 464 : index
      %get3A_1239 = tpu.vector_load %arg13[%get3A_1237, %get3A_1238] {strides = array<i32>} : memref<1x1024xf32, #tpu.memory_space<vmem>>, vector<1x16xf32>,
      %get3A_1240 = vector.shape_cast %get3A_1239 : vector<1x16xf32> to vector<16xf32>
      %get3A_1241 = arith.constant 0 : i32
      %get3A_1242 = arith.index_cast %get3A_1241 : i32 to index
      %get3A_1243 = arith.constant 464 : index
      %get3A_1244 = tpu.vector_load %arg14[%get3A_1242, %get3A_1243] {strides = array<i32>} : memref<1x1024xf32, #tpu.memory_space<vmem>>, vector<1x16xf32>,
      %get3A_1245 = vector.shape_cast %get3A_1244 : vector<1x16xf32> to vector<16xf32>
      %add3A_1246 = arith.addf %get3A_1240, %get3A_1245 : vector<16xf32>
      %swap3A_1247 = arith.constant 0 : i32
      %swap3A_1248 = arith.constant 0 : i32
      %swap3A_1249 = arith.index_cast %swap3A_1247 : i32 to index
      %swap3A_1250 = arith.index_cast %swap3A_1248 : i32 to index
      %swap3A_1251 = arith.constant 464 : index
      %swap3A_1252 = tpu.vector_load %arg15[%swap3A_1249, %swap3A_1250, %swap3A_1251] {strides = array<i32>} : memref<1x1x1024xf32, #tpu.memory_space<vmem>>, vector<1x1x16xf32>,
      %swap3A_1253 = vector.shape_cast %swap3A_1252 : vector<1x1x16xf32> to vector<16xf32>
      %swap3A_1254 = vector.shape_cast %add3A_1246 : vector<16xf32> to vector<1x1x16xf32>
      tpu.vector_store %arg15[%swap3A_1249, %swap3A_1250, %swap3A_1251], %swap3A_1254 {strides = array<i32>} : memref<1x1x1024xf32, #tpu.memory_space<vmem>>, vector<1x1x16xf32>,
      %get3A_1255 = arith.constant 0 : i32
      %get3A_1256 = arith.index_cast %get3A_1255 : i32 to index
      %get3A_1257 = arith.constant 480 : index
      %get3A_1258 = tpu.vector_load %arg13[%get3A_1256, %get3A_1257] {strides = array<i32>} : memref<1x1024xf32, #tpu.memory_space<vmem>>, vector<1x16xf32>,
      %get3A_1259 = vector.shape_cast %get3A_1258 : vector<1x16xf32> to vector<16xf32>
      %get3A_1260 = arith.constant 0 : i32
      %get3A_1261 = arith.index_cast %get3A_1260 : i32 to index
      %get3A_1262 = arith.constant 480 : index
      %get3A_1263 = tpu.vector_load %arg14[%get3A_1261, %get3A_1262] {strides = array<i32>} : memref<1x1024xf32, #tpu.memory_space<vmem>>, vector<1x16xf32>,
      %get3A_1264 = vector.shape_cast %get3A_1263 : vector<1x16xf32> to vector<16xf32>
      %add3A_1265 = arith.addf %get3A_1259, %get3A_1264 : vector<16xf32>
      %swap3A_1266 = arith.constant 0 : i32
      %swap3A_1267 = arith.constant 0 : i32
      %swap3A_1268 = arith.index_cast %swap3A_1266 : i32 to index
      %swap3A_1269 = arith.index_cast %swap3A_1267 : i32 to index
      %swap3A_1270 = arith.constant 480 : index
      %swap3A_1271 = tpu.vector_load %arg15[%swap3A_1268, %swap3A_1269, %swap3A_1270] {strides = array<i32>} : memref<1x1x1024xf32, #tpu.memory_space<vmem>>, vector<1x1x16xf32>,
      %swap3A_1272 = vector.shape_cast %swap3A_1271 : vector<1x1x16xf32> to vector<16xf32>
      %swap3A_1273 = vector.shape_cast %add3A_1265 : vector<16xf32> to vector<1x1x16xf32>
      tpu.vector_store %arg15[%swap3A_1268, %swap3A_1269, %swap3A_1270], %swap3A_1273 {strides = array<i32>} : memref<1x1x1024xf32, #tpu.memory_space<vmem>>, vector<1x1x16xf32>,
      %get3A_1274 = arith.constant 0 : i32
      %get3A_1275 = arith.index_cast %get3A_1274 : i32 to index
      %get3A_1276 = arith.constant 496 : index
      %get3A_1277 = tpu.vector_load %arg13[%get3A_1275, %get3A_1276] {strides = array<i32>} : memref<1x1024xf32, #tpu.memory_space<vmem>>, vector<1x16xf32>,
      %get3A_1278 = vector.shape_cast %get3A_1277 : vector<1x16xf32> to vector<16xf32>
      %get3A_1279 = arith.constant 0 : i32
      %get3A_1280 = arith.index_cast %get3A_1279 : i32 to index
      %get3A_1281 = arith.constant 496 : index
      %get3A_1282 = tpu.vector_load %arg14[%get3A_1280, %get3A_1281] {strides = array<i32>} : memref<1x1024xf32, #tpu.memory_space<vmem>>, vector<1x16xf32>,
      %get3A_1283 = vector.shape_cast %get3A_1282 : vector<1x16xf32> to vector<16xf32>
      %add3A_1284 = arith.addf %get3A_1278, %get3A_1283 : vector<16xf32>
      %swap3A_1285 = arith.constant 0 : i32
      %swap3A_1286 = arith.constant 0 : i32
      %swap3A_1287 = arith.index_cast %swap3A_1285 : i32 to index
      %swap3A_1288 = arith.index_cast %swap3A_1286 : i32 to index
      %swap3A_1289 = arith.constant 496 : index
      %swap3A_1290 = tpu.vector_load %arg15[%swap3A_1287, %swap3A_1288, %swap3A_1289] {strides = array<i32>} : memref<1x1x1024xf32, #tpu.memory_space<vmem>>, vector<1x1x16xf32>,
      %swap3A_1291 = vector.shape_cast %swap3A_1290 : vector<1x1x16xf32> to vector<16xf32>
      %swap3A_1292 = vector.shape_cast %add3A_1284 : vector<16xf32> to vector<1x1x16xf32>
      tpu.vector_store %arg15[%swap3A_1287, %swap3A_1288, %swap3A_1289], %swap3A_1292 {strides = array<i32>} : memref<1x1x1024xf32, #tpu.memory_space<vmem>>, vector<1x1x16xf32>,
      %get3A_1293 = arith.constant 0 : i32
      %get3A_1294 = arith.index_cast %get3A_1293 : i32 to index
      %get3A_1295 = arith.constant 512 : index
      %get3A_1296 = tpu.vector_load %arg13[%get3A_1294, %get3A_1295] {strides = array<i32>} : memref<1x1024xf32, #tpu.memory_space<vmem>>, vector<1x16xf32>,
      %get3A_1297 = vector.shape_cast %get3A_1296 : vector<1x16xf32> to vector<16xf32>
      %get3A_1298 = arith.constant 0 : i32
      %get3A_1299 = arith.index_cast %get3A_1298 : i32 to index
      %get3A_1300 = arith.constant 512 : index
      %get3A_1301 = tpu.vector_load %arg14[%get3A_1299, %get3A_1300] {strides = array<i32>} : memref<1x1024xf32, #tpu.memory_space<vmem>>, vector<1x16xf32>,
      %get3A_1302 = vector.shape_cast %get3A_1301 : vector<1x16xf32> to vector<16xf32>
      %add3A_1303 = arith.addf %get3A_1297, %get3A_1302 : vector<16xf32>
      %swap3A_1304 = arith.constant 0 : i32
      %swap3A_1305 = arith.constant 0 : i32
      %swap3A_1306 = arith.index_cast %swap3A_1304 : i32 to index
      %swap3A_1307 = arith.index_cast %swap3A_1305 : i32 to index
      %swap3A_1308 = arith.constant 512 : index
      %swap3A_1309 = tpu.vector_load %arg15[%swap3A_1306, %swap3A_1307, %swap3A_1308] {strides = array<i32>} : memref<1x1x1024xf32, #tpu.memory_space<vmem>>, vector<1x1x16xf32>,
      %swap3A_1310 = vector.shape_cast %swap3A_1309 : vector<1x1x16xf32> to vector<16xf32>
      %swap3A_1311 = vector.shape_cast %add3A_1303 : vector<16xf32> to vector<1x1x16xf32>
      tpu.vector_store %arg15[%swap3A_1306, %swap3A_1307, %swap3A_1308], %swap3A_1311 {strides = array<i32>} : memref<1x1x1024xf32, #tpu.memory_space<vmem>>, vector<1x1x16xf32>,
      %get3A_1312 = arith.constant 0 : i32
      %get3A_1313 = arith.index_cast %get3A_1312 : i32 to index
      %get3A_1314 = arith.constant 528 : index
      %get3A_1315 = tpu.vector_load %arg13[%get3A_1313, %get3A_1314] {strides = array<i32>} : memref<1x1024xf32, #tpu.memory_space<vmem>>, vector<1x16xf32>,
      %get3A_1316 = vector.shape_cast %get3A_1315 : vector<1x16xf32> to vector<16xf32>
      %get3A_1317 = arith.constant 0 : i32
      %get3A_1318 = arith.index_cast %get3A_1317 : i32 to index
      %get3A_1319 = arith.constant 528 : index
      %get3A_1320 = tpu.vector_load %arg14[%get3A_1318, %get3A_1319] {strides = array<i32>} : memref<1x1024xf32, #tpu.memory_space<vmem>>, vector<1x16xf32>,
      %get3A_1321 = vector.shape_cast %get3A_1320 : vector<1x16xf32> to vector<16xf32>
      %add3A_1322 = arith.addf %get3A_1316, %get3A_1321 : vector<16xf32>
      %swap3A_1323 = arith.constant 0 : i32
      %swap3A_1324 = arith.constant 0 : i32
      %swap3A_1325 = arith.index_cast %swap3A_1323 : i32 to index
      %swap3A_1326 = arith.index_cast %swap3A_1324 : i32 to index
      %swap3A_1327 = arith.constant 528 : index
      %swap3A_1328 = tpu.vector_load %arg15[%swap3A_1325, %swap3A_1326, %swap3A_1327] {strides = array<i32>} : memref<1x1x1024xf32, #tpu.memory_space<vmem>>, vector<1x1x16xf32>,
      %swap3A_1329 = vector.shape_cast %swap3A_1328 : vector<1x1x16xf32> to vector<16xf32>
      %swap3A_1330 = vector.shape_cast %add3A_1322 : vector<16xf32> to vector<1x1x16xf32>
      tpu.vector_store %arg15[%swap3A_1325, %swap3A_1326, %swap3A_1327], %swap3A_1330 {strides = array<i32>} : memref<1x1x1024xf32, #tpu.memory_space<vmem>>, vector<1x1x16xf32>,
      %get3A_1331 = arith.constant 0 : i32
      %get3A_1332 = arith.index_cast %get3A_1331 : i32 to index
      %get3A_1333 = arith.constant 544 : index
      %get3A_1334 = tpu.vector_load %arg13[%get3A_1332, %get3A_1333] {strides = array<i32>} : memref<1x1024xf32, #tpu.memory_space<vmem>>, vector<1x16xf32>,
      %get3A_1335 = vector.shape_cast %get3A_1334 : vector<1x16xf32> to vector<16xf32>
      %get3A_1336 = arith.constant 0 : i32
      %get3A_1337 = arith.index_cast %get3A_1336 : i32 to index
      %get3A_1338 = arith.constant 544 : index
      %get3A_1339 = tpu.vector_load %arg14[%get3A_1337, %get3A_1338] {strides = array<i32>} : memref<1x1024xf32, #tpu.memory_space<vmem>>, vector<1x16xf32>,
      %get3A_1340 = vector.shape_cast %get3A_1339 : vector<1x16xf32> to vector<16xf32>
      %add3A_1341 = arith.addf %get3A_1335, %get3A_1340 : vector<16xf32>
      %swap3A_1342 = arith.constant 0 : i32
      %swap3A_1343 = arith.constant 0 : i32
      %swap3A_1344 = arith.index_cast %swap3A_1342 : i32 to index
      %swap3A_1345 = arith.index_cast %swap3A_1343 : i32 to index
      %swap3A_1346 = arith.constant 544 : index
      %swap3A_1347 = tpu.vector_load %arg15[%swap3A_1344, %swap3A_1345, %swap3A_1346] {strides = array<i32>} : memref<1x1x1024xf32, #tpu.memory_space<vmem>>, vector<1x1x16xf32>,
      %swap3A_1348 = vector.shape_cast %swap3A_1347 : vector<1x1x16xf32> to vector<16xf32>
      %swap3A_1349 = vector.shape_cast %add3A_1341 : vector<16xf32> to vector<1x1x16xf32>
      tpu.vector_store %arg15[%swap3A_1344, %swap3A_1345, %swap3A_1346], %swap3A_1349 {strides = array<i32>} : memref<1x1x1024xf32, #tpu.memory_space<vmem>>, vector<1x1x16xf32>,
      %get3A_1350 = arith.constant 0 : i32
      %get3A_1351 = arith.index_cast %get3A_1350 : i32 to index
      %get3A_1352 = arith.constant 560 : index
      %get3A_1353 = tpu.vector_load %arg13[%get3A_1351, %get3A_1352] {strides = array<i32>} : memref<1x1024xf32, #tpu.memory_space<vmem>>, vector<1x16xf32>,
      %get3A_1354 = vector.shape_cast %get3A_1353 : vector<1x16xf32> to vector<16xf32>
      %get3A_1355 = arith.constant 0 : i32
      %get3A_1356 = arith.index_cast %get3A_1355 : i32 to index
      %get3A_1357 = arith.constant 560 : index
      %get3A_1358 = tpu.vector_load %arg14[%get3A_1356, %get3A_1357] {strides = array<i32>} : memref<1x1024xf32, #tpu.memory_space<vmem>>, vector<1x16xf32>,
      %get3A_1359 = vector.shape_cast %get3A_1358 : vector<1x16xf32> to vector<16xf32>
      %add3A_1360 = arith.addf %get3A_1354, %get3A_1359 : vector<16xf32>
      %swap3A_1361 = arith.constant 0 : i32
      %swap3A_1362 = arith.constant 0 : i32
      %swap3A_1363 = arith.index_cast %swap3A_1361 : i32 to index
      %swap3A_1364 = arith.index_cast %swap3A_1362 : i32 to index
      %swap3A_1365 = arith.constant 560 : index
      %swap3A_1366 = tpu.vector_load %arg15[%swap3A_1363, %swap3A_1364, %swap3A_1365] {strides = array<i32>} : memref<1x1x1024xf32, #tpu.memory_space<vmem>>, vector<1x1x16xf32>,
      %swap3A_1367 = vector.shape_cast %swap3A_1366 : vector<1x1x16xf32> to vector<16xf32>
      %swap3A_1368 = vector.shape_cast %add3A_1360 : vector<16xf32> to vector<1x1x16xf32>
      tpu.vector_store %arg15[%swap3A_1363, %swap3A_1364, %swap3A_1365], %swap3A_1368 {strides = array<i32>} : memref<1x1x1024xf32, #tpu.memory_space<vmem>>, vector<1x1x16xf32>,
      %get3A_1369 = arith.constant 0 : i32
      %get3A_1370 = arith.index_cast %get3A_1369 : i32 to index
      %get3A_1371 = arith.constant 576 : index
      %get3A_1372 = tpu.vector_load %arg13[%get3A_1370, %get3A_1371] {strides = array<i32>} : memref<1x1024xf32, #tpu.memory_space<vmem>>, vector<1x16xf32>,
      %get3A_1373 = vector.shape_cast %get3A_1372 : vector<1x16xf32> to vector<16xf32>
      %get3A_1374 = arith.constant 0 : i32
      %get3A_1375 = arith.index_cast %get3A_1374 : i32 to index
      %get3A_1376 = arith.constant 576 : index
      %get3A_1377 = tpu.vector_load %arg14[%get3A_1375, %get3A_1376] {strides = array<i32>} : memref<1x1024xf32, #tpu.memory_space<vmem>>, vector<1x16xf32>,
      %get3A_1378 = vector.shape_cast %get3A_1377 : vector<1x16xf32> to vector<16xf32>
      %add3A_1379 = arith.addf %get3A_1373, %get3A_1378 : vector<16xf32>
      %swap3A_1380 = arith.constant 0 : i32
      %swap3A_1381 = arith.constant 0 : i32
      %swap3A_1382 = arith.index_cast %swap3A_1380 : i32 to index
      %swap3A_1383 = arith.index_cast %swap3A_1381 : i32 to index
      %swap3A_1384 = arith.constant 576 : index
      %swap3A_1385 = tpu.vector_load %arg15[%swap3A_1382, %swap3A_1383, %swap3A_1384] {strides = array<i32>} : memref<1x1x1024xf32, #tpu.memory_space<vmem>>, vector<1x1x16xf32>,
      %swap3A_1386 = vector.shape_cast %swap3A_1385 : vector<1x1x16xf32> to vector<16xf32>
      %swap3A_1387 = vector.shape_cast %add3A_1379 : vector<16xf32> to vector<1x1x16xf32>
      tpu.vector_store %arg15[%swap3A_1382, %swap3A_1383, %swap3A_1384], %swap3A_1387 {strides = array<i32>} : memref<1x1x1024xf32, #tpu.memory_space<vmem>>, vector<1x1x16xf32>,
      %get3A_1388 = arith.constant 0 : i32
      %get3A_1389 = arith.index_cast %get3A_1388 : i32 to index
      %get3A_1390 = arith.constant 592 : index
      %get3A_1391 = tpu.vector_load %arg13[%get3A_1389, %get3A_1390] {strides = array<i32>} : memref<1x1024xf32, #tpu.memory_space<vmem>>, vector<1x16xf32>,
      %get3A_1392 = vector.shape_cast %get3A_1391 : vector<1x16xf32> to vector<16xf32>
      %get3A_1393 = arith.constant 0 : i32
      %get3A_1394 = arith.index_cast %get3A_1393 : i32 to index
      %get3A_1395 = arith.constant 592 : index
      %get3A_1396 = tpu.vector_load %arg14[%get3A_1394, %get3A_1395] {strides = array<i32>} : memref<1x1024xf32, #tpu.memory_space<vmem>>, vector<1x16xf32>,
      %get3A_1397 = vector.shape_cast %get3A_1396 : vector<1x16xf32> to vector<16xf32>
      %add3A_1398 = arith.addf %get3A_1392, %get3A_1397 : vector<16xf32>
      %swap3A_1399 = arith.constant 0 : i32
      %swap3A_1400 = arith.constant 0 : i32
      %swap3A_1401 = arith.index_cast %swap3A_1399 : i32 to index
      %swap3A_1402 = arith.index_cast %swap3A_1400 : i32 to index
      %swap3A_1403 = arith.constant 592 : index
      %swap3A_1404 = tpu.vector_load %arg15[%swap3A_1401, %swap3A_1402, %swap3A_1403] {strides = array<i32>} : memref<1x1x1024xf32, #tpu.memory_space<vmem>>, vector<1x1x16xf32>,
      %swap3A_1405 = vector.shape_cast %swap3A_1404 : vector<1x1x16xf32> to vector<16xf32>
      %swap3A_1406 = vector.shape_cast %add3A_1398 : vector<16xf32> to vector<1x1x16xf32>
      tpu.vector_store %arg15[%swap3A_1401, %swap3A_1402, %swap3A_1403], %swap3A_1406 {strides = array<i32>} : memref<1x1x1024xf32, #tpu.memory_space<vmem>>, vector<1x1x16xf32>,
      %get3A_1407 = arith.constant 0 : i32
      %get3A_1408 = arith.index_cast %get3A_1407 : i32 to index
      %get3A_1409 = arith.constant 608 : index
      %get3A_1410 = tpu.vector_load %arg13[%get3A_1408, %get3A_1409] {strides = array<i32>} : memref<1x1024xf32, #tpu.memory_space<vmem>>, vector<1x16xf32>,
      %get3A_1411 = vector.shape_cast %get3A_1410 : vector<1x16xf32> to vector<16xf32>
      %get3A_1412 = arith.constant 0 : i32
      %get3A_1413 = arith.index_cast %get3A_1412 : i32 to index
      %get3A_1414 = arith.constant 608 : index
      %get3A_1415 = tpu.vector_load %arg14[%get3A_1413, %get3A_1414] {strides = array<i32>} : memref<1x1024xf32, #tpu.memory_space<vmem>>, vector<1x16xf32>,
      %get3A_1416 = vector.shape_cast %get3A_1415 : vector<1x16xf32> to vector<16xf32>
      %add3A_1417 = arith.addf %get3A_1411, %get3A_1416 : vector<16xf32>
      %swap3A_1418 = arith.constant 0 : i32
      %swap3A_1419 = arith.constant 0 : i32
      %swap3A_1420 = arith.index_cast %swap3A_1418 : i32 to index
      %swap3A_1421 = arith.index_cast %swap3A_1419 : i32 to index
      %swap3A_1422 = arith.constant 608 : index
      %swap3A_1423 = tpu.vector_load %arg15[%swap3A_1420, %swap3A_1421, %swap3A_1422] {strides = array<i32>} : memref<1x1x1024xf32, #tpu.memory_space<vmem>>, vector<1x1x16xf32>,
      %swap3A_1424 = vector.shape_cast %swap3A_1423 : vector<1x1x16xf32> to vector<16xf32>
      %swap3A_1425 = vector.shape_cast %add3A_1417 : vector<16xf32> to vector<1x1x16xf32>
      tpu.vector_store %arg15[%swap3A_1420, %swap3A_1421, %swap3A_1422], %swap3A_1425 {strides = array<i32>} : memref<1x1x1024xf32, #tpu.memory_space<vmem>>, vector<1x1x16xf32>,
      %get3A_1426 = arith.constant 0 : i32
      %get3A_1427 = arith.index_cast %get3A_1426 : i32 to index
      %get3A_1428 = arith.constant 624 : index
      %get3A_1429 = tpu.vector_load %arg13[%get3A_1427, %get3A_1428] {strides = array<i32>} : memref<1x1024xf32, #tpu.memory_space<vmem>>, vector<1x16xf32>,
      %get3A_1430 = vector.shape_cast %get3A_1429 : vector<1x16xf32> to vector<16xf32>
      %get3A_1431 = arith.constant 0 : i32
      %get3A_1432 = arith.index_cast %get3A_1431 : i32 to index
      %get3A_1433 = arith.constant 624 : index
      %get3A_1434 = tpu.vector_load %arg14[%get3A_1432, %get3A_1433] {strides = array<i32>} : memref<1x1024xf32, #tpu.memory_space<vmem>>, vector<1x16xf32>,
      %get3A_1435 = vector.shape_cast %get3A_1434 : vector<1x16xf32> to vector<16xf32>
      %add3A_1436 = arith.addf %get3A_1430, %get3A_1435 : vector<16xf32>
      %swap3A_1437 = arith.constant 0 : i32
      %swap3A_1438 = arith.constant 0 : i32
      %swap3A_1439 = arith.index_cast %swap3A_1437 : i32 to index
      %swap3A_1440 = arith.index_cast %swap3A_1438 : i32 to index
      %swap3A_1441 = arith.constant 624 : index
      %swap3A_1442 = tpu.vector_load %arg15[%swap3A_1439, %swap3A_1440, %swap3A_1441] {strides = array<i32>} : memref<1x1x1024xf32, #tpu.memory_space<vmem>>, vector<1x1x16xf32>,
      %swap3A_1443 = vector.shape_cast %swap3A_1442 : vector<1x1x16xf32> to vector<16xf32>
      %swap3A_1444 = vector.shape_cast %add3A_1436 : vector<16xf32> to vector<1x1x16xf32>
      tpu.vector_store %arg15[%swap3A_1439, %swap3A_1440, %swap3A_1441], %swap3A_1444 {strides = array<i32>} : memref<1x1x1024xf32, #tpu.memory_space<vmem>>, vector<1x1x16xf32>,
      %get3A_1445 = arith.constant 0 : i32
      %get3A_1446 = arith.index_cast %get3A_1445 : i32 to index
      %get3A_1447 = arith.constant 640 : index
      %get3A_1448 = tpu.vector_load %arg13[%get3A_1446, %get3A_1447] {strides = array<i32>} : memref<1x1024xf32, #tpu.memory_space<vmem>>, vector<1x16xf32>,
      %get3A_1449 = vector.shape_cast %get3A_1448 : vector<1x16xf32> to vector<16xf32>
      %get3A_1450 = arith.constant 0 : i32
      %get3A_1451 = arith.index_cast %get3A_1450 : i32 to index
      %get3A_1452 = arith.constant 640 : index
      %get3A_1453 = tpu.vector_load %arg14[%get3A_1451, %get3A_1452] {strides = array<i32>} : memref<1x1024xf32, #tpu.memory_space<vmem>>, vector<1x16xf32>,
      %get3A_1454 = vector.shape_cast %get3A_1453 : vector<1x16xf32> to vector<16xf32>
      %add3A_1455 = arith.addf %get3A_1449, %get3A_1454 : vector<16xf32>
      %swap3A_1456 = arith.constant 0 : i32
      %swap3A_1457 = arith.constant 0 : i32
      %swap3A_1458 = arith.index_cast %swap3A_1456 : i32 to index
      %swap3A_1459 = arith.index_cast %swap3A_1457 : i32 to index
      %swap3A_1460 = arith.constant 640 : index
      %swap3A_1461 = tpu.vector_load %arg15[%swap3A_1458, %swap3A_1459, %swap3A_1460] {strides = array<i32>} : memref<1x1x1024xf32, #tpu.memory_space<vmem>>, vector<1x1x16xf32>,
      %swap3A_1462 = vector.shape_cast %swap3A_1461 : vector<1x1x16xf32> to vector<16xf32>
      %swap3A_1463 = vector.shape_cast %add3A_1455 : vector<16xf32> to vector<1x1x16xf32>
      tpu.vector_store %arg15[%swap3A_1458, %swap3A_1459, %swap3A_1460], %swap3A_1463 {strides = array<i32>} : memref<1x1x1024xf32, #tpu.memory_space<vmem>>, vector<1x1x16xf32>,
      %get3A_1464 = arith.constant 0 : i32
      %get3A_1465 = arith.index_cast %get3A_1464 : i32 to index
      %get3A_1466 = arith.constant 656 : index
      %get3A_1467 = tpu.vector_load %arg13[%get3A_1465, %get3A_1466] {strides = array<i32>} : memref<1x1024xf32, #tpu.memory_space<vmem>>, vector<1x16xf32>,
      %get3A_1468 = vector.shape_cast %get3A_1467 : vector<1x16xf32> to vector<16xf32>
      %get3A_1469 = arith.constant 0 : i32
      %get3A_1470 = arith.index_cast %get3A_1469 : i32 to index
      %get3A_1471 = arith.constant 656 : index
      %get3A_1472 = tpu.vector_load %arg14[%get3A_1470, %get3A_1471] {strides = array<i32>} : memref<1x1024xf32, #tpu.memory_space<vmem>>, vector<1x16xf32>,
      %get3A_1473 = vector.shape_cast %get3A_1472 : vector<1x16xf32> to vector<16xf32>
      %add3A_1474 = arith.addf %get3A_1468, %get3A_1473 : vector<16xf32>
      %swap3A_1475 = arith.constant 0 : i32
      %swap3A_1476 = arith.constant 0 : i32
      %swap3A_1477 = arith.index_cast %swap3A_1475 : i32 to index
      %swap3A_1478 = arith.index_cast %swap3A_1476 : i32 to index
      %swap3A_1479 = arith.constant 656 : index
      %swap3A_1480 = tpu.vector_load %arg15[%swap3A_1477, %swap3A_1478, %swap3A_1479] {strides = array<i32>} : memref<1x1x1024xf32, #tpu.memory_space<vmem>>, vector<1x1x16xf32>,
      %swap3A_1481 = vector.shape_cast %swap3A_1480 : vector<1x1x16xf32> to vector<16xf32>
      %swap3A_1482 = vector.shape_cast %add3A_1474 : vector<16xf32> to vector<1x1x16xf32>
      tpu.vector_store %arg15[%swap3A_1477, %swap3A_1478, %swap3A_1479], %swap3A_1482 {strides = array<i32>} : memref<1x1x1024xf32, #tpu.memory_space<vmem>>, vector<1x1x16xf32>,
      %get3A_1483 = arith.constant 0 : i32
      %get3A_1484 = arith.index_cast %get3A_1483 : i32 to index
      %get3A_1485 = arith.constant 672 : index
      %get3A_1486 = tpu.vector_load %arg13[%get3A_1484, %get3A_1485] {strides = array<i32>} : memref<1x1024xf32, #tpu.memory_space<vmem>>, vector<1x16xf32>,
      %get3A_1487 = vector.shape_cast %get3A_1486 : vector<1x16xf32> to vector<16xf32>
      %get3A_1488 = arith.constant 0 : i32
      %get3A_1489 = arith.index_cast %get3A_1488 : i32 to index
      %get3A_1490 = arith.constant 672 : index
      %get3A_1491 = tpu.vector_load %arg14[%get3A_1489, %get3A_1490] {strides = array<i32>} : memref<1x1024xf32, #tpu.memory_space<vmem>>, vector<1x16xf32>,
      %get3A_1492 = vector.shape_cast %get3A_1491 : vector<1x16xf32> to vector<16xf32>
      %add3A_1493 = arith.addf %get3A_1487, %get3A_1492 : vector<16xf32>
      %swap3A_1494 = arith.constant 0 : i32
      %swap3A_1495 = arith.constant 0 : i32
      %swap3A_1496 = arith.index_cast %swap3A_1494 : i32 to index
      %swap3A_1497 = arith.index_cast %swap3A_1495 : i32 to index
      %swap3A_1498 = arith.constant 672 : index
      %swap3A_1499 = tpu.vector_load %arg15[%swap3A_1496, %swap3A_1497, %swap3A_1498] {strides = array<i32>} : memref<1x1x1024xf32, #tpu.memory_space<vmem>>, vector<1x1x16xf32>,
      %swap3A_1500 = vector.shape_cast %swap3A_1499 : vector<1x1x16xf32> to vector<16xf32>
      %swap3A_1501 = vector.shape_cast %add3A_1493 : vector<16xf32> to vector<1x1x16xf32>
      tpu.vector_store %arg15[%swap3A_1496, %swap3A_1497, %swap3A_1498], %swap3A_1501 {strides = array<i32>} : memref<1x1x1024xf32, #tpu.memory_space<vmem>>, vector<1x1x16xf32>,
      %get3A_1502 = arith.constant 0 : i32
      %get3A_1503 = arith.index_cast %get3A_1502 : i32 to index
      %get3A_1504 = arith.constant 688 : index
      %get3A_1505 = tpu.vector_load %arg13[%get3A_1503, %get3A_1504] {strides = array<i32>} : memref<1x1024xf32, #tpu.memory_space<vmem>>, vector<1x16xf32>,
      %get3A_1506 = vector.shape_cast %get3A_1505 : vector<1x16xf32> to vector<16xf32>
      %get3A_1507 = arith.constant 0 : i32
      %get3A_1508 = arith.index_cast %get3A_1507 : i32 to index
      %get3A_1509 = arith.constant 688 : index
      %get3A_1510 = tpu.vector_load %arg14[%get3A_1508, %get3A_1509] {strides = array<i32>} : memref<1x1024xf32, #tpu.memory_space<vmem>>, vector<1x16xf32>,
      %get3A_1511 = vector.shape_cast %get3A_1510 : vector<1x16xf32> to vector<16xf32>
      %add3A_1512 = arith.addf %get3A_1506, %get3A_1511 : vector<16xf32>
      %swap3A_1513 = arith.constant 0 : i32
      %swap3A_1514 = arith.constant 0 : i32
      %swap3A_1515 = arith.index_cast %swap3A_1513 : i32 to index
      %swap3A_1516 = arith.index_cast %swap3A_1514 : i32 to index
      %swap3A_1517 = arith.constant 688 : index
      %swap3A_1518 = tpu.vector_load %arg15[%swap3A_1515, %swap3A_1516, %swap3A_1517] {strides = array<i32>} : memref<1x1x1024xf32, #tpu.memory_space<vmem>>, vector<1x1x16xf32>,
      %swap3A_1519 = vector.shape_cast %swap3A_1518 : vector<1x1x16xf32> to vector<16xf32>
      %swap3A_1520 = vector.shape_cast %add3A_1512 : vector<16xf32> to vector<1x1x16xf32>
      tpu.vector_store %arg15[%swap3A_1515, %swap3A_1516, %swap3A_1517], %swap3A_1520 {strides = array<i32>} : memref<1x1x1024xf32, #tpu.memory_space<vmem>>, vector<1x1x16xf32>,
      %get3A_1521 = arith.constant 0 : i32
      %get3A_1522 = arith.index_cast %get3A_1521 : i32 to index
      %get3A_1523 = arith.constant 704 : index
      %get3A_1524 = tpu.vector_load %arg13[%get3A_1522, %get3A_1523] {strides = array<i32>} : memref<1x1024xf32, #tpu.memory_space<vmem>>, vector<1x16xf32>,
      %get3A_1525 = vector.shape_cast %get3A_1524 : vector<1x16xf32> to vector<16xf32>
      %get3A_1526 = arith.constant 0 : i32
      %get3A_1527 = arith.index_cast %get3A_1526 : i32 to index
      %get3A_1528 = arith.constant 704 : index
      %get3A_1529 = tpu.vector_load %arg14[%get3A_1527, %get3A_1528] {strides = array<i32>} : memref<1x1024xf32, #tpu.memory_space<vmem>>, vector<1x16xf32>,
      %get3A_1530 = vector.shape_cast %get3A_1529 : vector<1x16xf32> to vector<16xf32>
      %add3A_1531 = arith.addf %get3A_1525, %get3A_1530 : vector<16xf32>
      %swap3A_1532 = arith.constant 0 : i32
      %swap3A_1533 = arith.constant 0 : i32
      %swap3A_1534 = arith.index_cast %swap3A_1532 : i32 to index
      %swap3A_1535 = arith.index_cast %swap3A_1533 : i32 to index
      %swap3A_1536 = arith.constant 704 : index
      %swap3A_1537 = tpu.vector_load %arg15[%swap3A_1534, %swap3A_1535, %swap3A_1536] {strides = array<i32>} : memref<1x1x1024xf32, #tpu.memory_space<vmem>>, vector<1x1x16xf32>,
      %swap3A_1538 = vector.shape_cast %swap3A_1537 : vector<1x1x16xf32> to vector<16xf32>
      %swap3A_1539 = vector.shape_cast %add3A_1531 : vector<16xf32> to vector<1x1x16xf32>
      tpu.vector_store %arg15[%swap3A_1534, %swap3A_1535, %swap3A_1536], %swap3A_1539 {strides = array<i32>} : memref<1x1x1024xf32, #tpu.memory_space<vmem>>, vector<1x1x16xf32>,
      %get3A_1540 = arith.constant 0 : i32
      %get3A_1541 = arith.index_cast %get3A_1540 : i32 to index
      %get3A_1542 = arith.constant 720 : index
      %get3A_1543 = tpu.vector_load %arg13[%get3A_1541, %get3A_1542] {strides = array<i32>} : memref<1x1024xf32, #tpu.memory_space<vmem>>, vector<1x16xf32>,
      %get3A_1544 = vector.shape_cast %get3A_1543 : vector<1x16xf32> to vector<16xf32>
      %get3A_1545 = arith.constant 0 : i32
      %get3A_1546 = arith.index_cast %get3A_1545 : i32 to index
      %get3A_1547 = arith.constant 720 : index
      %get3A_1548 = tpu.vector_load %arg14[%get3A_1546, %get3A_1547] {strides = array<i32>} : memref<1x1024xf32, #tpu.memory_space<vmem>>, vector<1x16xf32>,
      %get3A_1549 = vector.shape_cast %get3A_1548 : vector<1x16xf32> to vector<16xf32>
      %add3A_1550 = arith.addf %get3A_1544, %get3A_1549 : vector<16xf32>
      %swap3A_1551 = arith.constant 0 : i32
      %swap3A_1552 = arith.constant 0 : i32
      %swap3A_1553 = arith.index_cast %swap3A_1551 : i32 to index
      %swap3A_1554 = arith.index_cast %swap3A_1552 : i32 to index
      %swap3A_1555 = arith.constant 720 : index
      %swap3A_1556 = tpu.vector_load %arg15[%swap3A_1553, %swap3A_1554, %swap3A_1555] {strides = array<i32>} : memref<1x1x1024xf32, #tpu.memory_space<vmem>>, vector<1x1x16xf32>,
      %swap3A_1557 = vector.shape_cast %swap3A_1556 : vector<1x1x16xf32> to vector<16xf32>
      %swap3A_1558 = vector.shape_cast %add3A_1550 : vector<16xf32> to vector<1x1x16xf32>
      tpu.vector_store %arg15[%swap3A_1553, %swap3A_1554, %swap3A_1555], %swap3A_1558 {strides = array<i32>} : memref<1x1x1024xf32, #tpu.memory_space<vmem>>, vector<1x1x16xf32>,
      %get3A_1559 = arith.constant 0 : i32
      %get3A_1560 = arith.index_cast %get3A_1559 : i32 to index
      %get3A_1561 = arith.constant 736 : index
      %get3A_1562 = tpu.vector_load %arg13[%get3A_1560, %get3A_1561] {strides = array<i32>} : memref<1x1024xf32, #tpu.memory_space<vmem>>, vector<1x16xf32>,
      %get3A_1563 = vector.shape_cast %get3A_1562 : vector<1x16xf32> to vector<16xf32>
      %get3A_1564 = arith.constant 0 : i32
      %get3A_1565 = arith.index_cast %get3A_1564 : i32 to index
      %get3A_1566 = arith.constant 736 : index
      %get3A_1567 = tpu.vector_load %arg14[%get3A_1565, %get3A_1566] {strides = array<i32>} : memref<1x1024xf32, #tpu.memory_space<vmem>>, vector<1x16xf32>,
      %get3A_1568 = vector.shape_cast %get3A_1567 : vector<1x16xf32> to vector<16xf32>
      %add3A_1569 = arith.addf %get3A_1563, %get3A_1568 : vector<16xf32>
      %swap3A_1570 = arith.constant 0 : i32
      %swap3A_1571 = arith.constant 0 : i32
      %swap3A_1572 = arith.index_cast %swap3A_1570 : i32 to index
      %swap3A_1573 = arith.index_cast %swap3A_1571 : i32 to index
      %swap3A_1574 = arith.constant 736 : index
      %swap3A_1575 = tpu.vector_load %arg15[%swap3A_1572, %swap3A_1573, %swap3A_1574] {strides = array<i32>} : memref<1x1x1024xf32, #tpu.memory_space<vmem>>, vector<1x1x16xf32>,
      %swap3A_1576 = vector.shape_cast %swap3A_1575 : vector<1x1x16xf32> to vector<16xf32>
      %swap3A_1577 = vector.shape_cast %add3A_1569 : vector<16xf32> to vector<1x1x16xf32>
      tpu.vector_store %arg15[%swap3A_1572, %swap3A_1573, %swap3A_1574], %swap3A_1577 {strides = array<i32>} : memref<1x1x1024xf32, #tpu.memory_space<vmem>>, vector<1x1x16xf32>,
      %get3A_1578 = arith.constant 0 : i32
      %get3A_1579 = arith.index_cast %get3A_1578 : i32 to index
      %get3A_1580 = arith.constant 752 : index
      %get3A_1581 = tpu.vector_load %arg13[%get3A_1579, %get3A_1580] {strides = array<i32>} : memref<1x1024xf32, #tpu.memory_space<vmem>>, vector<1x16xf32>,
      %get3A_1582 = vector.shape_cast %get3A_1581 : vector<1x16xf32> to vector<16xf32>
      %get3A_1583 = arith.constant 0 : i32
      %get3A_1584 = arith.index_cast %get3A_1583 : i32 to index
      %get3A_1585 = arith.constant 752 : index
      %get3A_1586 = tpu.vector_load %arg14[%get3A_1584, %get3A_1585] {strides = array<i32>} : memref<1x1024xf32, #tpu.memory_space<vmem>>, vector<1x16xf32>,
      %get3A_1587 = vector.shape_cast %get3A_1586 : vector<1x16xf32> to vector<16xf32>
      %add3A_1588 = arith.addf %get3A_1582, %get3A_1587 : vector<16xf32>
      %swap3A_1589 = arith.constant 0 : i32
      %swap3A_1590 = arith.constant 0 : i32
      %swap3A_1591 = arith.index_cast %swap3A_1589 : i32 to index
      %swap3A_1592 = arith.index_cast %swap3A_1590 : i32 to index
      %swap3A_1593 = arith.constant 752 : index
      %swap3A_1594 = tpu.vector_load %arg15[%swap3A_1591, %swap3A_1592, %swap3A_1593] {strides = array<i32>} : memref<1x1x1024xf32, #tpu.memory_space<vmem>>, vector<1x1x16xf32>,
      %swap3A_1595 = vector.shape_cast %swap3A_1594 : vector<1x1x16xf32> to vector<16xf32>
      %swap3A_1596 = vector.shape_cast %add3A_1588 : vector<16xf32> to vector<1x1x16xf32>
      tpu.vector_store %arg15[%swap3A_1591, %swap3A_1592, %swap3A_1593], %swap3A_1596 {strides = array<i32>} : memref<1x1x1024xf32, #tpu.memory_space<vmem>>, vector<1x1x16xf32>,
      %get3A_1597 = arith.constant 0 : i32
      %get3A_1598 = arith.index_cast %get3A_1597 : i32 to index
      %get3A_1599 = arith.constant 768 : index
      %get3A_1600 = tpu.vector_load %arg13[%get3A_1598, %get3A_1599] {strides = array<i32>} : memref<1x1024xf32, #tpu.memory_space<vmem>>, vector<1x16xf32>,
      %get3A_1601 = vector.shape_cast %get3A_1600 : vector<1x16xf32> to vector<16xf32>
      %get3A_1602 = arith.constant 0 : i32
      %get3A_1603 = arith.index_cast %get3A_1602 : i32 to index
      %get3A_1604 = arith.constant 768 : index
      %get3A_1605 = tpu.vector_load %arg14[%get3A_1603, %get3A_1604] {strides = array<i32>} : memref<1x1024xf32, #tpu.memory_space<vmem>>, vector<1x16xf32>,
      %get3A_1606 = vector.shape_cast %get3A_1605 : vector<1x16xf32> to vector<16xf32>
      %add3A_1607 = arith.addf %get3A_1601, %get3A_1606 : vector<16xf32>
      %swap3A_1608 = arith.constant 0 : i32
      %swap3A_1609 = arith.constant 0 : i32
      %swap3A_1610 = arith.index_cast %swap3A_1608 : i32 to index
      %swap3A_1611 = arith.index_cast %swap3A_1609 : i32 to index
      %swap3A_1612 = arith.constant 768 : index
      %swap3A_1613 = tpu.vector_load %arg15[%swap3A_1610, %swap3A_1611, %swap3A_1612] {strides = array<i32>} : memref<1x1x1024xf32, #tpu.memory_space<vmem>>, vector<1x1x16xf32>,
      %swap3A_1614 = vector.shape_cast %swap3A_1613 : vector<1x1x16xf32> to vector<16xf32>
      %swap3A_1615 = vector.shape_cast %add3A_1607 : vector<16xf32> to vector<1x1x16xf32>
      tpu.vector_store %arg15[%swap3A_1610, %swap3A_1611, %swap3A_1612], %swap3A_1615 {strides = array<i32>} : memref<1x1x1024xf32, #tpu.memory_space<vmem>>, vector<1x1x16xf32>,
      %get3A_1616 = arith.constant 0 : i32
      %get3A_1617 = arith.index_cast %get3A_1616 : i32 to index
      %get3A_1618 = arith.constant 784 : index
      %get3A_1619 = tpu.vector_load %arg13[%get3A_1617, %get3A_1618] {strides = array<i32>} : memref<1x1024xf32, #tpu.memory_space<vmem>>, vector<1x16xf32>,
      %get3A_1620 = vector.shape_cast %get3A_1619 : vector<1x16xf32> to vector<16xf32>
      %get3A_1621 = arith.constant 0 : i32
      %get3A_1622 = arith.index_cast %get3A_1621 : i32 to index
      %get3A_1623 = arith.constant 784 : index
      %get3A_1624 = tpu.vector_load %arg14[%get3A_1622, %get3A_1623] {strides = array<i32>} : memref<1x1024xf32, #tpu.memory_space<vmem>>, vector<1x16xf32>,
      %get3A_1625 = vector.shape_cast %get3A_1624 : vector<1x16xf32> to vector<16xf32>
      %add3A_1626 = arith.addf %get3A_1620, %get3A_1625 : vector<16xf32>
      %swap3A_1627 = arith.constant 0 : i32
      %swap3A_1628 = arith.constant 0 : i32
      %swap3A_1629 = arith.index_cast %swap3A_1627 : i32 to index
      %swap3A_1630 = arith.index_cast %swap3A_1628 : i32 to index
      %swap3A_1631 = arith.constant 784 : index
      %swap3A_1632 = tpu.vector_load %arg15[%swap3A_1629, %swap3A_1630, %swap3A_1631] {strides = array<i32>} : memref<1x1x1024xf32, #tpu.memory_space<vmem>>, vector<1x1x16xf32>,
      %swap3A_1633 = vector.shape_cast %swap3A_1632 : vector<1x1x16xf32> to vector<16xf32>
      %swap3A_1634 = vector.shape_cast %add3A_1626 : vector<16xf32> to vector<1x1x16xf32>
      tpu.vector_store %arg15[%swap3A_1629, %swap3A_1630, %swap3A_1631], %swap3A_1634 {strides = array<i32>} : memref<1x1x1024xf32, #tpu.memory_space<vmem>>, vector<1x1x16xf32>,
      %get3A_1635 = arith.constant 0 : i32
      %get3A_1636 = arith.index_cast %get3A_1635 : i32 to index
      %get3A_1637 = arith.constant 800 : index
      %get3A_1638 = tpu.vector_load %arg13[%get3A_1636, %get3A_1637] {strides = array<i32>} : memref<1x1024xf32, #tpu.memory_space<vmem>>, vector<1x16xf32>,
      %get3A_1639 = vector.shape_cast %get3A_1638 : vector<1x16xf32> to vector<16xf32>
      %get3A_1640 = arith.constant 0 : i32
      %get3A_1641 = arith.index_cast %get3A_1640 : i32 to index
      %get3A_1642 = arith.constant 800 : index
      %get3A_1643 = tpu.vector_load %arg14[%get3A_1641, %get3A_1642] {strides = array<i32>} : memref<1x1024xf32, #tpu.memory_space<vmem>>, vector<1x16xf32>,
      %get3A_1644 = vector.shape_cast %get3A_1643 : vector<1x16xf32> to vector<16xf32>
      %add3A_1645 = arith.addf %get3A_1639, %get3A_1644 : vector<16xf32>
      %swap3A_1646 = arith.constant 0 : i32
      %swap3A_1647 = arith.constant 0 : i32
      %swap3A_1648 = arith.index_cast %swap3A_1646 : i32 to index
      %swap3A_1649 = arith.index_cast %swap3A_1647 : i32 to index
      %swap3A_1650 = arith.constant 800 : index
      %swap3A_1651 = tpu.vector_load %arg15[%swap3A_1648, %swap3A_1649, %swap3A_1650] {strides = array<i32>} : memref<1x1x1024xf32, #tpu.memory_space<vmem>>, vector<1x1x16xf32>,
      %swap3A_1652 = vector.shape_cast %swap3A_1651 : vector<1x1x16xf32> to vector<16xf32>
      %swap3A_1653 = vector.shape_cast %add3A_1645 : vector<16xf32> to vector<1x1x16xf32>
      tpu.vector_store %arg15[%swap3A_1648, %swap3A_1649, %swap3A_1650], %swap3A_1653 {strides = array<i32>} : memref<1x1x1024xf32, #tpu.memory_space<vmem>>, vector<1x1x16xf32>,
      %get3A_1654 = arith.constant 0 : i32
      %get3A_1655 = arith.index_cast %get3A_1654 : i32 to index
      %get3A_1656 = arith.constant 816 : index
      %get3A_1657 = tpu.vector_load %arg13[%get3A_1655, %get3A_1656] {strides = array<i32>} : memref<1x1024xf32, #tpu.memory_space<vmem>>, vector<1x16xf32>,
      %get3A_1658 = vector.shape_cast %get3A_1657 : vector<1x16xf32> to vector<16xf32>
      %get3A_1659 = arith.constant 0 : i32
      %get3A_1660 = arith.index_cast %get3A_1659 : i32 to index
      %get3A_1661 = arith.constant 816 : index
      %get3A_1662 = tpu.vector_load %arg14[%get3A_1660, %get3A_1661] {strides = array<i32>} : memref<1x1024xf32, #tpu.memory_space<vmem>>, vector<1x16xf32>,
      %get3A_1663 = vector.shape_cast %get3A_1662 : vector<1x16xf32> to vector<16xf32>
      %add3A_1664 = arith.addf %get3A_1658, %get3A_1663 : vector<16xf32>
      %swap3A_1665 = arith.constant 0 : i32
      %swap3A_1666 = arith.constant 0 : i32
      %swap3A_1667 = arith.index_cast %swap3A_1665 : i32 to index
      %swap3A_1668 = arith.index_cast %swap3A_1666 : i32 to index
      %swap3A_1669 = arith.constant 816 : index
      %swap3A_1670 = tpu.vector_load %arg15[%swap3A_1667, %swap3A_1668, %swap3A_1669] {strides = array<i32>} : memref<1x1x1024xf32, #tpu.memory_space<vmem>>, vector<1x1x16xf32>,
      %swap3A_1671 = vector.shape_cast %swap3A_1670 : vector<1x1x16xf32> to vector<16xf32>
      %swap3A_1672 = vector.shape_cast %add3A_1664 : vector<16xf32> to vector<1x1x16xf32>
      tpu.vector_store %arg15[%swap3A_1667, %swap3A_1668, %swap3A_1669], %swap3A_1672 {strides = array<i32>} : memref<1x1x1024xf32, #tpu.memory_space<vmem>>, vector<1x1x16xf32>,
      %get3A_1673 = arith.constant 0 : i32
      %get3A_1674 = arith.index_cast %get3A_1673 : i32 to index
      %get3A_1675 = arith.constant 832 : index
      %get3A_1676 = tpu.vector_load %arg13[%get3A_1674, %get3A_1675] {strides = array<i32>} : memref<1x1024xf32, #tpu.memory_space<vmem>>, vector<1x16xf32>,
      %get3A_1677 = vector.shape_cast %get3A_1676 : vector<1x16xf32> to vector<16xf32>
      %get3A_1678 = arith.constant 0 : i32
      %get3A_1679 = arith.index_cast %get3A_1678 : i32 to index
      %get3A_1680 = arith.constant 832 : index
      %get3A_1681 = tpu.vector_load %arg14[%get3A_1679, %get3A_1680] {strides = array<i32>} : memref<1x1024xf32, #tpu.memory_space<vmem>>, vector<1x16xf32>,
      %get3A_1682 = vector.shape_cast %get3A_1681 : vector<1x16xf32> to vector<16xf32>
      %add3A_1683 = arith.addf %get3A_1677, %get3A_1682 : vector<16xf32>
      %swap3A_1684 = arith.constant 0 : i32
      %swap3A_1685 = arith.constant 0 : i32
      %swap3A_1686 = arith.index_cast %swap3A_1684 : i32 to index
      %swap3A_1687 = arith.index_cast %swap3A_1685 : i32 to index
      %swap3A_1688 = arith.constant 832 : index
      %swap3A_1689 = tpu.vector_load %arg15[%swap3A_1686, %swap3A_1687, %swap3A_1688] {strides = array<i32>} : memref<1x1x1024xf32, #tpu.memory_space<vmem>>, vector<1x1x16xf32>,
      %swap3A_1690 = vector.shape_cast %swap3A_1689 : vector<1x1x16xf32> to vector<16xf32>
      %swap3A_1691 = vector.shape_cast %add3A_1683 : vector<16xf32> to vector<1x1x16xf32>
      tpu.vector_store %arg15[%swap3A_1686, %swap3A_1687, %swap3A_1688], %swap3A_1691 {strides = array<i32>} : memref<1x1x1024xf32, #tpu.memory_space<vmem>>, vector<1x1x16xf32>,
      %get3A_1692 = arith.constant 0 : i32
      %get3A_1693 = arith.index_cast %get3A_1692 : i32 to index
      %get3A_1694 = arith.constant 848 : index
      %get3A_1695 = tpu.vector_load %arg13[%get3A_1693, %get3A_1694] {strides = array<i32>} : memref<1x1024xf32, #tpu.memory_space<vmem>>, vector<1x16xf32>,
      %get3A_1696 = vector.shape_cast %get3A_1695 : vector<1x16xf32> to vector<16xf32>
      %get3A_1697 = arith.constant 0 : i32
      %get3A_1698 = arith.index_cast %get3A_1697 : i32 to index
      %get3A_1699 = arith.constant 848 : index
      %get3A_1700 = tpu.vector_load %arg14[%get3A_1698, %get3A_1699] {strides = array<i32>} : memref<1x1024xf32, #tpu.memory_space<vmem>>, vector<1x16xf32>,
      %get3A_1701 = vector.shape_cast %get3A_1700 : vector<1x16xf32> to vector<16xf32>
      %add3A_1702 = arith.addf %get3A_1696, %get3A_1701 : vector<16xf32>
      %swap3A_1703 = arith.constant 0 : i32
      %swap3A_1704 = arith.constant 0 : i32
      %swap3A_1705 = arith.index_cast %swap3A_1703 : i32 to index
      %swap3A_1706 = arith.index_cast %swap3A_1704 : i32 to index
      %swap3A_1707 = arith.constant 848 : index
      %swap3A_1708 = tpu.vector_load %arg15[%swap3A_1705, %swap3A_1706, %swap3A_1707] {strides = array<i32>} : memref<1x1x1024xf32, #tpu.memory_space<vmem>>, vector<1x1x16xf32>,
      %swap3A_1709 = vector.shape_cast %swap3A_1708 : vector<1x1x16xf32> to vector<16xf32>
      %swap3A_1710 = vector.shape_cast %add3A_1702 : vector<16xf32> to vector<1x1x16xf32>
      tpu.vector_store %arg15[%swap3A_1705, %swap3A_1706, %swap3A_1707], %swap3A_1710 {strides = array<i32>} : memref<1x1x1024xf32, #tpu.memory_space<vmem>>, vector<1x1x16xf32>,
      %get3A_1711 = arith.constant 0 : i32
      %get3A_1712 = arith.index_cast %get3A_1711 : i32 to index
      %get3A_1713 = arith.constant 864 : index
      %get3A_1714 = tpu.vector_load %arg13[%get3A_1712, %get3A_1713] {strides = array<i32>} : memref<1x1024xf32, #tpu.memory_space<vmem>>, vector<1x16xf32>,
      %get3A_1715 = vector.shape_cast %get3A_1714 : vector<1x16xf32> to vector<16xf32>
      %get3A_1716 = arith.constant 0 : i32
      %get3A_1717 = arith.index_cast %get3A_1716 : i32 to index
      %get3A_1718 = arith.constant 864 : index
      %get3A_1719 = tpu.vector_load %arg14[%get3A_1717, %get3A_1718] {strides = array<i32>} : memref<1x1024xf32, #tpu.memory_space<vmem>>, vector<1x16xf32>,
      %get3A_1720 = vector.shape_cast %get3A_1719 : vector<1x16xf32> to vector<16xf32>
      %add3A_1721 = arith.addf %get3A_1715, %get3A_1720 : vector<16xf32>
      %swap3A_1722 = arith.constant 0 : i32
      %swap3A_1723 = arith.constant 0 : i32
      %swap3A_1724 = arith.index_cast %swap3A_1722 : i32 to index
      %swap3A_1725 = arith.index_cast %swap3A_1723 : i32 to index
      %swap3A_1726 = arith.constant 864 : index
      %swap3A_1727 = tpu.vector_load %arg15[%swap3A_1724, %swap3A_1725, %swap3A_1726] {strides = array<i32>} : memref<1x1x1024xf32, #tpu.memory_space<vmem>>, vector<1x1x16xf32>,
      %swap3A_1728 = vector.shape_cast %swap3A_1727 : vector<1x1x16xf32> to vector<16xf32>
      %swap3A_1729 = vector.shape_cast %add3A_1721 : vector<16xf32> to vector<1x1x16xf32>
      tpu.vector_store %arg15[%swap3A_1724, %swap3A_1725, %swap3A_1726], %swap3A_1729 {strides = array<i32>} : memref<1x1x1024xf32, #tpu.memory_space<vmem>>, vector<1x1x16xf32>,
      %get3A_1730 = arith.constant 0 : i32
      %get3A_1731 = arith.index_cast %get3A_1730 : i32 to index
      %get3A_1732 = arith.constant 880 : index
      %get3A_1733 = tpu.vector_load %arg13[%get3A_1731, %get3A_1732] {strides = array<i32>} : memref<1x1024xf32, #tpu.memory_space<vmem>>, vector<1x16xf32>,
      %get3A_1734 = vector.shape_cast %get3A_1733 : vector<1x16xf32> to vector<16xf32>
      %get3A_1735 = arith.constant 0 : i32
      %get3A_1736 = arith.index_cast %get3A_1735 : i32 to index
      %get3A_1737 = arith.constant 880 : index
      %get3A_1738 = tpu.vector_load %arg14[%get3A_1736, %get3A_1737] {strides = array<i32>} : memref<1x1024xf32, #tpu.memory_space<vmem>>, vector<1x16xf32>,
      %get3A_1739 = vector.shape_cast %get3A_1738 : vector<1x16xf32> to vector<16xf32>
      %add3A_1740 = arith.addf %get3A_1734, %get3A_1739 : vector<16xf32>
      %swap3A_1741 = arith.constant 0 : i32
      %swap3A_1742 = arith.constant 0 : i32
      %swap3A_1743 = arith.index_cast %swap3A_1741 : i32 to index
      %swap3A_1744 = arith.index_cast %swap3A_1742 : i32 to index
      %swap3A_1745 = arith.constant 880 : index
      %swap3A_1746 = tpu.vector_load %arg15[%swap3A_1743, %swap3A_1744, %swap3A_1745] {strides = array<i32>} : memref<1x1x1024xf32, #tpu.memory_space<vmem>>, vector<1x1x16xf32>,
      %swap3A_1747 = vector.shape_cast %swap3A_1746 : vector<1x1x16xf32> to vector<16xf32>
      %swap3A_1748 = vector.shape_cast %add3A_1740 : vector<16xf32> to vector<1x1x16xf32>
      tpu.vector_store %arg15[%swap3A_1743, %swap3A_1744, %swap3A_1745], %swap3A_1748 {strides = array<i32>} : memref<1x1x1024xf32, #tpu.memory_space<vmem>>, vector<1x1x16xf32>,
      %get3A_1749 = arith.constant 0 : i32
      %get3A_1750 = arith.index_cast %get3A_1749 : i32 to index
      %get3A_1751 = arith.constant 896 : index
      %get3A_1752 = tpu.vector_load %arg13[%get3A_1750, %get3A_1751] {strides = array<i32>} : memref<1x1024xf32, #tpu.memory_space<vmem>>, vector<1x16xf32>,
      %get3A_1753 = vector.shape_cast %get3A_1752 : vector<1x16xf32> to vector<16xf32>
      %get3A_1754 = arith.constant 0 : i32
      %get3A_1755 = arith.index_cast %get3A_1754 : i32 to index
      %get3A_1756 = arith.constant 896 : index
      %get3A_1757 = tpu.vector_load %arg14[%get3A_1755, %get3A_1756] {strides = array<i32>} : memref<1x1024xf32, #tpu.memory_space<vmem>>, vector<1x16xf32>,
      %get3A_1758 = vector.shape_cast %get3A_1757 : vector<1x16xf32> to vector<16xf32>
      %add3A_1759 = arith.addf %get3A_1753, %get3A_1758 : vector<16xf32>
      %swap3A_1760 = arith.constant 0 : i32
      %swap3A_1761 = arith.constant 0 : i32
      %swap3A_1762 = arith.index_cast %swap3A_1760 : i32 to index
      %swap3A_1763 = arith.index_cast %swap3A_1761 : i32 to index
      %swap3A_1764 = arith.constant 896 : index
      %swap3A_1765 = tpu.vector_load %arg15[%swap3A_1762, %swap3A_1763, %swap3A_1764] {strides = array<i32>} : memref<1x1x1024xf32, #tpu.memory_space<vmem>>, vector<1x1x16xf32>,
      %swap3A_1766 = vector.shape_cast %swap3A_1765 : vector<1x1x16xf32> to vector<16xf32>
      %swap3A_1767 = vector.shape_cast %add3A_1759 : vector<16xf32> to vector<1x1x16xf32>
      tpu.vector_store %arg15[%swap3A_1762, %swap3A_1763, %swap3A_1764], %swap3A_1767 {strides = array<i32>} : memref<1x1x1024xf32, #tpu.memory_space<vmem>>, vector<1x1x16xf32>,
      %get3A_1768 = arith.constant 0 : i32
      %get3A_1769 = arith.index_cast %get3A_1768 : i32 to index
      %get3A_1770 = arith.constant 912 : index
      %get3A_1771 = tpu.vector_load %arg13[%get3A_1769, %get3A_1770] {strides = array<i32>} : memref<1x1024xf32, #tpu.memory_space<vmem>>, vector<1x16xf32>,
      %get3A_1772 = vector.shape_cast %get3A_1771 : vector<1x16xf32> to vector<16xf32>
      %get3A_1773 = arith.constant 0 : i32
      %get3A_1774 = arith.index_cast %get3A_1773 : i32 to index
      %get3A_1775 = arith.constant 912 : index
      %get3A_1776 = tpu.vector_load %arg14[%get3A_1774, %get3A_1775] {strides = array<i32>} : memref<1x1024xf32, #tpu.memory_space<vmem>>, vector<1x16xf32>,
      %get3A_1777 = vector.shape_cast %get3A_1776 : vector<1x16xf32> to vector<16xf32>
      %add3A_1778 = arith.addf %get3A_1772, %get3A_1777 : vector<16xf32>
      %swap3A_1779 = arith.constant 0 : i32
      %swap3A_1780 = arith.constant 0 : i32
      %swap3A_1781 = arith.index_cast %swap3A_1779 : i32 to index
      %swap3A_1782 = arith.index_cast %swap3A_1780 : i32 to index
      %swap3A_1783 = arith.constant 912 : index
      %swap3A_1784 = tpu.vector_load %arg15[%swap3A_1781, %swap3A_1782, %swap3A_1783] {strides = array<i32>} : memref<1x1x1024xf32, #tpu.memory_space<vmem>>, vector<1x1x16xf32>,
      %swap3A_1785 = vector.shape_cast %swap3A_1784 : vector<1x1x16xf32> to vector<16xf32>
      %swap3A_1786 = vector.shape_cast %add3A_1778 : vector<16xf32> to vector<1x1x16xf32>
      tpu.vector_store %arg15[%swap3A_1781, %swap3A_1782, %swap3A_1783], %swap3A_1786 {strides = array<i32>} : memref<1x1x1024xf32, #tpu.memory_space<vmem>>, vector<1x1x16xf32>,
      %get3A_1787 = arith.constant 0 : i32
      %get3A_1788 = arith.index_cast %get3A_1787 : i32 to index
      %get3A_1789 = arith.constant 928 : index
      %get3A_1790 = tpu.vector_load %arg13[%get3A_1788, %get3A_1789] {strides = array<i32>} : memref<1x1024xf32, #tpu.memory_space<vmem>>, vector<1x16xf32>,
      %get3A_1791 = vector.shape_cast %get3A_1790 : vector<1x16xf32> to vector<16xf32>
      %get3A_1792 = arith.constant 0 : i32
      %get3A_1793 = arith.index_cast %get3A_1792 : i32 to index
      %get3A_1794 = arith.constant 928 : index
      %get3A_1795 = tpu.vector_load %arg14[%get3A_1793, %get3A_1794] {strides = array<i32>} : memref<1x1024xf32, #tpu.memory_space<vmem>>, vector<1x16xf32>,
      %get3A_1796 = vector.shape_cast %get3A_1795 : vector<1x16xf32> to vector<16xf32>
      %add3A_1797 = arith.addf %get3A_1791, %get3A_1796 : vector<16xf32>
      %swap3A_1798 = arith.constant 0 : i32
      %swap3A_1799 = arith.constant 0 : i32
      %swap3A_1800 = arith.index_cast %swap3A_1798 : i32 to index
      %swap3A_1801 = arith.index_cast %swap3A_1799 : i32 to index
      %swap3A_1802 = arith.constant 928 : index
      %swap3A_1803 = tpu.vector_load %arg15[%swap3A_1800, %swap3A_1801, %swap3A_1802] {strides = array<i32>} : memref<1x1x1024xf32, #tpu.memory_space<vmem>>, vector<1x1x16xf32>,
      %swap3A_1804 = vector.shape_cast %swap3A_1803 : vector<1x1x16xf32> to vector<16xf32>
      %swap3A_1805 = vector.shape_cast %add3A_1797 : vector<16xf32> to vector<1x1x16xf32>
      tpu.vector_store %arg15[%swap3A_1800, %swap3A_1801, %swap3A_1802], %swap3A_1805 {strides = array<i32>} : memref<1x1x1024xf32, #tpu.memory_space<vmem>>, vector<1x1x16xf32>,
      %get3A_1806 = arith.constant 0 : i32
      %get3A_1807 = arith.index_cast %get3A_1806 : i32 to index
      %get3A_1808 = arith.constant 944 : index
      %get3A_1809 = tpu.vector_load %arg13[%get3A_1807, %get3A_1808] {strides = array<i32>} : memref<1x1024xf32, #tpu.memory_space<vmem>>, vector<1x16xf32>,
      %get3A_1810 = vector.shape_cast %get3A_1809 : vector<1x16xf32> to vector<16xf32>
      %get3A_1811 = arith.constant 0 : i32
      %get3A_1812 = arith.index_cast %get3A_1811 : i32 to index
      %get3A_1813 = arith.constant 944 : index
      %get3A_1814 = tpu.vector_load %arg14[%get3A_1812, %get3A_1813] {strides = array<i32>} : memref<1x1024xf32, #tpu.memory_space<vmem>>, vector<1x16xf32>,
      %get3A_1815 = vector.shape_cast %get3A_1814 : vector<1x16xf32> to vector<16xf32>
      %add3A_1816 = arith.addf %get3A_1810, %get3A_1815 : vector<16xf32>
      %swap3A_1817 = arith.constant 0 : i32
      %swap3A_1818 = arith.constant 0 : i32
      %swap3A_1819 = arith.index_cast %swap3A_1817 : i32 to index
      %swap3A_1820 = arith.index_cast %swap3A_1818 : i32 to index
      %swap3A_1821 = arith.constant 944 : index
      %swap3A_1822 = tpu.vector_load %arg15[%swap3A_1819, %swap3A_1820, %swap3A_1821] {strides = array<i32>} : memref<1x1x1024xf32, #tpu.memory_space<vmem>>, vector<1x1x16xf32>,
      %swap3A_1823 = vector.shape_cast %swap3A_1822 : vector<1x1x16xf32> to vector<16xf32>
      %swap3A_1824 = vector.shape_cast %add3A_1816 : vector<16xf32> to vector<1x1x16xf32>
      tpu.vector_store %arg15[%swap3A_1819, %swap3A_1820, %swap3A_1821], %swap3A_1824 {strides = array<i32>} : memref<1x1x1024xf32, #tpu.memory_space<vmem>>, vector<1x1x16xf32>,
      %get3A_1825 = arith.constant 0 : i32
      %get3A_1826 = arith.index_cast %get3A_1825 : i32 to index
      %get3A_1827 = arith.constant 960 : index
      %get3A_1828 = tpu.vector_load %arg13[%get3A_1826, %get3A_1827] {strides = array<i32>} : memref<1x1024xf32, #tpu.memory_space<vmem>>, vector<1x16xf32>,
      %get3A_1829 = vector.shape_cast %get3A_1828 : vector<1x16xf32> to vector<16xf32>
      %get3A_1830 = arith.constant 0 : i32
      %get3A_1831 = arith.index_cast %get3A_1830 : i32 to index
      %get3A_1832 = arith.constant 960 : index
      %get3A_1833 = tpu.vector_load %arg14[%get3A_1831, %get3A_1832] {strides = array<i32>} : memref<1x1024xf32, #tpu.memory_space<vmem>>, vector<1x16xf32>,
      %get3A_1834 = vector.shape_cast %get3A_1833 : vector<1x16xf32> to vector<16xf32>
      %add3A_1835 = arith.addf %get3A_1829, %get3A_1834 : vector<16xf32>
      %swap3A_1836 = arith.constant 0 : i32
      %swap3A_1837 = arith.constant 0 : i32
      %swap3A_1838 = arith.index_cast %swap3A_1836 : i32 to index
      %swap3A_1839 = arith.index_cast %swap3A_1837 : i32 to index
      %swap3A_1840 = arith.constant 960 : index
      %swap3A_1841 = tpu.vector_load %arg15[%swap3A_1838, %swap3A_1839, %swap3A_1840] {strides = array<i32>} : memref<1x1x1024xf32, #tpu.memory_space<vmem>>, vector<1x1x16xf32>,
      %swap3A_1842 = vector.shape_cast %swap3A_1841 : vector<1x1x16xf32> to vector<16xf32>
      %swap3A_1843 = vector.shape_cast %add3A_1835 : vector<16xf32> to vector<1x1x16xf32>
      tpu.vector_store %arg15[%swap3A_1838, %swap3A_1839, %swap3A_1840], %swap3A_1843 {strides = array<i32>} : memref<1x1x1024xf32, #tpu.memory_space<vmem>>, vector<1x1x16xf32>,
      %get3A_1844 = arith.constant 0 : i32
      %get3A_1845 = arith.index_cast %get3A_1844 : i32 to index
      %get3A_1846 = arith.constant 976 : index
      %get3A_1847 = tpu.vector_load %arg13[%get3A_1845, %get3A_1846] {strides = array<i32>} : memref<1x1024xf32, #tpu.memory_space<vmem>>, vector<1x16xf32>,
      %get3A_1848 = vector.shape_cast %get3A_1847 : vector<1x16xf32> to vector<16xf32>
      %get3A_1849 = arith.constant 0 : i32
      %get3A_1850 = arith.index_cast %get3A_1849 : i32 to index
      %get3A_1851 = arith.constant 976 : index
      %get3A_1852 = tpu.vector_load %arg14[%get3A_1850, %get3A_1851] {strides = array<i32>} : memref<1x1024xf32, #tpu.memory_space<vmem>>, vector<1x16xf32>,
      %get3A_1853 = vector.shape_cast %get3A_1852 : vector<1x16xf32> to vector<16xf32>
      %add3A_1854 = arith.addf %get3A_1848, %get3A_1853 : vector<16xf32>
      %swap3A_1855 = arith.constant 0 : i32
      %swap3A_1856 = arith.constant 0 : i32
      %swap3A_1857 = arith.index_cast %swap3A_1855 : i32 to index
      %swap3A_1858 = arith.index_cast %swap3A_1856 : i32 to index
      %swap3A_1859 = arith.constant 976 : index
      %swap3A_1860 = tpu.vector_load %arg15[%swap3A_1857, %swap3A_1858, %swap3A_1859] {strides = array<i32>} : memref<1x1x1024xf32, #tpu.memory_space<vmem>>, vector<1x1x16xf32>,
      %swap3A_1861 = vector.shape_cast %swap3A_1860 : vector<1x1x16xf32> to vector<16xf32>
      %swap3A_1862 = vector.shape_cast %add3A_1854 : vector<16xf32> to vector<1x1x16xf32>
      tpu.vector_store %arg15[%swap3A_1857, %swap3A_1858, %swap3A_1859], %swap3A_1862 {strides = array<i32>} : memref<1x1x1024xf32, #tpu.memory_space<vmem>>, vector<1x1x16xf32>,
      %get3A_1863 = arith.constant 0 : i32
      %get3A_1864 = arith.index_cast %get3A_1863 : i32 to index
      %get3A_1865 = arith.constant 992 : index
      %get3A_1866 = tpu.vector_load %arg13[%get3A_1864, %get3A_1865] {strides = array<i32>} : memref<1x1024xf32, #tpu.memory_space<vmem>>, vector<1x16xf32>,
      %get3A_1867 = vector.shape_cast %get3A_1866 : vector<1x16xf32> to vector<16xf32>
      %get3A_1868 = arith.constant 0 : i32
      %get3A_1869 = arith.index_cast %get3A_1868 : i32 to index
      %get3A_1870 = arith.constant 992 : index
      %get3A_1871 = tpu.vector_load %arg14[%get3A_1869, %get3A_1870] {strides = array<i32>} : memref<1x1024xf32, #tpu.memory_space<vmem>>, vector<1x16xf32>,
      %get3A_1872 = vector.shape_cast %get3A_1871 : vector<1x16xf32> to vector<16xf32>
      %add3A_1873 = arith.addf %get3A_1867, %get3A_1872 : vector<16xf32>
      %swap3A_1874 = arith.constant 0 : i32
      %swap3A_1875 = arith.constant 0 : i32
      %swap3A_1876 = arith.index_cast %swap3A_1874 : i32 to index
      %swap3A_1877 = arith.index_cast %swap3A_1875 : i32 to index
      %swap3A_1878 = arith.constant 992 : index
      %swap3A_1879 = tpu.vector_load %arg15[%swap3A_1876, %swap3A_1877, %swap3A_1878] {strides = array<i32>} : memref<1x1x1024xf32, #tpu.memory_space<vmem>>, vector<1x1x16xf32>,
      %swap3A_1880 = vector.shape_cast %swap3A_1879 : vector<1x1x16xf32> to vector<16xf32>
      %swap3A_1881 = vector.shape_cast %add3A_1873 : vector<16xf32> to vector<1x1x16xf32>
      tpu.vector_store %arg15[%swap3A_1876, %swap3A_1877, %swap3A_1878], %swap3A_1881 {strides = array<i32>} : memref<1x1x1024xf32, #tpu.memory_space<vmem>>, vector<1x1x16xf32>,
      %get3A_1882 = arith.constant 0 : i32
      %get3A_1883 = arith.index_cast %get3A_1882 : i32 to index
      %get3A_1884 = arith.constant 1008 : index
      %get3A_1885 = tpu.vector_load %arg13[%get3A_1883, %get3A_1884] {strides = array<i32>} : memref<1x1024xf32, #tpu.memory_space<vmem>>, vector<1x16xf32>,
      %get3A_1886 = vector.shape_cast %get3A_1885 : vector<1x16xf32> to vector<16xf32>
      %get3A_1887 = arith.constant 0 : i32
      %get3A_1888 = arith.index_cast %get3A_1887 : i32 to index
      %get3A_1889 = arith.constant 1008 : index
      %get3A_1890 = tpu.vector_load %arg14[%get3A_1888, %get3A_1889] {strides = array<i32>} : memref<1x1024xf32, #tpu.memory_space<vmem>>, vector<1x16xf32>,
      %get3A_1891 = vector.shape_cast %get3A_1890 : vector<1x16xf32> to vector<16xf32>
      %add3A_1892 = arith.addf %get3A_1886, %get3A_1891 : vector<16xf32>
      %swap3A_1893 = arith.constant 0 : i32
      %swap3A_1894 = arith.constant 0 : i32
      %swap3A_1895 = arith.index_cast %swap3A_1893 : i32 to index
      %swap3A_1896 = arith.index_cast %swap3A_1894 : i32 to index
      %swap3A_1897 = arith.constant 1008 : index
      %swap3A_1898 = tpu.vector_load %arg15[%swap3A_1895, %swap3A_1896, %swap3A_1897] {strides = array<i32>} : memref<1x1x1024xf32, #tpu.memory_space<vmem>>, vector<1x1x16xf32>,
      %swap3A_1899 = vector.shape_cast %swap3A_1898 : vector<1x1x16xf32> to vector<16xf32>
      %swap3A_1900 = vector.shape_cast %add3A_1892 : vector<16xf32> to vector<1x1x16xf32>
      tpu.vector_store %arg15[%swap3A_1895, %swap3A_1896, %swap3A_1897], %swap3A_1900 {strides = array<i32>} : memref<1x1x1024xf32, #tpu.memory_space<vmem>>, vector<1x1x16xf32>,
      "tpu.region"() ({
        %run_scoped3A = tpu.sem_alloc : memref<!tpu.dma_semaphore, #tpu.memory_space<semaphore_mem>>
        %dma_start3A_1901 = arith.constant 2048 : i32
        %dma_start3A_1902 = arith.constant 0 : i32
        %dma_start3A_1903 = tpu.memref_slice %arg7[%dma_start3A_1901, %arg0, %dma_start3A_1902] : memref<2049x2x1024xf32, #tpu.memory_space<hbm>> -> memref<1x1x1024xf32, #tpu.memory_space<hbm>>
        %dma_start3A_1904 = arith.constant 2048 : i32
        %dma_start3A_1905 = arith.constant 0 : i32
        %dma_start3A_1906 = tpu.memref_slice %arg7[%dma_start3A_1904, %arg0, %dma_start3A_1905] : memref<2049x2x1024xf32, #tpu.memory_space<hbm>> -> memref<1x1x1024xf32, #tpu.memory_space<hbm>>
        tpu.enqueue_dma source(%arg15 : memref<1x1x1024xf32, #tpu.memory_space<vmem>>) target(%dma_start3A_1906 : memref<1x1x1024xf32, #tpu.memory_space<hbm>>) target_semaphore(%run_scoped3A : memref<!tpu.dma_semaphore, #tpu.memory_space<semaphore_mem>>)
        %dma_wait3A_1907 = arith.constant 2048 : i32
        %dma_wait3A_1908 = arith.constant 0 : i32
        %dma_wait3A_1909 = tpu.memref_slice %arg7[%dma_wait3A_1907, %arg0, %dma_wait3A_1908] : memref<2049x2x1024xf32, #tpu.memory_space<hbm>> -> memref<1x1x1024xf32, #tpu.memory_space<hbm>>
        %dma_wait3A_1910 = arith.constant 2048 : i32
        %dma_wait3A_1911 = arith.constant 0 : i32
        %dma_wait3A_1912 = tpu.memref_slice %arg7[%dma_wait3A_1910, %arg0, %dma_wait3A_1911] : memref<2049x2x1024xf32, #tpu.memory_space<hbm>> -> memref<1x1x1024xf32, #tpu.memory_space<hbm>>
        tpu.wait_dma2 semaphore(%run_scoped3A : memref<!tpu.dma_semaphore, #tpu.memory_space<semaphore_mem>>) src(%arg15 : memref<1x1x1024xf32, #tpu.memory_space<vmem>>) dst(%dma_wait3A_1912 : memref<1x1x1024xf32, #tpu.memory_space<hbm>>)
        tpu.yield
      }) : () -> ()
    } else {
    }
    %dma_wait3A_561 = arith.constant 0 : i32
    %dma_wait3A_562 = arith.constant 0 : i32
    %dma_wait3A_563 = arith.constant 1 : i32
    %dma_wait3A_564 = arith.constant 0 : i32
    %dma_wait3A_565 = arith.constant 0 : i32
    %dma_wait3A_566 = arith.constant 0 : i32
    %dma_wait3A_567 = tpu.memref_slice %arg9[%dma_wait3A_561, %dma_wait3A_565, %dma_wait3A_566] : memref<2x16x1024xf32, #tpu.memory_space<vmem>> -> memref<1x16x1024xf32, #tpu.memory_space<vmem>>
    %dma_wait3A_568 = tpu.memref_squeeze %dma_wait3A_567 : memref<1x16x1024xf32, #tpu.memory_space<vmem>> -> memref<16x1024xf32, #tpu.memory_space<vmem>>
    %dma_wait3A_569 = arith.constant 0 : i32
    %dma_wait3A_570 = tpu.memref_slice %arg7[%add3A_263, %dma_wait3A_562, %dma_wait3A_569] : memref<2049x2x1024xf32, #tpu.memory_space<hbm>> -> memref<16x1x1024xf32, #tpu.memory_space<hbm>>
    %dma_wait3A_571 = tpu.memref_squeeze %dma_wait3A_570 : memref<16x1x1024xf32, #tpu.memory_space<hbm>> -> memref<16x1024xf32, #tpu.memory_space<hbm>>
    %dma_wait3A_572 = tpu.memref_slice %arg17[%dma_wait3A_563, %dma_wait3A_564] : memref<3x2x!tpu.dma_semaphore, #tpu.memory_space<semaphore_mem>> -> memref<1x1x!tpu.dma_semaphore, #tpu.memory_space<semaphore_mem>>
    %dma_wait3A_573 = tpu.memref_squeeze %dma_wait3A_572 : memref<1x1x!tpu.dma_semaphore, #tpu.memory_space<semaphore_mem>> -> memref<!tpu.dma_semaphore, #tpu.memory_space<semaphore_mem>>
    %dma_wait3A_574 = arith.constant 0 : i32
    %dma_wait3A_575 = tpu.memref_slice %arg7[%add3A_263, %dma_wait3A_562, %dma_wait3A_574] : memref<2049x2x1024xf32, #tpu.memory_space<hbm>> -> memref<16x1x1024xf32, #tpu.memory_space<hbm>>
    %dma_wait3A_576 = tpu.memref_squeeze %dma_wait3A_575 : memref<16x1x1024xf32, #tpu.memory_space<hbm>> -> memref<16x1024xf32, #tpu.memory_space<hbm>>
    %dma_wait3A_577 = arith.constant 0 : i32
    %dma_wait3A_578 = arith.constant 0 : i32
    %dma_wait3A_579 = tpu.memref_slice %arg9[%dma_wait3A_561, %dma_wait3A_577, %dma_wait3A_578] : memref<2x16x1024xf32, #tpu.memory_space<vmem>> -> memref<1x16x1024xf32, #tpu.memory_space<vmem>>
    %dma_wait3A_580 = tpu.memref_squeeze %dma_wait3A_579 : memref<1x16x1024xf32, #tpu.memory_space<vmem>> -> memref<16x1024xf32, #tpu.memory_space<vmem>>
    tpu.wait_dma2 semaphore(%dma_wait3A_573 : memref<!tpu.dma_semaphore, #tpu.memory_space<semaphore_mem>>) src(%dma_wait3A_580 : memref<16x1024xf32, #tpu.memory_space<vmem>>) dst(%dma_wait3A_576 : memref<16x1024xf32, #tpu.memory_space<hbm>>)
    %dma_wait3A_581 = arith.constant 1 : i32
    %dma_wait3A_582 = arith.constant 1 : i32
    %dma_wait3A_583 = arith.constant 1 : i32
    %dma_wait3A_584 = arith.constant 1 : i32
    %dma_wait3A_585 = arith.constant 0 : i32
    %dma_wait3A_586 = arith.constant 0 : i32
    %dma_wait3A_587 = tpu.memref_slice %arg9[%dma_wait3A_581, %dma_wait3A_585, %dma_wait3A_586] : memref<2x16x1024xf32, #tpu.memory_space<vmem>> -> memref<1x16x1024xf32, #tpu.memory_space<vmem>>
    %dma_wait3A_588 = tpu.memref_squeeze %dma_wait3A_587 : memref<1x16x1024xf32, #tpu.memory_space<vmem>> -> memref<16x1024xf32, #tpu.memory_space<vmem>>
    %dma_wait3A_589 = arith.constant 0 : i32
    %dma_wait3A_590 = tpu.memref_slice %arg7[%add3A_285, %dma_wait3A_582, %dma_wait3A_589] : memref<2049x2x1024xf32, #tpu.memory_space<hbm>> -> memref<16x1x1024xf32, #tpu.memory_space<hbm>>
    %dma_wait3A_591 = tpu.memref_squeeze %dma_wait3A_590 : memref<16x1x1024xf32, #tpu.memory_space<hbm>> -> memref<16x1024xf32, #tpu.memory_space<hbm>>
    %dma_wait3A_592 = tpu.memref_slice %arg17[%dma_wait3A_583, %dma_wait3A_584] : memref<3x2x!tpu.dma_semaphore, #tpu.memory_space<semaphore_mem>> -> memref<1x1x!tpu.dma_semaphore, #tpu.memory_space<semaphore_mem>>
    %dma_wait3A_593 = tpu.memref_squeeze %dma_wait3A_592 : memref<1x1x!tpu.dma_semaphore, #tpu.memory_space<semaphore_mem>> -> memref<!tpu.dma_semaphore, #tpu.memory_space<semaphore_mem>>
    %dma_wait3A_594 = arith.constant 0 : i32
    %dma_wait3A_595 = tpu.memref_slice %arg7[%add3A_285, %dma_wait3A_582, %dma_wait3A_594] : memref<2049x2x1024xf32, #tpu.memory_space<hbm>> -> memref<16x1x1024xf32, #tpu.memory_space<hbm>>
    %dma_wait3A_596 = tpu.memref_squeeze %dma_wait3A_595 : memref<16x1x1024xf32, #tpu.memory_space<hbm>> -> memref<16x1024xf32, #tpu.memory_space<hbm>>
    %dma_wait3A_597 = arith.constant 0 : i32
    %dma_wait3A_598 = arith.constant 0 : i32
    %dma_wait3A_599 = tpu.memref_slice %arg9[%dma_wait3A_581, %dma_wait3A_597, %dma_wait3A_598] : memref<2x16x1024xf32, #tpu.memory_space<vmem>> -> memref<1x16x1024xf32, #tpu.memory_space<vmem>>
    %dma_wait3A_600 = tpu.memref_squeeze %dma_wait3A_599 : memref<1x16x1024xf32, #tpu.memory_space<vmem>> -> memref<16x1024xf32, #tpu.memory_space<vmem>>
    tpu.wait_dma2 semaphore(%dma_wait3A_593 : memref<!tpu.dma_semaphore, #tpu.memory_space<semaphore_mem>>) src(%dma_wait3A_600 : memref<16x1024xf32, #tpu.memory_space<vmem>>) dst(%dma_wait3A_596 : memref<16x1024xf32, #tpu.memory_space<hbm>>)
    %dma_wait3A_601 = arith.constant 0 : i32
    %dma_wait3A_602 = arith.constant 0 : i32
    %dma_wait3A_603 = arith.constant 2 : i32
    %dma_wait3A_604 = arith.constant 0 : i32
    %dma_wait3A_605 = arith.constant 0 : i32
    %dma_wait3A_606 = arith.constant 0 : i32
    %dma_wait3A_607 = tpu.memref_slice %arg10[%dma_wait3A_601, %dma_wait3A_605, %dma_wait3A_606] : memref<2x16x1024xf32, #tpu.memory_space<vmem>> -> memref<1x16x1024xf32, #tpu.memory_space<vmem>>
    %dma_wait3A_608 = tpu.memref_squeeze %dma_wait3A_607 : memref<1x16x1024xf32, #tpu.memory_space<vmem>> -> memref<16x1024xf32, #tpu.memory_space<vmem>>
    %dma_wait3A_609 = arith.constant 0 : i32
    %dma_wait3A_610 = tpu.memref_slice %arg7[%add3A_347, %dma_wait3A_602, %dma_wait3A_609] : memref<2049x2x1024xf32, #tpu.memory_space<hbm>> -> memref<16x1x1024xf32, #tpu.memory_space<hbm>>
    %dma_wait3A_611 = tpu.memref_squeeze %dma_wait3A_610 : memref<16x1x1024xf32, #tpu.memory_space<hbm>> -> memref<16x1024xf32, #tpu.memory_space<hbm>>
    %dma_wait3A_612 = tpu.memref_slice %arg17[%dma_wait3A_603, %dma_wait3A_604] : memref<3x2x!tpu.dma_semaphore, #tpu.memory_space<semaphore_mem>> -> memref<1x1x!tpu.dma_semaphore, #tpu.memory_space<semaphore_mem>>
    %dma_wait3A_613 = tpu.memref_squeeze %dma_wait3A_612 : memref<1x1x!tpu.dma_semaphore, #tpu.memory_space<semaphore_mem>> -> memref<!tpu.dma_semaphore, #tpu.memory_space<semaphore_mem>>
    %dma_wait3A_614 = arith.constant 0 : i32
    %dma_wait3A_615 = tpu.memref_slice %arg7[%add3A_347, %dma_wait3A_602, %dma_wait3A_614] : memref<2049x2x1024xf32, #tpu.memory_space<hbm>> -> memref<16x1x1024xf32, #tpu.memory_space<hbm>>
    %dma_wait3A_616 = tpu.memref_squeeze %dma_wait3A_615 : memref<16x1x1024xf32, #tpu.memory_space<hbm>> -> memref<16x1024xf32, #tpu.memory_space<hbm>>
    %dma_wait3A_617 = arith.constant 0 : i32
    %dma_wait3A_618 = arith.constant 0 : i32
    %dma_wait3A_619 = tpu.memref_slice %arg10[%dma_wait3A_601, %dma_wait3A_617, %dma_wait3A_618] : memref<2x16x1024xf32, #tpu.memory_space<vmem>> -> memref<1x16x1024xf32, #tpu.memory_space<vmem>>
    %dma_wait3A_620 = tpu.memref_squeeze %dma_wait3A_619 : memref<1x16x1024xf32, #tpu.memory_space<vmem>> -> memref<16x1024xf32, #tpu.memory_space<vmem>>
    tpu.wait_dma2 semaphore(%dma_wait3A_613 : memref<!tpu.dma_semaphore, #tpu.memory_space<semaphore_mem>>) src(%dma_wait3A_620 : memref<16x1024xf32, #tpu.memory_space<vmem>>) dst(%dma_wait3A_616 : memref<16x1024xf32, #tpu.memory_space<hbm>>)
    %dma_wait3A_621 = arith.constant 1 : i32
    %dma_wait3A_622 = arith.constant 1 : i32
    %dma_wait3A_623 = arith.constant 2 : i32
    %dma_wait3A_624 = arith.constant 1 : i32
    %dma_wait3A_625 = arith.constant 0 : i32
    %dma_wait3A_626 = arith.constant 0 : i32
    %dma_wait3A_627 = tpu.memref_slice %arg10[%dma_wait3A_621, %dma_wait3A_625, %dma_wait3A_626] : memref<2x16x1024xf32, #tpu.memory_space<vmem>> -> memref<1x16x1024xf32, #tpu.memory_space<vmem>>
    %dma_wait3A_628 = tpu.memref_squeeze %dma_wait3A_627 : memref<1x16x1024xf32, #tpu.memory_space<vmem>> -> memref<16x1024xf32, #tpu.memory_space<vmem>>
    %dma_wait3A_629 = arith.constant 0 : i32
    %dma_wait3A_630 = tpu.memref_slice %arg7[%add3A_369, %dma_wait3A_622, %dma_wait3A_629] : memref<2049x2x1024xf32, #tpu.memory_space<hbm>> -> memref<16x1x1024xf32, #tpu.memory_space<hbm>>
    %dma_wait3A_631 = tpu.memref_squeeze %dma_wait3A_630 : memref<16x1x1024xf32, #tpu.memory_space<hbm>> -> memref<16x1024xf32, #tpu.memory_space<hbm>>
    %dma_wait3A_632 = tpu.memref_slice %arg17[%dma_wait3A_623, %dma_wait3A_624] : memref<3x2x!tpu.dma_semaphore, #tpu.memory_space<semaphore_mem>> -> memref<1x1x!tpu.dma_semaphore, #tpu.memory_space<semaphore_mem>>
    %dma_wait3A_633 = tpu.memref_squeeze %dma_wait3A_632 : memref<1x1x!tpu.dma_semaphore, #tpu.memory_space<semaphore_mem>> -> memref<!tpu.dma_semaphore, #tpu.memory_space<semaphore_mem>>
    %dma_wait3A_634 = arith.constant 0 : i32
    %dma_wait3A_635 = tpu.memref_slice %arg7[%add3A_369, %dma_wait3A_622, %dma_wait3A_634] : memref<2049x2x1024xf32, #tpu.memory_space<hbm>> -> memref<16x1x1024xf32, #tpu.memory_space<hbm>>
    %dma_wait3A_636 = tpu.memref_squeeze %dma_wait3A_635 : memref<16x1x1024xf32, #tpu.memory_space<hbm>> -> memref<16x1024xf32, #tpu.memory_space<hbm>>
    %dma_wait3A_637 = arith.constant 0 : i32
    %dma_wait3A_638 = arith.constant 0 : i32
    %dma_wait3A_639 = tpu.memref_slice %arg10[%dma_wait3A_621, %dma_wait3A_637, %dma_wait3A_638] : memref<2x16x1024xf32, #tpu.memory_space<vmem>> -> memref<1x16x1024xf32, #tpu.memory_space<vmem>>
    %dma_wait3A_640 = tpu.memref_squeeze %dma_wait3A_639 : memref<1x16x1024xf32, #tpu.memory_space<vmem>> -> memref<16x1024xf32, #tpu.memory_space<vmem>>
    tpu.wait_dma2 semaphore(%dma_wait3A_633 : memref<!tpu.dma_semaphore, #tpu.memory_space<semaphore_mem>>) src(%dma_wait3A_640 : memref<16x1024xf32, #tpu.memory_space<vmem>>) dst(%dma_wait3A_636 : memref<16x1024xf32, #tpu.memory_space<hbm>>)
    %dma_wait3A_641 = arith.constant 0 : i32
    %dma_wait3A_642 = arith.constant 0 : i32
    %dma_wait3A_643 = arith.constant 0 : i32
    %dma_wait3A_644 = arith.constant 0 : i32
    %dma_wait3A_645 = arith.constant 0 : i32
    %dma_wait3A_646 = arith.constant 0 : i32
    %dma_wait3A_647 = tpu.memref_slice %arg8[%dma_wait3A_641, %dma_wait3A_645, %dma_wait3A_646] : memref<2x16x1024xf32, #tpu.memory_space<vmem>> -> memref<1x16x1024xf32, #tpu.memory_space<vmem>>
    %dma_wait3A_648 = tpu.memref_squeeze %dma_wait3A_647 : memref<1x16x1024xf32, #tpu.memory_space<vmem>> -> memref<16x1024xf32, #tpu.memory_space<vmem>>
    %dma_wait3A_649 = arith.constant 0 : i32
    %dma_wait3A_650 = tpu.memref_slice %arg7[%add3A_515, %dma_wait3A_642, %dma_wait3A_649] : memref<2049x2x1024xf32, #tpu.memory_space<hbm>> -> memref<16x1x1024xf32, #tpu.memory_space<hbm>>
    %dma_wait3A_651 = tpu.memref_squeeze %dma_wait3A_650 : memref<16x1x1024xf32, #tpu.memory_space<hbm>> -> memref<16x1024xf32, #tpu.memory_space<hbm>>
    %dma_wait3A_652 = tpu.memref_slice %arg17[%dma_wait3A_643, %dma_wait3A_644] : memref<3x2x!tpu.dma_semaphore, #tpu.memory_space<semaphore_mem>> -> memref<1x1x!tpu.dma_semaphore, #tpu.memory_space<semaphore_mem>>
    %dma_wait3A_653 = tpu.memref_squeeze %dma_wait3A_652 : memref<1x1x!tpu.dma_semaphore, #tpu.memory_space<semaphore_mem>> -> memref<!tpu.dma_semaphore, #tpu.memory_space<semaphore_mem>>
    %dma_wait3A_654 = arith.constant 0 : i32
    %dma_wait3A_655 = tpu.memref_slice %arg7[%add3A_515, %dma_wait3A_642, %dma_wait3A_654] : memref<2049x2x1024xf32, #tpu.memory_space<hbm>> -> memref<16x1x1024xf32, #tpu.memory_space<hbm>>
    %dma_wait3A_656 = tpu.memref_squeeze %dma_wait3A_655 : memref<16x1x1024xf32, #tpu.memory_space<hbm>> -> memref<16x1024xf32, #tpu.memory_space<hbm>>
    %dma_wait3A_657 = arith.constant 0 : i32
    %dma_wait3A_658 = arith.constant 0 : i32
    %dma_wait3A_659 = tpu.memref_slice %arg8[%dma_wait3A_641, %dma_wait3A_657, %dma_wait3A_658] : memref<2x16x1024xf32, #tpu.memory_space<vmem>> -> memref<1x16x1024xf32, #tpu.memory_space<vmem>>
    %dma_wait3A_660 = tpu.memref_squeeze %dma_wait3A_659 : memref<1x16x1024xf32, #tpu.memory_space<vmem>> -> memref<16x1024xf32, #tpu.memory_space<vmem>>
    tpu.wait_dma2 semaphore(%dma_wait3A_653 : memref<!tpu.dma_semaphore, #tpu.memory_space<semaphore_mem>>) src(%dma_wait3A_660 : memref<16x1024xf32, #tpu.memory_space<vmem>>) dst(%dma_wait3A_656 : memref<16x1024xf32, #tpu.memory_space<hbm>>)
    %dma_wait3A_661 = arith.constant 1 : i32
    %dma_wait3A_662 = arith.constant 1 : i32
    %dma_wait3A_663 = arith.constant 0 : i32
    %dma_wait3A_664 = arith.constant 1 : i32
    %dma_wait3A_665 = arith.constant 0 : i32
    %dma_wait3A_666 = arith.constant 0 : i32
    %dma_wait3A_667 = tpu.memref_slice %arg8[%dma_wait3A_661, %dma_wait3A_665, %dma_wait3A_666] : memref<2x16x1024xf32, #tpu.memory_space<vmem>> -> memref<1x16x1024xf32, #tpu.memory_space<vmem>>
    %dma_wait3A_668 = tpu.memref_squeeze %dma_wait3A_667 : memref<1x16x1024xf32, #tpu.memory_space<vmem>> -> memref<16x1024xf32, #tpu.memory_space<vmem>>
    %dma_wait3A_669 = arith.constant 0 : i32
    %dma_wait3A_670 = tpu.memref_slice %arg7[%add3A_537, %dma_wait3A_662, %dma_wait3A_669] : memref<2049x2x1024xf32, #tpu.memory_space<hbm>> -> memref<16x1x1024xf32, #tpu.memory_space<hbm>>
    %dma_wait3A_671 = tpu.memref_squeeze %dma_wait3A_670 : memref<16x1x1024xf32, #tpu.memory_space<hbm>> -> memref<16x1024xf32, #tpu.memory_space<hbm>>
    %dma_wait3A_672 = tpu.memref_slice %arg17[%dma_wait3A_663, %dma_wait3A_664] : memref<3x2x!tpu.dma_semaphore, #tpu.memory_space<semaphore_mem>> -> memref<1x1x!tpu.dma_semaphore, #tpu.memory_space<semaphore_mem>>
    %dma_wait3A_673 = tpu.memref_squeeze %dma_wait3A_672 : memref<1x1x!tpu.dma_semaphore, #tpu.memory_space<semaphore_mem>> -> memref<!tpu.dma_semaphore, #tpu.memory_space<semaphore_mem>>
    %dma_wait3A_674 = arith.constant 0 : i32
    %dma_wait3A_675 = tpu.memref_slice %arg7[%add3A_537, %dma_wait3A_662, %dma_wait3A_674] : memref<2049x2x1024xf32, #tpu.memory_space<hbm>> -> memref<16x1x1024xf32, #tpu.memory_space<hbm>>
    %dma_wait3A_676 = tpu.memref_squeeze %dma_wait3A_675 : memref<16x1x1024xf32, #tpu.memory_space<hbm>> -> memref<16x1024xf32, #tpu.memory_space<hbm>>
    %dma_wait3A_677 = arith.constant 0 : i32
    %dma_wait3A_678 = arith.constant 0 : i32
    %dma_wait3A_679 = tpu.memref_slice %arg8[%dma_wait3A_661, %dma_wait3A_677, %dma_wait3A_678] : memref<2x16x1024xf32, #tpu.memory_space<vmem>> -> memref<1x16x1024xf32, #tpu.memory_space<vmem>>
    %dma_wait3A_680 = tpu.memref_squeeze %dma_wait3A_679 : memref<1x16x1024xf32, #tpu.memory_space<vmem>> -> memref<16x1024xf32, #tpu.memory_space<vmem>>
    tpu.wait_dma2 semaphore(%dma_wait3A_673 : memref<!tpu.dma_semaphore, #tpu.memory_space<semaphore_mem>>) src(%dma_wait3A_680 : memref<16x1024xf32, #tpu.memory_space<vmem>>) dst(%dma_wait3A_676 : memref<16x1024xf32, #tpu.memory_space<hbm>>)
    return
  }
}

</mosaic_0001>

<sc_bundles>
// kernel: kernel.3.cloned.1.call-start
scs
__scs_entry_jumppad:
0x0: {  	(pc) =	sbr.rel $0x88, $3  }
0x1: {  	(tag) =	ssettag $0x0;
	lr =	simm.s32 $0x1  }
0x2: {  	[smem:$0x3F9C] =	sst lr;
	_ =	strace $0xD0000000  }
0x3: {  	_ = 	snop  }
0x4: {  	_ = 	snop  }
0x5: {  	_ = 	snop  }
0x6: {  	_ = 	snop  }
0x7: {  	_ = 	snop  }
__scs_overlays_trampoline_lowered:
0x8: {  	[smem:$0x3FAB] =	sst s0  }
0x9: {  	[smem:$0x3FAC] =	sst s1  }
0xa: {  	[smem:$0x3FAD] =	sst s2  }
0xb: {  	[smem:$0x3FAE] =	sst s3  }
0xc: {  	[smem:$0x3FAF] =	sst s4  }
0xd: {  	[smem:$0x3FB0] =	sst s5  }
0xe: {  	[smem:$0x3FB1] =	sst s6  }
0xf: {  	[smem:$0x3FB2] =	sst s7  }
0x10: {  	[smem:$0x3FB3] =	sst s8  }
0x11: {  	[smem:$0x3FB4] =	sst s9;
	s0 =	simm.s32 @!p0 $0x0  }
0x12: {  	s1 =	sld [smem:$0x3F9A];
	s0 =	simm.s32 @p0 $0x1  }
0x13: {  	[smem:$0x3FB5] =	sst s0;
	s0 =	simm.s32 @!p1 $0x0  }
0x14: {  	s2 =	sld [smem:$0x3F99];
	s0 =	simm.s32 @p1 $0x1  }
0x15: {  	[smem:$0x3FB6] =	sst s0;
	s0 =	simm.s32 @!p2 $0x0  }
0x16: {  	s3 =	sld [smem:$0x3FDB];
	s0 =	simm.s32 @p2 $0x1  }
0x17: {  	s4 =	simm.s32 $0x1BF5;
	[smem:$0x3FB8] =	sst s0  }
0x18: {  	s0 =	sld [smem:$0x3F9B];
	_ =	swait.ge [sflag:s4], $0x0  }
0x19: {  	s7 =	sld [smem:$0x3F9C]  }
0x1a: {  	s8 =	sadd.s32 $0xFFFFE003, lr  }
0x1b: {  	s9 =	sadd.s32 $0xFFFFFEF7, lr;
	s5 =	simm.s32 $0xFFFFFFFF;
	p2 =	slt.u32 s8, $0xFFFFF086  }
0x1c: {  	p1 =	slt.u32 s9, $0xF7A;
	s5 =	simm.s32 @!p2 $0x0  }
0x1d: {  	s5 =	simm.s32 @p1 $0x1;
	p0 =	seq.s32 s7, s2  }
0x1e: {  	s7 =	smul.u32 @!p0 $0xF7A, s2;
	p2 =	seq.s32 @!p0 s5, $0x0  }
0x1f: {  	s9 =	smul.u32 $0xF7A, s1;
	s8 =	simm.s32 @!p0 $0x1BF5;
	p2 =	por !p2, p0  }
0x20: {  	[sflag:s8] =	ssyncset.s32 @!p0 $0xFFFFF086;
	s6 =	sadd.s32 @!p0 s3, s7;
	s7 =	simm.s32 @!p0 $0x108  }
0x21: {  	s3 =	sadd.s32 s3, s9;
	s6 =	sadd.s32 @!p0 $0x88, s6;
	s7 =	simm.s32 @p2 $0x1082  }
0x22: {  	[simem:s7], [sflag:s8] =	dma.local @!p0 [hbm:s6], $0xF7A  }
0x23: {  	s9 =	sor.u32 $0xD0000000, s2;
	s6 =	simm.s32 $0x108;
	_ =	swait.ge @!p0 [sflag:s8], $0x0  }
0x24: {  	s3 =	sadd.s32 $0x88, s3;
	s6 =	simm.s32 @!p1 $0x1082;
	[sflag:s4] =	ssyncset.s32 $0xFFFFF086  }
0x25: {  	[simem:s6], [sflag:s4] =	dma.local [hbm:s3], $0xF7A  }
0x26: {  	[smem:$0x3F9C] =	sst s1;
	(tag) =	ssettag s2;
	_ =	strace s9  }
0x27: {  	s1 =	sld [smem:$0x3FAC]  }
0x28: {  	s2 =	sld [smem:$0x3FAD]  }
0x29: {  	s4 =	sld [smem:$0x3FAF]  }
0x2a: {  	p0 =	seq.s32 s5, $0x0;
	s5 =	sld [smem:$0x3FB0]  }
0x2b: {  	s6 =	sld [smem:$0x3FB1]  }
0x2c: {  	s7 =	sld [smem:$0x3FB2]  }
0x2d: {  	s3 =	simm.s32 $0x108;
	s8 =	sld [smem:$0x3FB3]  }
0x2e: {  	s3 =	simm.s32 @!p0 $0x1082;
	s9 =	sld [smem:$0x3FB4]  }
0x2f: {  	lr =	sadd.s32 s0, s3;
	s0 =	sld [smem:$0x3FAB]  }
0x30: {  	s3 =	sld [smem:$0x3FAE]  }
0x31: {  	[smem:$0x3FB7] =	sst s10  }
0x32: {  	s10 =	sld [smem:$0x3FB5];
	_ =	sdelay $0x3  }
0x33: {  	p0 =	seq.s32 s10, $0x1;
	s10 =	sld [smem:$0x3FB7];
	_ =	sdelay $0x3  }
0x34: {  	[smem:$0x3FB7] =	sst s10  }
0x35: {  	s10 =	sld [smem:$0x3FB6];
	_ =	sdelay $0x3  }
0x36: {  	p1 =	seq.s32 s10, $0x1;
	s10 =	sld [smem:$0x3FB7];
	_ =	sdelay $0x3  }
0x37: {  	[smem:$0x3FB7] =	sst s10  }
0x38: {  	s10 =	sld [smem:$0x3FB8]  }
0x39: {  	_ = 	snop;
	(pc) =	sbr.ind lr, $3  }
0x3a: {  	_ = 	snop  }
0x3b: {  	_ = 	snop  }
0x3c: {  	p2 =	seq.s32 s10, $0x1;
	s10 =	sld [smem:$0x3FB7]  }
0x3d: {  	_ =	shalt  }
0x3e: {  	_ =	shalt  }
0x3f: {  	_ =	shalt  }
0x40: {  	_ =	shalt  }
0x41: {  	_ =	shalt  }
0x42: {  	_ =	shalt  }
0x43: {  	_ =	shalt  }
0x44: {  	_ =	shalt  }
0x45: {  	_ =	shalt  }
0x46: {  	_ =	shalt  }
0x47: {  	_ =	shalt  }
0x48: {  	_ =	shalt  }
0x49: {  	_ =	shalt  }
0x4a: {  	_ =	shalt  }
0x4b: {  	_ =	shalt  }
0x4c: {  	_ =	shalt  }
0x4d: {  	_ =	shalt  }
0x4e: {  	_ =	shalt  }
0x4f: {  	_ =	shalt  }
0x50: {  	_ =	shalt  }
0x51: {  	_ =	shalt  }
0x52: {  	_ =	shalt  }
0x53: {  	_ =	shalt  }
0x54: {  	_ =	shalt  }
0x55: {  	_ =	shalt  }
0x56: {  	_ =	shalt  }
0x57: {  	_ =	shalt  }
0x58: {  	_ =	shalt  }
0x59: {  	_ =	shalt  }
0x5a: {  	_ =	shalt  }
0x5b: {  	_ =	shalt  }
0x5c: {  	_ =	shalt  }
0x5d: {  	_ =	shalt  }
0x5e: {  	_ =	shalt  }
0x5f: {  	_ =	shalt  }
0x60: {  	_ =	shalt  }
0x61: {  	_ =	shalt  }
0x62: {  	_ =	shalt  }
0x63: {  	_ =	shalt  }
0x64: {  	_ =	shalt  }
0x65: {  	_ =	shalt  }
0x66: {  	_ =	shalt  }
0x67: {  	_ =	shalt  }
0x68: {  	_ =	shalt  }
0x69: {  	_ =	shalt  }
0x6a: {  	_ =	shalt  }
0x6b: {  	_ =	shalt  }
0x6c: {  	_ =	shalt  }
0x6d: {  	_ =	shalt  }
0x6e: {  	_ =	shalt  }
0x6f: {  	_ =	shalt  }
0x70: {  	_ =	shalt  }
0x71: {  	_ =	shalt  }
0x72: {  	_ =	shalt  }
0x73: {  	_ =	shalt  }
0x74: {  	_ =	shalt  }
0x75: {  	_ =	shalt  }
0x76: {  	_ =	shalt  }
0x77: {  	_ =	shalt  }
0x78: {  	_ =	shalt  }
0x79: {  	_ =	shalt  }
0x7a: {  	_ =	shalt  }
0x7b: {  	_ =	shalt  }
0x7c: {  	_ =	shalt  }
0x7d: {  	_ =	shalt  }
0x7e: {  	_ =	shalt  }
0x7f: {  	_ =	shalt  }
0x80: {  	_ =	shalt  }
0x81: {  	_ =	shalt  }
0x82: {  	_ =	shalt  }
0x83: {  	_ =	shalt  }
0x84: {  	_ =	shalt  }
0x85: {  	_ =	shalt  }
0x86: {  	_ =	shalt  }
0x87: {  	_ =	shalt  }
.Lfunc_end0:
.L_simem_size_0:
called_computation_lowered:
.L_overlay_start_0:
0x88: {  	s2 =	sld [smem:$0x3FD9]  }
0x89: {  	s3 =	sld [smem:$0x3FFE];
	_ =	sdelay $0x1  }
0x8a: {  	s1 =	srdreg.scid  }
0x8b: {  	s0 =	sand.u32 $0x1, s1  }
0x8c: {  	s18 =	sshll.u32 s0, $0xA;
	s2 =	sadd.s32 s3, s2  }
0x8d: {  	s2 =	sadd.s32 s2, s18  }
0x8e: {  	[smem:$0x3FC3] =	sst s2  }
0x8f: {  	_ = 	snop  }
0x90: {  	s2 =	sld [smem:$0x3FC9]  }
0x91: {  	s19 =	sld [smem:$0x3FC8]  }
0x92: {  	s4 =	sld [smem:$0x3FC7]  }
0x93: {  	s5 =	sld [smem:$0x3FC6]  }
0x94: {  	s6 =	sld [smem:$0x3FC5]  }
0x95: {  	s7 =	sld [smem:$0x3FD0];
	(tm) =	ssettm $0x1  }
0x96: {  	s8 =	sld [smem:$0x3FFB];
	_ =	sdelay $0x3  }
0x97: {  	_ =	strace s8  }
0x98: {  	s8 =	sld [smem:$0x3FFC];
	_ =	sdelay $0x3  }
0x99: {  	_ =	strace s8  }
0x9a: {  	s8 =	sld [smem:$0x3FFD];
	_ =	sdelay $0x3  }
0x9b: {  	_ =	strace s8  }
0x9c: {  	_ =	strace $0x8FFFFFFF  }
0x9d: {  	s20 =	sld [smem:$0x3FDB];
	_ =	sdelay $0x1  }
0x9e: {  	s9 =	simm.s32 $_scs_section_size  }
0x9f: {  	s10 =	simm.s32 $_size__tile_overlayer_lowered;
	s11 =	simm.s32 $_tile_overlayer_lowered  }
0xa0: {  	s23 =	simm.s32 $0x1BFF;
	s22 =	sshll.u32 s11, $0x1;
	s8 =	sadd.s32 s9, s20  }
0xa1: {  	s12 =	simm.s32 $0x0;
	s21 =	sshll.u32 s10, $0x1;
	s10 =	sadd.s32 s22, s8  }
0xa2: {  	[timem:s12], [sflag:s23] =	dma.local [hbm:s10], s21  }
0xa3: {  	_ =	swait.ge [sflag:s23], s21  }
0xa4: {  	s9 =	ssub.s32 $0x0, s21;
	[sflag:s23] =	ssyncset.done $0x0  }
0xa5: {  	[sflag:s23] =	ssyncadd.s32 s9;
	_ =	sdelay $0x1  }
0xa6: {  	s24 =	simm.s32 $0x1B8B  }
0xa7: {  	_ =	swait.ge [sflag:s24], $0x1  }
0xa8: {  	[sflag:s24] =	ssyncset.done $0x0  }
0xa9: {  	s25 =	simm.s32 $0x1B8E;
	[sflag:s24] =	ssyncadd.s32 $0xFFFFFFFF  }
0xaa: {  	s26 =	simm.s32 $execute0_lowered;
	[smem:$0x3FD2] =	sst s25  }
0xab: {  	s9 =	sshll.u32 s26, $0x1;
	_ =	strace $0x80000046;
	[dreg:$0x1] =	wrdreg $0xFFFFFFFF  }
0xac: {  	s28 =	simm.s32 $_size_execute0_lowered;
	s8 =	sadd.s32 s8, s9;
	[dreg:$0x0] =	wrdreg $0x0  }
0xad: {  	s9 =	sshll.u32 s28, $0x1;
	[dreg:$0x2] =	wrdreg s8  }
0xae: {  	[dreg:$0x3] =	wrdreg s9  }
0xaf: {  	[dreg:$0x4] =	wrdreg $0xC0  }
0xb0: {  	_ =	task [dreg:s12], $0x5FFFF  }
0xb1: {  	[dreg:$0x1] =	wrdreg $0xFFFFFFFF  }
0xb2: {  	[dreg:$0x0] =	wrdreg $0x60  }
0xb3: {  	[dreg:$0x2] =	wrdreg s2  }
0xb4: {  	[dreg:$0x3] =	wrdreg s4  }
0xb5: {  	[dreg:$0x4] =	wrdreg s19  }
0xb6: {  	[dreg:$0x5] =	wrdreg s5  }
0xb7: {  	[dreg:$0x6] =	wrdreg s6  }
0xb8: {  	[dreg:$0x7] =	wrdreg s7  }
0xb9: {  	[dreg:$0x8] =	wrdreg $0x9  }
0xba: {  	_ =	task.clear_ibuf [dreg:s12], $0x9FFFF;
	_ =	strace $0x90000046  }
0xbb: {  	s29 =	simm.s32 $0x9;
	_ =	strace $0x80000048  }
0xbc: {  	_ =	swait.ge [sflag:s29], $0x1  }
0xbd: {  	[sflag:s29] =	ssyncadd.s32 $0xFFFFFFFF  }
0xbe: {  	_ =	strace $0x90000048  }
0xbf: {  	_ =	sfence  }
0xc0: {  	s30 =	sld [smem:$0x0];
	_ =	sdelay $0x2  }
0xc1: {  	s31 =	sshll.u32 s1, $0xD;
	s1 =	sshrl.u32 s1, $0x2  }
0xc2: {  	s3 =	sand.u32 $0x4000, s31;
	s1 =	sadd.s32 s1, s30  }
0xc3: {  	s0 =	sor.u32 s3, s0;
	s1 =	sshll.u32 s1, $0x11  }
0xc4: {  	s0 =	sor.u32 s1, s0  }
0xc5: {  	s0 =	sadd.s32 $0x8F2B, s0  }
0xc6: {  	[sflag:s0] =	ssyncadd.remote.s32 $0x1  }
0xc7: {  	_ =	sfence.sel $0xFFFF  }
0xc8: {  	[dreg:$0x0] =	wrdreg $0xFFFFFFFF;
	(pc) =	sbr.abs _section_cstart, $3  }
0xc9: {  	[dreg:$0x1] =	wrdreg $0xFFFFFFFF  }
0xca: {  	_ =	task.clear_ibuf [dreg:s12], $0x2FFFF;
	_ =	strace $0x9FFFFFFF  }
0xcb: {  	(tm) =	ssettm $0x7FFFFFFF  }
tec
execute0_lowered:
.L_overlay_start_1:
0x0: {  	(tag) =	ssettag $0x1  }
0x1: {  	s0 =	rddreg [dreg:$0x2]  }
0x2: {  	s1 =	rddreg [dreg:$0x5]  }
0x3: {  	s4 =	simm.s32 $0x0;
	s2 =	srdreg.scid;
	s3 =	stileid.u32  }
0x4: {  	s28 =	simm.s32 $0x800;
	s31 =	simm.s32 $0x2;
	s29 =	simm.s32 $0x1000  }
0x5: {  	s30 =	simm.s32 $0x1400;
	s10 =	simm.s32 $0x3800;
	[smem:$0x7FF] =	sst s4  }
0x6: {  	s2 =	sand.u32 $0x1, s2;
	s11 =	sshll.u32 s3, $0x1;
	s17 =	sadd.s32 $0x40000, s0  }
0x7: {  	p0 =	sne.s32 s3, $0x0;
	_ =	strace $0x80000047;
	s6 =	ssub.s32 $0x2, s2  }
0x8: {  	s4 =	sor.u32 s2, s11;
	s2 =	sshll.u32 s2, $0x4;
	s7 =	sshrl.u32 s6, $0x1  }
0x9: {  	s14 =	sshll.u32 s4, $0x6;
	s8 =	sshll.u32 s4, $0xD;
	s4 =	sshll.u32 s4, $0xE  }
0xa: {  	s2 =	sadd.s32 s2, s1;
	s16 =	ssub.s32 s6, s7;
	s5 =	sadd.s32 s0, s8  }
0xb: {  	s15 =	sor.u32 $0x10, s14;
	s18 =	sor.u32 $0x20, s14;
	s12 =	sadd.s32 s8, s17  }
0xc: {  	s26 =	sadd.s32 $0x80000, s2;
	s7 =	simm.s32 $0x8;
	[dreg:$0xa] =	wrdreg s5  }
0xd: {  	s8 =	simm.s32 $0x3000;
	s9 =	sshll.u32 s15, $0x7;
	[dreg:$0xb] =	wrdreg s12  }
0xe: {  	s11 =	sshll.u32 s18, $0x7;
	[dreg:$0x9] =	wrdreg s26;
	s13 =	sadd.s32 s0, s9  }
0xf: {  	s12 =	sadd.s32 s1, s4;
	s19 =	sadd.s32 s9, s17;
	[dreg:$0xc] =	wrdreg s13  }
0x10: {  	s22 =	sshll.u32 s15, $0x8;
	s20 =	sadd.s32 s0, s11;
	[dreg:$0xd] =	wrdreg s19  }
0x11: {  	s26 =	simm.s32 $0x80;
	s21 =	sadd.s32 s11, s17;
	[dreg:$0xe] =	wrdreg s20  }
0x12: {  	s9 =	simm.s32 $0x3400;
	s11 =	simm.s32 $0x3C00;
	[dreg:$0xf] =	wrdreg s21  }
0x13: {  	s21 =	sadd.s32 $0x10, s1;
	s19 =	sor.u32 $0x30, s14;
	s14 =	sadd.s32 s1, s22  }
0x14: {  	s20 =	sshll.u32 s18, $0x8;
	s13 =	sadd.s32 s4, s21;
	s15 =	sadd.s32 s22, s21  }
.Ltmp0:
0x15: {  	s23 =	sshll.u32 s19, $0x7;
	s18 =	sadd.s32 s1, s20;
	(pc) =	sbr.rel .LBB2_1-.Ltmp0, $4  }
0x16: {  	s25 =	sshll.u32 s19, $0x8;
	s19 =	sadd.s32 s20, s21;
	s22 =	simm.s32 $0x4400  }
0x17: {  	s0 =	sadd.s32 s0, s23;
	s24 =	sadd.s32 s23, s17;
	s20 =	sadd.s32 s1, s25  }
0x18: {  	s21 =	sadd.s32 s25, s21;
	s23 =	smax.u32 s16, $0x1;
	[dreg:$0x7] =	wrdreg s0  }
0x19: {  	vm0 =	vmmov @!p0 $0xff;
	s25 =	simm.s32 $0x1;
	[dreg:$0x8] =	wrdreg s24;
	s24 =	simm.s32 $0x4000  }
.LBB2_3:
0x1a: {  	s1 =	simm.s32 $0x9  }
0x1b: {  	_ =	swait.ge [sflag:s1], $0x4000  }
0x1c: {  	[sflag:s1] =	ssyncset.done $0x0  }
0x1d: {  	s5 =	simm.s32 $0xA;
	[sflag:s1] =	ssyncadd.s32 $0xFFFFC000  }
0x1e: {  	_ =	swait.ge [sflag:s5], $0x4000  }
0x1f: {  	[sflag:s5] =	ssyncset.done $0x0  }
0x20: {  	s6 =	simm.s32 $0xB;
	[sflag:s5] =	ssyncadd.s32 $0xFFFFC000  }
0x21: {  	_ =	swait.ge [sflag:s6], $0x4000  }
0x22: {  	[sflag:s6] =	ssyncset.done $0x0  }
0x23: {  	s16 =	simm.s32 $0xC;
	[sflag:s6] =	ssyncadd.s32 $0xFFFFC000  }
0x24: {  	_ =	swait.ge [sflag:s16], $0x4000  }
0x25: {  	[sflag:s16] =	ssyncset.done $0x0  }
0x26: {  	s23 =	sadd.s32 $0xFFFFFFFF, s23;
	[sflag:s16] =	ssyncadd.s32 $0xFFFFC000  }
0x27: {  	p1 =	sne.s32 s23, $0x0;
	_ =	swait.ge [sflag:s0], $0x4000  }
.Ltmp1:
0x28: {  	[sflag:s0] =	ssyncset.done $0x0;
	(pc) =	sbr.rel @!p1 .LBB2_4-.Ltmp1, $4  }
0x29: {  	s17 =	simm.s32 $0x8;
	[sflag:s0] =	ssyncadd.s32 $0xFFFFC000  }
0x2a: {  	_ =	swait.ge [sflag:s17], $0x4000  }
0x2b: {  	[sflag:s17] =	ssyncset.done $0x0  }
0x2c: {  	[sflag:s17] =	ssyncadd.s32 $0xFFFFC000  }
.LBB2_1:
0x2d: {  	s1 =	simm.s32 @p0 $0x0;
	s0 =	rddreg [dreg:$0xa]  }
0x2e: {  	[tilespmem:s1], [sflag:$0x1] =	stream.linear.gather @p0 [hbm4b:s0+s1], $0x4000, $0x38;
	[tilespmem:$0x18D00] =	vst v63  }
0x2f: {  	s16 =	simm.s32 @p0 $0x4000;
	s2 =	rddreg [dreg:$0xb]  }
0x30: {  	[tilespmem:s16], [sflag:$0x2] =	stream.linear.gather @p0 [hbm4b:s2+s1], $0x4000, $0x38;
	[tilespmem:$0x18D00] =	vst v63  }
0x31: {  	s3 =	rddreg [dreg:$0xc];
	s16 =	simm.s32 @p0 $0x8000  }
0x32: {  	[tilespmem:s16], [sflag:$0x3] =	stream.linear.gather @p0 [hbm4b:s3+s1], $0x4000, $0x38;
	[tilespmem:$0x18D00] =	vst v63  }
0x33: {  	s4 =	rddreg [dreg:$0xd];
	s16 =	simm.s32 @p0 $0xC000  }
0x34: {  	[tilespmem:s16], [sflag:$0x4] =	stream.linear.gather @p0 [hbm4b:s4+s1], $0x4000, $0x38;
	[tilespmem:$0x18D00] =	vst v63  }
0x35: {  	s5 =	rddreg [dreg:$0xe];
	s16 =	simm.s32 @p0 $0x10000  }
0x36: {  	[tilespmem:s16], [sflag:$0x5] =	stream.linear.gather @p0 [hbm4b:s5+s1], $0x4000, $0x38;
	[tilespmem:$0x18D00] =	vst v63  }
0x37: {  	s6 =	rddreg [dreg:$0xf];
	s16 =	simm.s32 @p0 $0x14000  }
0x38: {  	[tilespmem:s16], [sflag:$0x6] =	stream.linear.gather @p0 [hbm4b:s6+s1], $0x4000, $0x38;
	[tilespmem:$0x18D00] =	vst v63  }
0x39: {  	s17 =	rddreg [dreg:$0x0];
	s1 =	simm.s32 @!p0 $0x0;
	s16 =	simm.s32 @!p0 $0x18000  }
0x3a: {  	[tilespmem:s16], [sflag:$0xD] =	stream.linear.gather @!p0 [hbm4b:s17+s1], $0x80, $0x38;
	[tilespmem:$0x18D00] =	vst v63  }
0x3b: {  	s16 =	simm.s32 @!p0 $0x18080;
	s17 =	rddreg [dreg:$0x1]  }
0x3c: {  	[tilespmem:s16], [sflag:$0xE] =	stream.linear.gather @!p0 [hbm4b:s17+s1], $0x80, $0x38;
	[tilespmem:$0x18D00] =	vst v63  }
0x3d: {  	_ = 	snop  }
0x3e: {  	[tilespmem:s1], [sflag:$0x1] =	stream.linear.gather @!p0 [hbm4b:s0+s1], $0x4000, $0x38;
	[tilespmem:$0x18D00] =	vst v63  }
0x3f: {  	s16 =	simm.s32 @!p0 $0x4000  }
0x40: {  	[tilespmem:s16], [sflag:$0x2] =	stream.linear.gather @!p0 [hbm4b:s2+s1], $0x4000, $0x38;
	[tilespmem:$0x18D00] =	vst v63  }
0x41: {  	s16 =	simm.s32 @!p0 $0x8000  }
0x42: {  	[tilespmem:s16], [sflag:$0x3] =	stream.linear.gather @!p0 [hbm4b:s3+s1], $0x4000, $0x38;
	[tilespmem:$0x18D00] =	vst v63  }
0x43: {  	s16 =	simm.s32 @!p0 $0xC000  }
0x44: {  	[tilespmem:s16], [sflag:$0x4] =	stream.linear.gather @!p0 [hbm4b:s4+s1], $0x4000, $0x38;
	[tilespmem:$0x18D00] =	vst v63  }
0x45: {  	s16 =	simm.s32 @!p0 $0x10000  }
0x46: {  	[tilespmem:s16], [sflag:$0x5] =	stream.linear.gather @!p0 [hbm4b:s5+s1], $0x4000, $0x38;
	[tilespmem:$0x18D00] =	vst v63  }
0x47: {  	s16 =	simm.s32 @!p0 $0x14000  }
0x48: {  	[tilespmem:s16], [sflag:$0x6] =	stream.linear.gather @!p0 [hbm4b:s6+s1], $0x4000, $0x38;
	[tilespmem:$0x18D00] =	vst v63  }
0x49: {  	s16 =	simm.s32 @!p0 $0xD  }
0x4a: {  	_ =	swait.ge @!p0 [sflag:s16], $0x80  }
0x4b: {  	[sflag:s16] =	ssyncset.done @!p0 $0x0  }
0x4c: {  	[sflag:s16] =	ssyncadd.s32 @!p0 $0xFFFFFF80;
	s16 =	simm.s32 @!p0 $0xE  }
0x4d: {  	_ =	swait.ge @!p0 [sflag:s16], $0x80  }
0x4e: {  	[sflag:s16] =	ssyncset.done @!p0 $0x0  }
0x4f: {  	[sflag:s16] =	ssyncadd.s32 @!p0 $0xFFFFFF80  }
0x50: {  	v0 =	vld.msk @!p0 [tilespmem:$0x18000], $0x1;
	_ =	sdelay $0x4  }
0x51: {  	v1 =	vshll.u32 @!p0 v0, $0x3  }
0x52: {  	v0 =	vand.u32 @!p0 $0x7, v0;
	v1 =	vand.u32 @!p0 $0xFFFFFFC0, v1  }
0x53: {  	v2 =	vlaneseq.u32 @!p0;
	v0 =	vor.u32 @!p0 v0, v1;
	v1 =	vimm.s32 @!p0 $0x0  }
0x54: {  	v2 =	vmul.u32 @!p0 $0x8, v2;
	v0 =	vperm.xlane @!p0 v0, v1;
	_ =	sdelay $0x1  }
0x55: {  	v0 =	vadd.s32 @!p0 v2, v0;
	_ =	sdelay $0x3  }
0x56: {  	s16 =	simm.s32 @!p0 $0x18100;
	s17 =	rddreg [dreg:$0x3]  }
0x57: {  	[tilespmem:s16], [sflag:$0xF] =	stream.indirect_vreg.gather @!p0 [hbm4b:s17+s1], $0x80, v0, vm0, $0xb8;
	[tilespmem:$0x18D00] =	vst v63  }
0x58: {  	v0 =	vld.msk @!p0 [tilespmem:$0x18080], $0x1;
	_ =	sdelay $0x4  }
0x59: {  	v3 =	vshll.u32 @!p0 v0, $0x3  }
0x5a: {  	v0 =	vand.u32 @!p0 $0x7, v0;
	v3 =	vand.u32 @!p0 $0xFFFFFFC0, v3  }
0x5b: {  	v0 =	vor.u32 @!p0 v0, v3  }
0x5c: {  	v0 =	vperm.xlane @!p0 v0, v1;
	_ =	sdelay $0x1  }
0x5d: {  	v0 =	vadd.s32 @!p0 v2, v0;
	_ =	sdelay $0x3  }
0x5e: {  	s16 =	simm.s32 @!p0 $0x18500;
	s17 =	rddreg [dreg:$0x4]  }
0x5f: {  	[tilespmem:s16], [sflag:$0x10] =	stream.indirect_vreg.gather @!p0 [hbm4b:s17+s1], $0x80, v0, vm0, $0xb8;
	[tilespmem:$0x18D00] =	vst v63  }
0x60: {  	_ =	swait.ge [sflag:s25], $0x4000  }
0x61: {  	[sflag:s25] =	ssyncset.done $0x0  }
0x62: {  	[sflag:s25] =	ssyncadd.s32 $0xFFFFC000  }
0x63: {  	_ =	swait.ge [sflag:s31], $0x4000  }
0x64: {  	[sflag:s31] =	ssyncset.done $0x0  }
0x65: {  	s6 =	simm.s32 $0x0;
	[sflag:s31] =	ssyncadd.s32 $0xFFFFC000  }
0x66: {  	[hbm4b:s12+s26] =	stream.strided.scatter [tilespmem:s6], [sflag:$0x7], $0x400, s28, s26, $0x38;
	[tilespmem:$0x18D00] =	vst v63  }
0x67: {  	s0 =	sadd.s32 $0x20, s12;
	s16 =	simm.s32 $0x400  }
0x68: {  	[hbm4b:s0+s26] =	stream.strided.scatter [tilespmem:s16], [sflag:$0x7], $0x400, s28, s26, $0x38;
	[tilespmem:$0x18D00] =	vst v63  }
0x69: {  	s2 =	sadd.s32 $0x40, s12  }
0x6a: {  	[hbm4b:s2+s26] =	stream.strided.scatter [tilespmem:s28], [sflag:$0x7], $0x400, s28, s26, $0x38;
	[tilespmem:$0x18D00] =	vst v63  }
0x6b: {  	s3 =	sadd.s32 $0x60, s12;
	s17 =	simm.s32 $0xC00  }
0x6c: {  	[hbm4b:s3+s26] =	stream.strided.scatter [tilespmem:s17], [sflag:$0x7], $0x400, s28, s26, $0x38;
	[tilespmem:$0x18D00] =	vst v63  }
0x6d: {  	s4 =	sadd.s32 $0x80, s12  }
0x6e: {  	[hbm4b:s4+s26] =	stream.strided.scatter [tilespmem:s29], [sflag:$0x7], $0x400, s28, s26, $0x38;
	[tilespmem:$0x18D00] =	vst v63  }
0x6f: {  	s5 =	sadd.s32 $0xA0, s12  }
0x70: {  	[hbm4b:s5+s26] =	stream.strided.scatter [tilespmem:s30], [sflag:$0x7], $0x400, s28, s26, $0x38;
	[tilespmem:$0x18D00] =	vst v63  }
0x71: {  	s0 =	sadd.s32 $0xC0, s12;
	s2 =	simm.s32 $0x1800  }
0x72: {  	[hbm4b:s0+s26] =	stream.strided.scatter [tilespmem:s2], [sflag:$0x7], $0x400, s28, s26, $0x38;
	[tilespmem:$0x18D00] =	vst v63  }
0x73: {  	s3 =	sadd.s32 $0xE0, s12;
	s2 =	simm.s32 $0x1C00  }
0x74: {  	[hbm4b:s3+s26] =	stream.strided.scatter [tilespmem:s2], [sflag:$0x7], $0x400, s28, s26, $0x38;
	[tilespmem:$0x18D00] =	vst v63  }
0x75: {  	s4 =	sadd.s32 $0x800, s12;
	s3 =	simm.s32 $0x2000  }
0x76: {  	[hbm4b:s4+s26] =	stream.strided.scatter [tilespmem:s3], [sflag:$0x7], $0x400, s28, s26, $0x38;
	[tilespmem:$0x18D00] =	vst v63  }
0x77: {  	s5 =	sadd.s32 $0x820, s12;
	s4 =	simm.s32 $0x2400  }
0x78: {  	[hbm4b:s5+s26] =	stream.strided.scatter [tilespmem:s4], [sflag:$0x7], $0x400, s28, s26, $0x38;
	[tilespmem:$0x18D00] =	vst v63  }
0x79: {  	s0 =	sadd.s32 $0x840, s12;
	s5 =	simm.s32 $0x2800  }
0x7a: {  	[hbm4b:s0+s26] =	stream.strided.scatter [tilespmem:s5], [sflag:$0x7], $0x400, s28, s26, $0x38;
	[tilespmem:$0x18D00] =	vst v63  }
0x7b: {  	s1 =	sadd.s32 $0x860, s12;
	s0 =	simm.s32 $0x2C00  }
0x7c: {  	[hbm4b:s1+s26] =	stream.strided.scatter [tilespmem:s0], [sflag:$0x7], $0x400, s28, s26, $0x38;
	[tilespmem:$0x18D00] =	vst v63  }
0x7d: {  	s0 =	sadd.s32 $0x880, s12  }
0x7e: {  	[hbm4b:s0+s26] =	stream.strided.scatter [tilespmem:s8], [sflag:$0x7], $0x400, s28, s26, $0x38;
	[tilespmem:$0x18D00] =	vst v63  }
0x7f: {  	s0 =	sadd.s32 $0x8A0, s12  }
0x80: {  	[hbm4b:s0+s26] =	stream.strided.scatter [tilespmem:s9], [sflag:$0x7], $0x400, s28, s26, $0x38;
	[tilespmem:$0x18D00] =	vst v63  }
0x81: {  	s0 =	sadd.s32 $0x8C0, s12  }
0x82: {  	[hbm4b:s0+s26] =	stream.strided.scatter [tilespmem:s10], [sflag:$0x7], $0x400, s28, s26, $0x38;
	[tilespmem:$0x18D00] =	vst v63  }
0x83: {  	s0 =	sadd.s32 $0x8E0, s12  }
0x84: {  	[hbm4b:s0+s26] =	stream.strided.scatter [tilespmem:s11], [sflag:$0x7], $0x400, s28, s26, $0x38;
	[tilespmem:$0x18D00] =	vst v63  }
0x85: {  	_ = 	snop  }
0x86: {  	[hbm4b:s13+s26] =	stream.strided.scatter [tilespmem:s24], [sflag:$0x8], $0x400, s28, s26, $0x38;
	[tilespmem:$0x18D00] =	vst v63  }
0x87: {  	s0 =	sadd.s32 $0x20, s13  }
0x88: {  	[hbm4b:s0+s26] =	stream.strided.scatter [tilespmem:s22], [sflag:$0x8], $0x400, s28, s26, $0x38;
	[tilespmem:$0x18D00] =	vst v63  }
0x89: {  	s1 =	sadd.s32 $0x40, s13;
	s0 =	simm.s32 $0x4800  }
0x8a: {  	[hbm4b:s1+s26] =	stream.strided.scatter [tilespmem:s0], [sflag:$0x8], $0x400, s28, s26, $0x38;
	[tilespmem:$0x18D00] =	vst v63  }
0x8b: {  	s1 =	sadd.s32 $0x60, s13;
	s0 =	simm.s32 $0x4C00  }
0x8c: {  	[hbm4b:s1+s26] =	stream.strided.scatter [tilespmem:s0], [sflag:$0x8], $0x400, s28, s26, $0x38;
	[tilespmem:$0x18D00] =	vst v63  }
0x8d: {  	s1 =	sadd.s32 $0x80, s13;
	s0 =	simm.s32 $0x5000  }
0x8e: {  	[hbm4b:s1+s26] =	stream.strided.scatter [tilespmem:s0], [sflag:$0x8], $0x400, s28, s26, $0x38;
	[tilespmem:$0x18D00] =	vst v63  }
0x8f: {  	s1 =	sadd.s32 $0xA0, s13;
	s0 =	simm.s32 $0x5400  }
0x90: {  	[hbm4b:s1+s26] =	stream.strided.scatter [tilespmem:s0], [sflag:$0x8], $0x400, s28, s26, $0x38;
	[tilespmem:$0x18D00] =	vst v63  }
0x91: {  	s1 =	sadd.s32 $0xC0, s13;
	s0 =	simm.s32 $0x5800  }
0x92: {  	[hbm4b:s1+s26] =	stream.strided.scatter [tilespmem:s0], [sflag:$0x8], $0x400, s28, s26, $0x38;
	[tilespmem:$0x18D00] =	vst v63  }
0x93: {  	s1 =	sadd.s32 $0xE0, s13;
	s0 =	simm.s32 $0x5C00  }
0x94: {  	[hbm4b:s1+s26] =	stream.strided.scatter [tilespmem:s0], [sflag:$0x8], $0x400, s28, s26, $0x38;
	[tilespmem:$0x18D00] =	vst v63  }
0x95: {  	s1 =	sadd.s32 $0x800, s13;
	s0 =	simm.s32 $0x6000  }
0x96: {  	[hbm4b:s1+s26] =	stream.strided.scatter [tilespmem:s0], [sflag:$0x8], $0x400, s28, s26, $0x38;
	[tilespmem:$0x18D00] =	vst v63  }
0x97: {  	s1 =	sadd.s32 $0x820, s13;
	s0 =	simm.s32 $0x6400  }
0x98: {  	[hbm4b:s1+s26] =	stream.strided.scatter [tilespmem:s0], [sflag:$0x8], $0x400, s28, s26, $0x38;
	[tilespmem:$0x18D00] =	vst v63  }
0x99: {  	s1 =	sadd.s32 $0x840, s13;
	s0 =	simm.s32 $0x6800  }
0x9a: {  	[hbm4b:s1+s26] =	stream.strided.scatter [tilespmem:s0], [sflag:$0x8], $0x400, s28, s26, $0x38;
	[tilespmem:$0x18D00] =	vst v63  }
0x9b: {  	s1 =	sadd.s32 $0x860, s13;
	s0 =	simm.s32 $0x6C00  }
0x9c: {  	[hbm4b:s1+s26] =	stream.strided.scatter [tilespmem:s0], [sflag:$0x8], $0x400, s28, s26, $0x38;
	[tilespmem:$0x18D00] =	vst v63  }
0x9d: {  	s1 =	sadd.s32 $0x880, s13;
	s0 =	simm.s32 $0x7000  }
0x9e: {  	[hbm4b:s1+s26] =	stream.strided.scatter [tilespmem:s0], [sflag:$0x8], $0x400, s28, s26, $0x38;
	[tilespmem:$0x18D00] =	vst v63  }
0x9f: {  	s1 =	sadd.s32 $0x8A0, s13;
	s0 =	simm.s32 $0x7400  }
0xa0: {  	[hbm4b:s1+s26] =	stream.strided.scatter [tilespmem:s0], [sflag:$0x8], $0x400, s28, s26, $0x38;
	[tilespmem:$0x18D00] =	vst v63  }
0xa1: {  	s1 =	sadd.s32 $0x8C0, s13;
	s0 =	simm.s32 $0x7800  }
0xa2: {  	[hbm4b:s1+s26] =	stream.strided.scatter [tilespmem:s0], [sflag:$0x8], $0x400, s28, s26, $0x38;
	[tilespmem:$0x18D00] =	vst v63  }
0xa3: {  	s1 =	sadd.s32 $0x8E0, s13;
	s0 =	simm.s32 $0x7C00  }
0xa4: {  	[hbm4b:s1+s26] =	stream.strided.scatter [tilespmem:s0], [sflag:$0x8], $0x400, s28, s26, $0x38;
	[tilespmem:$0x18D00] =	vst v63  }
0xa5: {  	s0 =	simm.s32 $0x3  }
0xa6: {  	_ =	swait.ge [sflag:s0], $0x4000  }
0xa7: {  	[sflag:s0] =	ssyncset.done $0x0  }
0xa8: {  	[sflag:s0] =	ssyncadd.s32 $0xFFFFC000;
	s0 =	simm.s32 $0x4  }
0xa9: {  	_ =	swait.ge [sflag:s0], $0x4000  }
0xaa: {  	[sflag:s0] =	ssyncset.done $0x0  }
0xab: {  	[sflag:s0] =	ssyncadd.s32 $0xFFFFC000;
	s0 =	simm.s32 $0x8000  }
0xac: {  	[hbm4b:s14+s26] =	stream.strided.scatter [tilespmem:s0], [sflag:$0x9], $0x400, s28, s26, $0x38;
	[tilespmem:$0x18D00] =	vst v63  }
0xad: {  	s1 =	sadd.s32 $0x20, s14;
	s0 =	simm.s32 $0x8400  }
0xae: {  	[hbm4b:s1+s26] =	stream.strided.scatter [tilespmem:s0], [sflag:$0x9], $0x400, s28, s26, $0x38;
	[tilespmem:$0x18D00] =	vst v63  }
0xaf: {  	s1 =	sadd.s32 $0x40, s14;
	s0 =	simm.s32 $0x8800  }
0xb0: {  	[hbm4b:s1+s26] =	stream.strided.scatter [tilespmem:s0], [sflag:$0x9], $0x400, s28, s26, $0x38;
	[tilespmem:$0x18D00] =	vst v63  }
0xb1: {  	s1 =	sadd.s32 $0x60, s14;
	s0 =	simm.s32 $0x8C00  }
0xb2: {  	[hbm4b:s1+s26] =	stream.strided.scatter [tilespmem:s0], [sflag:$0x9], $0x400, s28, s26, $0x38;
	[tilespmem:$0x18D00] =	vst v63  }
0xb3: {  	s1 =	sadd.s32 $0x80, s14;
	s0 =	simm.s32 $0x9000  }
0xb4: {  	[hbm4b:s1+s26] =	stream.strided.scatter [tilespmem:s0], [sflag:$0x9], $0x400, s28, s26, $0x38;
	[tilespmem:$0x18D00] =	vst v63  }
0xb5: {  	s1 =	sadd.s32 $0xA0, s14;
	s0 =	simm.s32 $0x9400  }
0xb6: {  	[hbm4b:s1+s26] =	stream.strided.scatter [tilespmem:s0], [sflag:$0x9], $0x400, s28, s26, $0x38;
	[tilespmem:$0x18D00] =	vst v63  }
0xb7: {  	s1 =	sadd.s32 $0xC0, s14;
	s0 =	simm.s32 $0x9800  }
0xb8: {  	[hbm4b:s1+s26] =	stream.strided.scatter [tilespmem:s0], [sflag:$0x9], $0x400, s28, s26, $0x38;
	[tilespmem:$0x18D00] =	vst v63  }
0xb9: {  	s1 =	sadd.s32 $0xE0, s14;
	s0 =	simm.s32 $0x9C00  }
0xba: {  	[hbm4b:s1+s26] =	stream.strided.scatter [tilespmem:s0], [sflag:$0x9], $0x400, s28, s26, $0x38;
	[tilespmem:$0x18D00] =	vst v63  }
0xbb: {  	s1 =	sadd.s32 $0x800, s14;
	s0 =	simm.s32 $0xA000  }
0xbc: {  	[hbm4b:s1+s26] =	stream.strided.scatter [tilespmem:s0], [sflag:$0x9], $0x400, s28, s26, $0x38;
	[tilespmem:$0x18D00] =	vst v63  }
0xbd: {  	s1 =	sadd.s32 $0x820, s14;
	s0 =	simm.s32 $0xA400  }
0xbe: {  	[hbm4b:s1+s26] =	stream.strided.scatter [tilespmem:s0], [sflag:$0x9], $0x400, s28, s26, $0x38;
	[tilespmem:$0x18D00] =	vst v63  }
0xbf: {  	s1 =	sadd.s32 $0x840, s14;
	s0 =	simm.s32 $0xA800  }
0xc0: {  	[hbm4b:s1+s26] =	stream.strided.scatter [tilespmem:s0], [sflag:$0x9], $0x400, s28, s26, $0x38;
	[tilespmem:$0x18D00] =	vst v63  }
0xc1: {  	s1 =	sadd.s32 $0x860, s14;
	s0 =	simm.s32 $0xAC00  }
0xc2: {  	[hbm4b:s1+s26] =	stream.strided.scatter [tilespmem:s0], [sflag:$0x9], $0x400, s28, s26, $0x38;
	[tilespmem:$0x18D00] =	vst v63  }
0xc3: {  	s1 =	sadd.s32 $0x880, s14;
	s0 =	simm.s32 $0xB000  }
0xc4: {  	[hbm4b:s1+s26] =	stream.strided.scatter [tilespmem:s0], [sflag:$0x9], $0x400, s28, s26, $0x38;
	[tilespmem:$0x18D00] =	vst v63  }
0xc5: {  	s1 =	sadd.s32 $0x8A0, s14;
	s0 =	simm.s32 $0xB400  }
0xc6: {  	[hbm4b:s1+s26] =	stream.strided.scatter [tilespmem:s0], [sflag:$0x9], $0x400, s28, s26, $0x38;
	[tilespmem:$0x18D00] =	vst v63  }
0xc7: {  	s1 =	sadd.s32 $0x8C0, s14;
	s0 =	simm.s32 $0xB800  }
0xc8: {  	[hbm4b:s1+s26] =	stream.strided.scatter [tilespmem:s0], [sflag:$0x9], $0x400, s28, s26, $0x38;
	[tilespmem:$0x18D00] =	vst v63  }
0xc9: {  	s1 =	sadd.s32 $0x8E0, s14;
	s0 =	simm.s32 $0xBC00  }
0xca: {  	[hbm4b:s1+s26] =	stream.strided.scatter [tilespmem:s0], [sflag:$0x9], $0x400, s28, s26, $0x38;
	[tilespmem:$0x18D00] =	vst v63  }
0xcb: {  	s1 =	simm.s32 $0xC000  }
0xcc: {  	[hbm4b:s15+s26] =	stream.strided.scatter [tilespmem:s1], [sflag:$0xA], $0x400, s28, s26, $0x38;
	[tilespmem:$0x18D00] =	vst v63  }
0xcd: {  	s0 =	simm.s32 $0xC400;
	s1 =	sadd.s32 $0x20, s15  }
0xce: {  	[hbm4b:s1+s26] =	stream.strided.scatter [tilespmem:s0], [sflag:$0xA], $0x400, s28, s26, $0x38;
	[tilespmem:$0x18D00] =	vst v63  }
0xcf: {  	s1 =	sadd.s32 $0x40, s15;
	s0 =	simm.s32 $0xC800  }
0xd0: {  	[hbm4b:s1+s26] =	stream.strided.scatter [tilespmem:s0], [sflag:$0xA], $0x400, s28, s26, $0x38;
	[tilespmem:$0x18D00] =	vst v63  }
0xd1: {  	s1 =	sadd.s32 $0x60, s15;
	s0 =	simm.s32 $0xCC00  }
0xd2: {  	[hbm4b:s1+s26] =	stream.strided.scatter [tilespmem:s0], [sflag:$0xA], $0x400, s28, s26, $0x38;
	[tilespmem:$0x18D00] =	vst v63  }
0xd3: {  	s1 =	sadd.s32 $0x80, s15;
	s0 =	simm.s32 $0xD000  }
0xd4: {  	[hbm4b:s1+s26] =	stream.strided.scatter [tilespmem:s0], [sflag:$0xA], $0x400, s28, s26, $0x38;
	[tilespmem:$0x18D00] =	vst v63  }
0xd5: {  	s1 =	sadd.s32 $0xA0, s15;
	s0 =	simm.s32 $0xD400  }
0xd6: {  	[hbm4b:s1+s26] =	stream.strided.scatter [tilespmem:s0], [sflag:$0xA], $0x400, s28, s26, $0x38;
	[tilespmem:$0x18D00] =	vst v63  }
0xd7: {  	s1 =	sadd.s32 $0xC0, s15;
	s0 =	simm.s32 $0xD800  }
0xd8: {  	[hbm4b:s1+s26] =	stream.strided.scatter [tilespmem:s0], [sflag:$0xA], $0x400, s28, s26, $0x38;
	[tilespmem:$0x18D00] =	vst v63  }
0xd9: {  	s1 =	sadd.s32 $0xE0, s15;
	s0 =	simm.s32 $0xDC00  }
0xda: {  	[hbm4b:s1+s26] =	stream.strided.scatter [tilespmem:s0], [sflag:$0xA], $0x400, s28, s26, $0x38;
	[tilespmem:$0x18D00] =	vst v63  }
0xdb: {  	s1 =	sadd.s32 $0x800, s15;
	s0 =	simm.s32 $0xE000  }
0xdc: {  	[hbm4b:s1+s26] =	stream.strided.scatter [tilespmem:s0], [sflag:$0xA], $0x400, s28, s26, $0x38;
	[tilespmem:$0x18D00] =	vst v63  }
0xdd: {  	s1 =	sadd.s32 $0x820, s15;
	s0 =	simm.s32 $0xE400  }
0xde: {  	[hbm4b:s1+s26] =	stream.strided.scatter [tilespmem:s0], [sflag:$0xA], $0x400, s28, s26, $0x38;
	[tilespmem:$0x18D00] =	vst v63  }
0xdf: {  	s1 =	sadd.s32 $0x840, s15;
	s0 =	simm.s32 $0xE800  }
0xe0: {  	[hbm4b:s1+s26] =	stream.strided.scatter [tilespmem:s0], [sflag:$0xA], $0x400, s28, s26, $0x38;
	[tilespmem:$0x18D00] =	vst v63  }
0xe1: {  	s1 =	sadd.s32 $0x860, s15;
	s0 =	simm.s32 $0xEC00  }
0xe2: {  	[hbm4b:s1+s26] =	stream.strided.scatter [tilespmem:s0], [sflag:$0xA], $0x400, s28, s26, $0x38;
	[tilespmem:$0x18D00] =	vst v63  }
0xe3: {  	s1 =	sadd.s32 $0x880, s15;
	s0 =	simm.s32 $0xF000  }
0xe4: {  	[hbm4b:s1+s26] =	stream.strided.scatter [tilespmem:s0], [sflag:$0xA], $0x400, s28, s26, $0x38;
	[tilespmem:$0x18D00] =	vst v63  }
0xe5: {  	s1 =	sadd.s32 $0x8A0, s15;
	s0 =	simm.s32 $0xF400  }
0xe6: {  	[hbm4b:s1+s26] =	stream.strided.scatter [tilespmem:s0], [sflag:$0xA], $0x400, s28, s26, $0x38;
	[tilespmem:$0x18D00] =	vst v63  }
0xe7: {  	s1 =	sadd.s32 $0x8C0, s15;
	s0 =	simm.s32 $0xF800  }
0xe8: {  	[hbm4b:s1+s26] =	stream.strided.scatter [tilespmem:s0], [sflag:$0xA], $0x400, s28, s26, $0x38;
	[tilespmem:$0x18D00] =	vst v63  }
0xe9: {  	s1 =	sadd.s32 $0x8E0, s15;
	s0 =	simm.s32 $0xFC00  }
0xea: {  	[hbm4b:s1+s26] =	stream.strided.scatter [tilespmem:s0], [sflag:$0xA], $0x400, s28, s26, $0x38;
	[tilespmem:$0x18D00] =	vst v63  }
0xeb: {  	s1 =	simm.s32 $0x5  }
0xec: {  	_ =	swait.ge [sflag:s1], $0x4000  }
0xed: {  	[sflag:s1] =	ssyncset.done $0x0  }
0xee: {  	[sflag:s1] =	ssyncadd.s32 $0xFFFFC000;
	s1 =	simm.s32 $0x6  }
0xef: {  	_ =	swait.ge [sflag:s1], $0x4000  }
0xf0: {  	[sflag:s1] =	ssyncset.done $0x0  }
0xf1: {  	[sflag:s1] =	ssyncadd.s32 $0xFFFFC000;
	s1 =	simm.s32 $0x10000  }
0xf2: {  	[hbm4b:s18+s26] =	stream.strided.scatter [tilespmem:s1], [sflag:$0xB], $0x400, s28, s26, $0x38;
	[tilespmem:$0x18D00] =	vst v63  }
0xf3: {  	s0 =	simm.s32 $0x10400;
	s1 =	sadd.s32 $0x20, s18  }
0xf4: {  	[hbm4b:s1+s26] =	stream.strided.scatter [tilespmem:s0], [sflag:$0xB], $0x400, s28, s26, $0x38;
	[tilespmem:$0x18D00] =	vst v63  }
0xf5: {  	s1 =	sadd.s32 $0x40, s18;
	s0 =	simm.s32 $0x10800  }
0xf6: {  	[hbm4b:s1+s26] =	stream.strided.scatter [tilespmem:s0], [sflag:$0xB], $0x400, s28, s26, $0x38;
	[tilespmem:$0x18D00] =	vst v63  }
0xf7: {  	s1 =	sadd.s32 $0x60, s18;
	s0 =	simm.s32 $0x10C00  }
0xf8: {  	[hbm4b:s1+s26] =	stream.strided.scatter [tilespmem:s0], [sflag:$0xB], $0x400, s28, s26, $0x38;
	[tilespmem:$0x18D00] =	vst v63  }
0xf9: {  	s1 =	sadd.s32 $0x80, s18;
	s0 =	simm.s32 $0x11000  }
0xfa: {  	[hbm4b:s1+s26] =	stream.strided.scatter [tilespmem:s0], [sflag:$0xB], $0x400, s28, s26, $0x38;
	[tilespmem:$0x18D00] =	vst v63  }
0xfb: {  	s1 =	sadd.s32 $0xA0, s18;
	s0 =	simm.s32 $0x11400  }
0xfc: {  	[hbm4b:s1+s26] =	stream.strided.scatter [tilespmem:s0], [sflag:$0xB], $0x400, s28, s26, $0x38;
	[tilespmem:$0x18D00] =	vst v63  }
0xfd: {  	s1 =	sadd.s32 $0xC0, s18;
	s0 =	simm.s32 $0x11800  }
0xfe: {  	[hbm4b:s1+s26] =	stream.strided.scatter [tilespmem:s0], [sflag:$0xB], $0x400, s28, s26, $0x38;
	[tilespmem:$0x18D00] =	vst v63  }
0xff: {  	s1 =	sadd.s32 $0xE0, s18;
	s0 =	simm.s32 $0x11C00  }
0x100: {  	[hbm4b:s1+s26] =	stream.strided.scatter [tilespmem:s0], [sflag:$0xB], $0x400, s28, s26, $0x38;
	[tilespmem:$0x18D00] =	vst v63  }
0x101: {  	s1 =	sadd.s32 $0x800, s18;
	s0 =	simm.s32 $0x12000  }
0x102: {  	[hbm4b:s1+s26] =	stream.strided.scatter [tilespmem:s0], [sflag:$0xB], $0x400, s28, s26, $0x38;
	[tilespmem:$0x18D00] =	vst v63  }
0x103: {  	s1 =	sadd.s32 $0x820, s18;
	s0 =	simm.s32 $0x12400  }
0x104: {  	[hbm4b:s1+s26] =	stream.strided.scatter [tilespmem:s0], [sflag:$0xB], $0x400, s28, s26, $0x38;
	[tilespmem:$0x18D00] =	vst v63  }
0x105: {  	s1 =	sadd.s32 $0x840, s18;
	s0 =	simm.s32 $0x12800  }
0x106: {  	[hbm4b:s1+s26] =	stream.strided.scatter [tilespmem:s0], [sflag:$0xB], $0x400, s28, s26, $0x38;
	[tilespmem:$0x18D00] =	vst v63  }
0x107: {  	s1 =	sadd.s32 $0x860, s18;
	s0 =	simm.s32 $0x12C00  }
0x108: {  	[hbm4b:s1+s26] =	stream.strided.scatter [tilespmem:s0], [sflag:$0xB], $0x400, s28, s26, $0x38;
	[tilespmem:$0x18D00] =	vst v63  }
0x109: {  	s1 =	sadd.s32 $0x880, s18;
	s0 =	simm.s32 $0x13000  }
0x10a: {  	[hbm4b:s1+s26] =	stream.strided.scatter [tilespmem:s0], [sflag:$0xB], $0x400, s28, s26, $0x38;
	[tilespmem:$0x18D00] =	vst v63  }
0x10b: {  	s1 =	sadd.s32 $0x8A0, s18;
	s0 =	simm.s32 $0x13400  }
0x10c: {  	[hbm4b:s1+s26] =	stream.strided.scatter [tilespmem:s0], [sflag:$0xB], $0x400, s28, s26, $0x38;
	[tilespmem:$0x18D00] =	vst v63  }
0x10d: {  	s1 =	sadd.s32 $0x8C0, s18;
	s0 =	simm.s32 $0x13800  }
0x10e: {  	[hbm4b:s1+s26] =	stream.strided.scatter [tilespmem:s0], [sflag:$0xB], $0x400, s28, s26, $0x38;
	[tilespmem:$0x18D00] =	vst v63  }
0x10f: {  	s1 =	sadd.s32 $0x8E0, s18;
	s0 =	simm.s32 $0x13C00  }
0x110: {  	[hbm4b:s1+s26] =	stream.strided.scatter [tilespmem:s0], [sflag:$0xB], $0x400, s28, s26, $0x38;
	[tilespmem:$0x18D00] =	vst v63  }
0x111: {  	s1 =	simm.s32 $0x14000  }
0x112: {  	[hbm4b:s19+s26] =	stream.strided.scatter [tilespmem:s1], [sflag:$0xC], $0x400, s28, s26, $0x38;
	[tilespmem:$0x18D00] =	vst v63  }
0x113: {  	s0 =	simm.s32 $0x14400;
	s1 =	sadd.s32 $0x20, s19  }
0x114: {  	[hbm4b:s1+s26] =	stream.strided.scatter [tilespmem:s0], [sflag:$0xC], $0x400, s28, s26, $0x38;
	[tilespmem:$0x18D00] =	vst v63  }
0x115: {  	s1 =	sadd.s32 $0x40, s19;
	s0 =	simm.s32 $0x14800  }
0x116: {  	[hbm4b:s1+s26] =	stream.strided.scatter [tilespmem:s0], [sflag:$0xC], $0x400, s28, s26, $0x38;
	[tilespmem:$0x18D00] =	vst v63  }
0x117: {  	s1 =	sadd.s32 $0x60, s19;
	s0 =	simm.s32 $0x14C00  }
0x118: {  	[hbm4b:s1+s26] =	stream.strided.scatter [tilespmem:s0], [sflag:$0xC], $0x400, s28, s26, $0x38;
	[tilespmem:$0x18D00] =	vst v63  }
0x119: {  	s1 =	sadd.s32 $0x80, s19;
	s0 =	simm.s32 $0x15000  }
0x11a: {  	[hbm4b:s1+s26] =	stream.strided.scatter [tilespmem:s0], [sflag:$0xC], $0x400, s28, s26, $0x38;
	[tilespmem:$0x18D00] =	vst v63  }
0x11b: {  	s1 =	sadd.s32 $0xA0, s19;
	s0 =	simm.s32 $0x15400  }
0x11c: {  	[hbm4b:s1+s26] =	stream.strided.scatter [tilespmem:s0], [sflag:$0xC], $0x400, s28, s26, $0x38;
	[tilespmem:$0x18D00] =	vst v63  }
0x11d: {  	s1 =	sadd.s32 $0xC0, s19;
	s0 =	simm.s32 $0x15800  }
0x11e: {  	[hbm4b:s1+s26] =	stream.strided.scatter [tilespmem:s0], [sflag:$0xC], $0x400, s28, s26, $0x38;
	[tilespmem:$0x18D00] =	vst v63  }
0x11f: {  	s1 =	sadd.s32 $0xE0, s19;
	s0 =	simm.s32 $0x15C00  }
0x120: {  	[hbm4b:s1+s26] =	stream.strided.scatter [tilespmem:s0], [sflag:$0xC], $0x400, s28, s26, $0x38;
	[tilespmem:$0x18D00] =	vst v63  }
0x121: {  	s1 =	sadd.s32 $0x800, s19;
	s0 =	simm.s32 $0x16000  }
0x122: {  	[hbm4b:s1+s26] =	stream.strided.scatter [tilespmem:s0], [sflag:$0xC], $0x400, s28, s26, $0x38;
	[tilespmem:$0x18D00] =	vst v63  }
0x123: {  	s1 =	sadd.s32 $0x820, s19;
	s0 =	simm.s32 $0x16400  }
0x124: {  	[hbm4b:s1+s26] =	stream.strided.scatter [tilespmem:s0], [sflag:$0xC], $0x400, s28, s26, $0x38;
	[tilespmem:$0x18D00] =	vst v63  }
0x125: {  	s1 =	sadd.s32 $0x840, s19;
	s0 =	simm.s32 $0x16800  }
0x126: {  	[hbm4b:s1+s26] =	stream.strided.scatter [tilespmem:s0], [sflag:$0xC], $0x400, s28, s26, $0x38;
	[tilespmem:$0x18D00] =	vst v63  }
0x127: {  	s1 =	sadd.s32 $0x860, s19;
	s0 =	simm.s32 $0x16C00  }
0x128: {  	[hbm4b:s1+s26] =	stream.strided.scatter [tilespmem:s0], [sflag:$0xC], $0x400, s28, s26, $0x38;
	[tilespmem:$0x18D00] =	vst v63  }
0x129: {  	s1 =	sadd.s32 $0x880, s19;
	s0 =	simm.s32 $0x17000  }
0x12a: {  	[hbm4b:s1+s26] =	stream.strided.scatter [tilespmem:s0], [sflag:$0xC], $0x400, s28, s26, $0x38;
	[tilespmem:$0x18D00] =	vst v63  }
0x12b: {  	s1 =	sadd.s32 $0x8A0, s19;
	s0 =	simm.s32 $0x17400  }
0x12c: {  	[hbm4b:s1+s26] =	stream.strided.scatter [tilespmem:s0], [sflag:$0xC], $0x400, s28, s26, $0x38;
	[tilespmem:$0x18D00] =	vst v63  }
0x12d: {  	s1 =	sadd.s32 $0x8C0, s19;
	s0 =	simm.s32 $0x17800  }
0x12e: {  	[hbm4b:s1+s26] =	stream.strided.scatter [tilespmem:s0], [sflag:$0xC], $0x400, s28, s26, $0x38;
	[tilespmem:$0x18D00] =	vst v63  }
0x12f: {  	s1 =	sadd.s32 $0x8E0, s19;
	s0 =	simm.s32 $0x17C00  }
0x130: {  	[hbm4b:s1+s26] =	stream.strided.scatter [tilespmem:s0], [sflag:$0xC], $0x400, s28, s26, $0x38;
	[tilespmem:$0x18D00] =	vst v63  }
0x131: {  	s0 =	simm.s32 $0x7  }
0x132: {  	_ =	swait.ge [sflag:s0], $0x4000  }
0x133: {  	[sflag:s0] =	ssyncset.done $0x0  }
0x134: {  	[sflag:s0] =	ssyncadd.s32 $0xFFFFC000  }
0x135: {  	_ =	swait.ge [sflag:s7], $0x4000  }
0x136: {  	[sflag:s7] =	ssyncset.done $0x0  }
0x137: {  	s1 =	rddreg [dreg:$0x7];
	[sflag:s7] =	ssyncadd.s32 $0xFFFFC000  }
0x138: {  	[tilespmem:s6], [sflag:$0x1] =	stream.linear.gather [hbm4b:s1+s6], $0x4000, $0x38;
	[tilespmem:$0x18D00] =	vst v63  }
0x139: {  	s1 =	rddreg [dreg:$0x8]  }
0x13a: {  	[tilespmem:s24], [sflag:$0x2] =	stream.linear.gather [hbm4b:s1+s6], $0x4000, $0x38;
	[tilespmem:$0x18D00] =	vst v63  }
0x13b: {  	_ =	swait.ge [sflag:s25], $0x4000  }
0x13c: {  	[sflag:s25] =	ssyncset.done $0x0  }
0x13d: {  	[sflag:s25] =	ssyncadd.s32 $0xFFFFC000  }
0x13e: {  	_ =	swait.ge [sflag:s31], $0x4000  }
0x13f: {  	[sflag:s31] =	ssyncset.done $0x0  }
0x140: {  	[sflag:s31] =	ssyncadd.s32 $0xFFFFC000  }
0x141: {  	[hbm4b:s20+s26] =	stream.strided.scatter [tilespmem:s6], [sflag:$0x7], $0x400, s28, s26, $0x38;
	[tilespmem:$0x18D00] =	vst v63  }
0x142: {  	s6 =	sadd.s32 $0x20, s20  }
0x143: {  	[hbm4b:s6+s26] =	stream.strided.scatter [tilespmem:s16], [sflag:$0x7], $0x400, s28, s26, $0x38;
	[tilespmem:$0x18D00] =	vst v63  }
0x144: {  	s16 =	sadd.s32 $0x40, s20  }
0x145: {  	[hbm4b:s16+s26] =	stream.strided.scatter [tilespmem:s28], [sflag:$0x7], $0x400, s28, s26, $0x38;
	[tilespmem:$0x18D00] =	vst v63  }
0x146: {  	s6 =	sadd.s32 $0x60, s20  }
0x147: {  	[hbm4b:s6+s26] =	stream.strided.scatter [tilespmem:s17], [sflag:$0x7], $0x400, s28, s26, $0x38;
	[tilespmem:$0x18D00] =	vst v63  }
0x148: {  	s16 =	sadd.s32 $0x80, s20  }
0x149: {  	[hbm4b:s16+s26] =	stream.strided.scatter [tilespmem:s29], [sflag:$0x7], $0x400, s28, s26, $0x38;
	[tilespmem:$0x18D00] =	vst v63  }
0x14a: {  	s17 =	sadd.s32 $0xA0, s20  }
0x14b: {  	[hbm4b:s17+s26] =	stream.strided.scatter [tilespmem:s30], [sflag:$0x7], $0x400, s28, s26, $0x38;
	[tilespmem:$0x18D00] =	vst v63  }
0x14c: {  	s6 =	sadd.s32 $0xC0, s20;
	s16 =	simm.s32 $0x1800  }
0x14d: {  	[hbm4b:s6+s26] =	stream.strided.scatter [tilespmem:s16], [sflag:$0x7], $0x400, s28, s26, $0x38;
	[tilespmem:$0x18D00] =	vst v63  }
0x14e: {  	s17 =	sadd.s32 $0xE0, s20  }
0x14f: {  	[hbm4b:s17+s26] =	stream.strided.scatter [tilespmem:s2], [sflag:$0x7], $0x400, s28, s26, $0x38;
	[tilespmem:$0x18D00] =	vst v63  }
0x150: {  	s2 =	sadd.s32 $0x800, s20  }
0x151: {  	[hbm4b:s2+s26] =	stream.strided.scatter [tilespmem:s3], [sflag:$0x7], $0x400, s28, s26, $0x38;
	[tilespmem:$0x18D00] =	vst v63  }
0x152: {  	s3 =	sadd.s32 $0x820, s20  }
0x153: {  	[hbm4b:s3+s26] =	stream.strided.scatter [tilespmem:s4], [sflag:$0x7], $0x400, s28, s26, $0x38;
	[tilespmem:$0x18D00] =	vst v63  }
0x154: {  	s4 =	sadd.s32 $0x840, s20  }
0x155: {  	[hbm4b:s4+s26] =	stream.strided.scatter [tilespmem:s5], [sflag:$0x7], $0x400, s28, s26, $0x38;
	[tilespmem:$0x18D00] =	vst v63  }
0x156: {  	s6 =	simm.s32 $0x2C00;
	s5 =	sadd.s32 $0x860, s20  }
0x157: {  	[hbm4b:s5+s26] =	stream.strided.scatter [tilespmem:s6], [sflag:$0x7], $0x400, s28, s26, $0x38;
	[tilespmem:$0x18D00] =	vst v63  }
0x158: {  	s16 =	sadd.s32 $0x880, s20  }
0x159: {  	[hbm4b:s16+s26] =	stream.strided.scatter [tilespmem:s8], [sflag:$0x7], $0x400, s28, s26, $0x38;
	[tilespmem:$0x18D00] =	vst v63  }
0x15a: {  	s17 =	sadd.s32 $0x8A0, s20  }
0x15b: {  	[hbm4b:s17+s26] =	stream.strided.scatter [tilespmem:s9], [sflag:$0x7], $0x400, s28, s26, $0x38;
	[tilespmem:$0x18D00] =	vst v63  }
0x15c: {  	s2 =	sadd.s32 $0x8C0, s20  }
0x15d: {  	[hbm4b:s2+s26] =	stream.strided.scatter [tilespmem:s10], [sflag:$0x7], $0x400, s28, s26, $0x38;
	[tilespmem:$0x18D00] =	vst v63  }
0x15e: {  	s3 =	sadd.s32 $0x8E0, s20  }
0x15f: {  	[hbm4b:s3+s26] =	stream.strided.scatter [tilespmem:s11], [sflag:$0x7], $0x400, s28, s26, $0x38;
	[tilespmem:$0x18D00] =	vst v63  }
0x160: {  	_ = 	snop  }
0x161: {  	[hbm4b:s21+s26] =	stream.strided.scatter [tilespmem:s24], [sflag:$0x8], $0x400, s28, s26, $0x38;
	[tilespmem:$0x18D00] =	vst v63  }
0x162: {  	s4 =	sadd.s32 $0x20, s21  }
0x163: {  	[hbm4b:s4+s26] =	stream.strided.scatter [tilespmem:s22], [sflag:$0x8], $0x400, s28, s26, $0x38;
	[tilespmem:$0x18D00] =	vst v63  }
0x164: {  	s5 =	sadd.s32 $0x40, s21;
	s6 =	simm.s32 $0x4800  }
0x165: {  	[hbm4b:s5+s26] =	stream.strided.scatter [tilespmem:s6], [sflag:$0x8], $0x400, s28, s26, $0x38;
	[tilespmem:$0x18D00] =	vst v63  }
0x166: {  	s16 =	sadd.s32 $0x60, s21;
	s17 =	simm.s32 $0x4C00  }
0x167: {  	[hbm4b:s16+s26] =	stream.strided.scatter [tilespmem:s17], [sflag:$0x8], $0x400, s28, s26, $0x38;
	[tilespmem:$0x18D00] =	vst v63  }
0x168: {  	s3 =	sadd.s32 $0x80, s21;
	s4 =	simm.s32 $0x5000  }
0x169: {  	[hbm4b:s3+s26] =	stream.strided.scatter [tilespmem:s4], [sflag:$0x8], $0x400, s28, s26, $0x38;
	[tilespmem:$0x18D00] =	vst v63  }
0x16a: {  	s5 =	sadd.s32 $0xA0, s21;
	s6 =	simm.s32 $0x5400  }
0x16b: {  	[hbm4b:s5+s26] =	stream.strided.scatter [tilespmem:s6], [sflag:$0x8], $0x400, s28, s26, $0x38;
	[tilespmem:$0x18D00] =	vst v63  }
0x16c: {  	s16 =	sadd.s32 $0xC0, s21;
	s17 =	simm.s32 $0x5800  }
0x16d: {  	[hbm4b:s16+s26] =	stream.strided.scatter [tilespmem:s17], [sflag:$0x8], $0x400, s28, s26, $0x38;
	[tilespmem:$0x18D00] =	vst v63  }
0x16e: {  	s3 =	sadd.s32 $0xE0, s21;
	s4 =	simm.s32 $0x5C00  }
0x16f: {  	[hbm4b:s3+s26] =	stream.strided.scatter [tilespmem:s4], [sflag:$0x8], $0x400, s28, s26, $0x38;
	[tilespmem:$0x18D00] =	vst v63  }
0x170: {  	s5 =	sadd.s32 $0x800, s21;
	s6 =	simm.s32 $0x6000  }
0x171: {  	[hbm4b:s5+s26] =	stream.strided.scatter [tilespmem:s6], [sflag:$0x8], $0x400, s28, s26, $0x38;
	[tilespmem:$0x18D00] =	vst v63  }
0x172: {  	s16 =	sadd.s32 $0x820, s21;
	s17 =	simm.s32 $0x6400  }
0x173: {  	[hbm4b:s16+s26] =	stream.strided.scatter [tilespmem:s17], [sflag:$0x8], $0x400, s28, s26, $0x38;
	[tilespmem:$0x18D00] =	vst v63  }
0x174: {  	s3 =	sadd.s32 $0x840, s21;
	s4 =	simm.s32 $0x6800  }
0x175: {  	[hbm4b:s3+s26] =	stream.strided.scatter [tilespmem:s4], [sflag:$0x8], $0x400, s28, s26, $0x38;
	[tilespmem:$0x18D00] =	vst v63  }
0x176: {  	s5 =	sadd.s32 $0x860, s21;
	s6 =	simm.s32 $0x6C00  }
0x177: {  	[hbm4b:s5+s26] =	stream.strided.scatter [tilespmem:s6], [sflag:$0x8], $0x400, s28, s26, $0x38;
	[tilespmem:$0x18D00] =	vst v63  }
0x178: {  	s16 =	sadd.s32 $0x880, s21;
	s17 =	simm.s32 $0x7000  }
0x179: {  	[hbm4b:s16+s26] =	stream.strided.scatter [tilespmem:s17], [sflag:$0x8], $0x400, s28, s26, $0x38;
	[tilespmem:$0x18D00] =	vst v63  }
0x17a: {  	s3 =	sadd.s32 $0x8A0, s21;
	s4 =	simm.s32 $0x7400  }
0x17b: {  	[hbm4b:s3+s26] =	stream.strided.scatter [tilespmem:s4], [sflag:$0x8], $0x400, s28, s26, $0x38;
	[tilespmem:$0x18D00] =	vst v63  }
.Ltmp2:
0x17c: {  	_ = 	snop;
	(pc) =	sbr.rel @p0 .LBB2_3-.Ltmp2, $4  }
0x17d: {  	s5 =	sadd.s32 $0x8C0, s21;
	s6 =	simm.s32 $0x7800  }
0x17e: {  	[hbm4b:s5+s26] =	stream.strided.scatter [tilespmem:s6], [sflag:$0x8], $0x400, s28, s26, $0x38;
	[tilespmem:$0x18D00] =	vst v63  }
0x17f: {  	s16 =	sadd.s32 $0x8E0, s21;
	s17 =	simm.s32 $0x7C00  }
0x180: {  	[hbm4b:s16+s26] =	stream.strided.scatter [tilespmem:s17], [sflag:$0x8], $0x400, s28, s26, $0x38;
	[tilespmem:$0x18D00] =	vst v63  }
0x181: {  	s1 =	simm.s32 $0xF  }
0x182: {  	_ =	swait.ge [sflag:s1], $0x400  }
0x183: {  	[sflag:s1] =	ssyncset.done $0x0  }
0x184: {  	s6 =	simm.s32 $0x10;
	[sflag:s1] =	ssyncadd.s32 $0xFFFFFC00  }
0x185: {  	_ =	swait.ge [sflag:s6], $0x400  }
0x186: {  	[sflag:s6] =	ssyncset.done $0x0  }
0x187: {  	[sflag:s6] =	ssyncadd.s32 $0xFFFFFC00  }
0x188: {  	v0 =	vld [tilespmem:$0x18100]  }
0x189: {  	v1 =	vld [tilespmem:$0x18500]  }
0x18a: {  	v2 =	vld [tilespmem:$0x18110]  }
0x18b: {  	v3 =	vld [tilespmem:$0x18510]  }
0x18c: {  	v4 =	vld [tilespmem:$0x18120]  }
0x18d: {  	v5 =	vld [tilespmem:$0x18520]  }
0x18e: {  	v6 =	vld [tilespmem:$0x18130]  }
0x18f: {  	v7 =	vld [tilespmem:$0x18530]  }
0x190: {  	v8 =	vld [tilespmem:$0x18140]  }
0x191: {  	v9 =	vld [tilespmem:$0x18540]  }
0x192: {  	v10 =	vld [tilespmem:$0x18150]  }
0x193: {  	v11 =	vld [tilespmem:$0x18550]  }
0x194: {  	v12 =	vld [tilespmem:$0x18160]  }
0x195: {  	v13 =	vld [tilespmem:$0x18560]  }
0x196: {  	v14 =	vld [tilespmem:$0x18170]  }
0x197: {  	v15 =	vld [tilespmem:$0x18570]  }
0x198: {  	v16 =	vld [tilespmem:$0x18180]  }
0x199: {  	v17 =	vld [tilespmem:$0x18580]  }
0x19a: {  	v18 =	vld [tilespmem:$0x18190]  }
0x19b: {  	v19 =	vld [tilespmem:$0x18590]  }
0x19c: {  	v20 =	vld [tilespmem:$0x181A0]  }
0x19d: {  	v21 =	vld [tilespmem:$0x185A0]  }
0x19e: {  	v22 =	vld [tilespmem:$0x181B0]  }
0x19f: {  	v23 =	vld [tilespmem:$0x185B0]  }
0x1a0: {  	v24 =	vld [tilespmem:$0x181C0]  }
0x1a1: {  	v25 =	vld [tilespmem:$0x185C0]  }
0x1a2: {  	v26 =	vld [tilespmem:$0x181D0]  }
0x1a3: {  	v27 =	vld [tilespmem:$0x185D0]  }
0x1a4: {  	v28 =	vld [tilespmem:$0x181E0]  }
0x1a5: {  	v29 =	vld [tilespmem:$0x185E0]  }
0x1a6: {  	v30 =	vld [tilespmem:$0x181F0]  }
0x1a7: {  	v31 =	vld [tilespmem:$0x185F0]  }
0x1a8: {  	v32 =	vld [tilespmem:$0x18200]  }
0x1a9: {  	v33 =	vld [tilespmem:$0x18600]  }
0x1aa: {  	v34 =	vld [tilespmem:$0x18210]  }
0x1ab: {  	v35 =	vld [tilespmem:$0x18610]  }
0x1ac: {  	v36 =	vld [tilespmem:$0x18220]  }
0x1ad: {  	v37 =	vld [tilespmem:$0x18620]  }
0x1ae: {  	v38 =	vld [tilespmem:$0x18230]  }
0x1af: {  	v39 =	vld [tilespmem:$0x18630]  }
0x1b0: {  	v40 =	vld [tilespmem:$0x18240]  }
0x1b1: {  	v41 =	vld [tilespmem:$0x18640]  }
0x1b2: {  	v42 =	vld [tilespmem:$0x18250]  }
0x1b3: {  	v43 =	vld [tilespmem:$0x18650]  }
0x1b4: {  	v44 =	vld [tilespmem:$0x18260]  }
0x1b5: {  	v45 =	vld [tilespmem:$0x18660]  }
0x1b6: {  	v46 =	vld [tilespmem:$0x18270]  }
0x1b7: {  	v47 =	vld [tilespmem:$0x18670]  }
0x1b8: {  	v48 =	vld [tilespmem:$0x18280]  }
0x1b9: {  	v49 =	vld [tilespmem:$0x18680]  }
0x1ba: {  	v50 =	vld [tilespmem:$0x18290]  }
0x1bb: {  	v51 =	vld [tilespmem:$0x18690]  }
0x1bc: {  	v52 =	vld [tilespmem:$0x182A0]  }
0x1bd: {  	v53 =	vld [tilespmem:$0x186A0]  }
0x1be: {  	v54 =	vld [tilespmem:$0x182B0]  }
0x1bf: {  	v55 =	vld [tilespmem:$0x186B0]  }
0x1c0: {  	v56 =	vld [tilespmem:$0x182C0]  }
0x1c1: {  	v57 =	vld [tilespmem:$0x186C0]  }
0x1c2: {  	v58 =	vld [tilespmem:$0x182D0]  }
0x1c3: {  	v62 =	vld [tilespmem:$0x182F0]  }
0x1c4: {  	v59 =	vld [tilespmem:$0x186D0]  }
0x1c5: {  	v60 =	vld [tilespmem:$0x182E0]  }
0x1c6: {  	v61 =	vld [tilespmem:$0x186E0]  }
0x1c7: {  	v63 =	vld [tilespmem:$0x186F0]  }
0x1c8: {  	[tilespmem:$0x1FFA0] =	vst v62;
	v62 =	vld [tilespmem:$0x18300]  }
0x1c9: {  	v0 =	vadd.f32 v1, v0;
	v1 =	vld [tilespmem:$0x18720]  }
0x1ca: {  	v2 =	vadd.f32 v3, v2;
	v3 =	vld [tilespmem:$0x18330]  }
0x1cb: {  	v9 =	vadd.f32 v9, v8;
	v8 =	vld [tilespmem:$0x18750]  }
0x1cc: {  	v13 =	vadd.f32 v13, v12;
	v12 =	vld [tilespmem:$0x18770]  }
0x1cd: {  	v15 =	vadd.f32 v15, v14;
	v14 =	vld [tilespmem:$0x18780]  }
0x1ce: {  	v17 =	vadd.f32 v17, v16;
	v16 =	vld [tilespmem:$0x18790]  }
0x1cf: {  	v19 =	vadd.f32 v19, v18;
	v18 =	vld [tilespmem:$0x187A0]  }
0x1d0: {  	v23 =	vadd.f32 v23, v22;
	v22 =	vld [tilespmem:$0x187C0];
	[tilespmem:$0x18900] =	vst v0  }
0x1d1: {  	v25 =	vadd.f32 v25, v24;
	v24 =	vld [tilespmem:$0x187D0];
	[tilespmem:$0x18910] =	vst v2  }
0x1d2: {  	v21 =	vadd.f32 v21, v20;
	v27 =	vadd.f32 v27, v26;
	v26 =	vld [tilespmem:$0x187E0];
	[tilespmem:$0x18940] =	vst v9  }
0x1d3: {  	v31 =	vadd.f32 v31, v30;
	v30 =	vadd.f32 v45, v44;
	v45 =	vld [tilespmem:$0x18830];
	[tilespmem:$0x18960] =	vst v13  }
0x1d4: {  	v33 =	vadd.f32 v33, v32;
	v32 =	vadd.f32 v49, v48;
	v49 =	vld [tilespmem:$0x18840];
	[tilespmem:$0x18970] =	vst v15  }
0x1d5: {  	v35 =	vadd.f32 v35, v34;
	v34 =	vadd.f32 v53, v52;
	v53 =	vld [tilespmem:$0x18850];
	[tilespmem:$0x18980] =	vst v17  }
0x1d6: {  	v37 =	vadd.f32 v37, v36;
	v36 =	vadd.f32 v57, v56;
	v57 =	vld [tilespmem:$0x18860];
	[tilespmem:$0x18990] =	vst v19  }
0x1d7: {  	v0 =	vadd.f32 v5, v4;
	v4 =	vld [tilespmem:$0x18730];
	[tilespmem:$0x189A0] =	vst v21  }
0x1d8: {  	v5 =	vld [tilespmem:$0x18340];
	[tilespmem:$0x189B0] =	vst v23  }
0x1d9: {  	v29 =	vadd.f32 v29, v28;
	v9 =	vld [tilespmem:$0x18360];
	[tilespmem:$0x189C0] =	vst v25  }
0x1da: {  	v13 =	vld [tilespmem:$0x18380];
	[tilespmem:$0x189D0] =	vst v27  }
0x1db: {  	v15 =	vld [tilespmem:$0x18390];
	[tilespmem:$0x189E0] =	vst v29  }
0x1dc: {  	v17 =	vld [tilespmem:$0x183A0];
	[tilespmem:$0x189F0] =	vst v31  }
0x1dd: {  	v19 =	vld [tilespmem:$0x183B0];
	[tilespmem:$0x18A00] =	vst v33  }
0x1de: {  	v28 =	vadd.f32 v41, v40;
	[tilespmem:$0x18A10] =	vst v35;
	v21 =	vld [tilespmem:$0x183C0]  }
0x1df: {  	[tilespmem:$0x18A20] =	vst v37;
	v23 =	vld [tilespmem:$0x183D0]  }
0x1e0: {  	[tilespmem:$0x18A40] =	vst v28;
	v25 =	vld [tilespmem:$0x183E0]  }
0x1e1: {  	[tilespmem:$0x18A60] =	vst v30;
	v28 =	vld [tilespmem:$0x187F0]  }
0x1e2: {  	[tilespmem:$0x18A80] =	vst v32;
	v30 =	vld [tilespmem:$0x18800]  }
0x1e3: {  	[tilespmem:$0x18AA0] =	vst v34;
	v32 =	vld [tilespmem:$0x18810]  }
0x1e4: {  	v27 =	vadd.f32 v39, v38;
	[tilespmem:$0x18AC0] =	vst v36;
	v39 =	vld [tilespmem:$0x1FFA0]  }
0x1e5: {  	v34 =	vld [tilespmem:$0x18820];
	[tilespmem:$0x18920] =	vst v0  }
0x1e6: {  	v29 =	vadd.f32 v43, v42;
	v31 =	vadd.f32 v47, v46;
	v47 =	vld [tilespmem:$0x18440];
	[tilespmem:$0x18A30] =	vst v27  }
0x1e7: {  	[tilespmem:$0x1FFB0] =	vst v62;
	v62 =	vld [tilespmem:$0x18700]  }
0x1e8: {  	v33 =	vadd.f32 v51, v50;
	v51 =	vld [tilespmem:$0x18450];
	[tilespmem:$0x18A50] =	vst v29  }
0x1e9: {  	v35 =	vadd.f32 v55, v54;
	v55 =	vld [tilespmem:$0x18460];
	[tilespmem:$0x18A70] =	vst v31  }
0x1ea: {  	v37 =	vadd.f32 v59, v58;
	v59 =	vld [tilespmem:$0x18470];
	[tilespmem:$0x18A90] =	vst v33  }
0x1eb: {  	v38 =	vadd.f32 v61, v60;
	v61 =	vld [tilespmem:$0x18870];
	[tilespmem:$0x18AB0] =	vst v35  }
0x1ec: {  	[tilespmem:$0x1FFC0] =	vst v62;
	v62 =	vld [tilespmem:$0x18310]  }
0x1ed: {  	v27 =	vld [tilespmem:$0x183F0];
	[tilespmem:$0x18AD0] =	vst v37;
	v2 =	vadd.f32 v63, v39  }
0x1ee: {  	v29 =	vld [tilespmem:$0x18400];
	[tilespmem:$0x18AE0] =	vst v38;
	v46 =	vadd.f32 v4, v3  }
0x1ef: {  	v31 =	vld [tilespmem:$0x18410];
	[tilespmem:$0x18AF0] =	vst v2  }
0x1f0: {  	v33 =	vld [tilespmem:$0x18420];
	v56 =	vadd.f32 v14, v13;
	[tilespmem:$0x18B30] =	vst v46  }
0x1f1: {  	v58 =	vadd.f32 v16, v15;
	[tilespmem:$0x1FFD0] =	vst v62;
	v62 =	vld [tilespmem:$0x18710]  }
0x1f2: {  	v35 =	vld [tilespmem:$0x18430];
	v60 =	vadd.f32 v18, v17;
	[tilespmem:$0x18B80] =	vst v56  }
0x1f3: {  	v37 =	vld [tilespmem:$0x184A0];
	v21 =	vadd.f32 v22, v21;
	[tilespmem:$0x18B90] =	vst v58  }
0x1f4: {  	v40 =	vld [tilespmem:$0x1FFB0];
	[tilespmem:$0x18BA0] =	vst v60  }
0x1f5: {  	v23 =	vadd.f32 v24, v23;
	[tilespmem:$0x18BC0] =	vst v21;
	v41 =	vld [tilespmem:$0x1FFC0]  }
0x1f6: {  	v25 =	vadd.f32 v26, v25;
	[tilespmem:$0x1FFE0] =	vst v62;
	v62 =	vld [tilespmem:$0x18320]  }
0x1f7: {  	[tilespmem:$0x18BD0] =	vst v23;
	v36 =	vadd.f32 v28, v27;
	v42 =	vld [tilespmem:$0x1FFD0]  }
0x1f8: {  	[tilespmem:$0x18BE0] =	vst v25;
	v38 =	vadd.f32 v30, v29;
	v43 =	vld [tilespmem:$0x1FFE0]  }
0x1f9: {  	v63 =	vld [tilespmem:$0x18480];
	[tilespmem:$0x18BF0] =	vst v36  }
0x1fa: {  	v22 =	vld [tilespmem:$0x18880];
	[tilespmem:$0x18C00] =	vst v38;
	v0 =	vadd.f32 v41, v40  }
0x1fb: {  	v40 =	vadd.f32 v32, v31;
	[tilespmem:$0x1FFF0] =	vst v62;
	v62 =	vadd.f32 v7, v6;
	v6 =	vld [tilespmem:$0x18740]  }
0x1fc: {  	[tilespmem:$0x18B00] =	vst v0;
	v7 =	vld [tilespmem:$0x18350]  }
0x1fd: {  	[tilespmem:$0x18C10] =	vst v40;
	v2 =	vadd.f32 v43, v42;
	v44 =	vld [tilespmem:$0x1FFF0]  }
0x1fe: {  	v24 =	vld [tilespmem:$0x18490];
	v42 =	vadd.f32 v34, v33;
	[tilespmem:$0x18930] =	vst v62  }
0x1ff: {  	v26 =	vld [tilespmem:$0x18890];
	v62 =	vadd.f32 v11, v10;
	[tilespmem:$0x18B10] =	vst v2  }
0x200: {  	v39 =	vld [tilespmem:$0x188A0];
	[tilespmem:$0x18C20] =	vst v42;
	v48 =	vadd.f32 v6, v5  }
0x201: {  	v46 =	vld [tilespmem:$0x188C0];
	[tilespmem:$0x18950] =	vst v62;
	v50 =	vadd.f32 v8, v7  }
0x202: {  	v56 =	vld [tilespmem:$0x184F0];
	v0 =	vadd.f32 v1, v44;
	[tilespmem:$0x18B40] =	vst v48  }
0x203: {  	v58 =	vld [tilespmem:$0x188F0];
	v1 =	vadd.f32 v45, v35;
	[tilespmem:$0x18B50] =	vst v50  }
0x204: {  	v41 =	vld [tilespmem:$0x184B0];
	v45 =	vadd.f32 v49, v47;
	[tilespmem:$0x18B20] =	vst v0  }
0x205: {  	v10 =	vld [tilespmem:$0x18760];
	v47 =	vadd.f32 v53, v51;
	[tilespmem:$0x18C30] =	vst v1  }
0x206: {  	v11 =	vld [tilespmem:$0x18370];
	v49 =	vadd.f32 v57, v55;
	[tilespmem:$0x18C40] =	vst v45  }
0x207: {  	v43 =	vld [tilespmem:$0x188B0];
	v51 =	vadd.f32 v61, v59;
	[tilespmem:$0x18C50] =	vst v47  }
0x208: {  	v62 =	vld [tilespmem:$0x187B0];
	v53 =	vadd.f32 v22, v63;
	[tilespmem:$0x18C60] =	vst v49  }
0x209: {  	v44 =	vld [tilespmem:$0x184C0];
	v55 =	vadd.f32 v26, v24;
	[tilespmem:$0x18C70] =	vst v51  }
0x20a: {  	v52 =	vadd.f32 v10, v9;
	v48 =	vld [tilespmem:$0x184D0];
	[tilespmem:$0x18C80] =	vst v53  }
0x20b: {  	v54 =	vadd.f32 v12, v11;
	v50 =	vld [tilespmem:$0x188D0];
	[tilespmem:$0x18C90] =	vst v55  }
0x20c: {  	v57 =	vadd.f32 v39, v37;
	[tilespmem:$0x18B60] =	vst v52;
	v52 =	vld [tilespmem:$0x184E0]  }
0x20d: {  	v59 =	vadd.f32 v43, v41;
	[tilespmem:$0x18B70] =	vst v54;
	v54 =	vld [tilespmem:$0x188E0]  }
0x20e: {  	v63 =	vadd.f32 v58, v56;
	[tilespmem:$0x18CA0] =	vst v57  }
0x20f: {  	[tilespmem:$0x18CB0] =	vst v59;
	v62 =	vadd.f32 v62, v19  }
0x210: {  	[tilespmem:$0x18CF0] =	vst v63;
	v60 =	vadd.f32 v46, v44  }
0x211: {  	[tilespmem:$0x18BB0] =	vst v62;
	v61 =	vadd.f32 v50, v48  }
0x212: {  	[tilespmem:$0x18CC0] =	vst v60;
	v62 =	vadd.f32 v54, v52  }
0x213: {  	s2 =	simm.s32 $0x100;
	s3 =	simm.s32 $0x18900;
	[tilespmem:$0x18CD0] =	vst v61  }
.Ltmp3:
0x214: {  	s17 =	simm.s32 $0x11;
	s16 =	rddreg [dreg:$0x9];
	[tilespmem:$0x18CE0] =	vst v62;
	(pc) =	sbr.rel .LBB2_3-.Ltmp3, $4  }
0x215: {  	[hbm4b:s16+s26] =	stream.strided.scatter [tilespmem:s3], [sflag:$0x11], $0x400, s2, s26, $0x38;
	[tilespmem:$0x18D00] =	vst v63  }
0x216: {  	_ =	swait.ge [sflag:s17], $0x400  }
0x217: {  	[sflag:s17] =	ssyncset.done $0x0  }
0x218: {  	[sflag:s17] =	ssyncadd.s32 $0xFFFFFC00  }
.LBB2_4:
0x219: {  	_ =	sfence.sel $0x180000  }
0x21a: {  	[bflag:$0x0] =	sbarrier.arrive $0xFFFF  }
0x21b: {  	_ =	strace $0x90000047  }
0x21c: {  	[bflag:$0x2] =	sbarrier.arrive $0xFFFF  }
0x21d: {  	s0 =	rddreg [dreg:$0x6]  }
0x21e: {  	s0 =	sadd.s32 @!p0 $0x100000, s0  }
0x21f: {  	[sflag:s0] =	ssyncadd.tile.s32 @!p0 $0x1;
	_ =	shalt  }
.Lfunc_end2:
_tile_overlayer_lowered:
.L_overlay_start_2:
0x220: {  	(tag) =	ssettag $0x2  }
0x221: {  	s0 =	rddreg [dreg:$0x0];
	s2 =	stileid.u32  }
0x222: {  	s1 =	rddreg [dreg:$0x1];
	p0 =	sne.s32 s2, $0x0  }
0x223: {  	s3 =	rddreg [dreg:$0x2];
	[bflag:$0x3] =	sbarrier.arrive $0xFFFF;
	s2 =	simm.s32 @!p0 $0x1C11  }
0x224: {  	[timem:s3], [sflag:s2] =	dma.local @!p0 [hbm:s0], s1  }
0x225: {  	s0 =	simm.s32 @!p0 $0x11  }
0x226: {  	_ =	swait.ge @!p0 [sflag:s0], s1  }
0x227: {  	s1 =	ssub.s32 @!p0 $0x0, s1;
	[sflag:s0] =	ssyncset.done @!p0 $0x0  }
0x228: {  	[sflag:s0] =	ssyncadd.s32 @!p0 s1  }
0x229: {  	[bflag:$0x3] =	sbarrier.arrive $0xFFFF  }
0x22a: {  	_ =	shalt  }

</sc_bundles>
